<compile_context>
chip_gen: v7x
topology: tpu7x:2x2x1
jax: 0.10.2.dev20260603
libtpu: 0.0.44.dev20260713+nightly
codegen_flags: <defaults>
</compile_context>

<pallas_src>
import functools

import jax
import jax.numpy as jnp
from jax import lax
from jax.experimental import pallas as pl
from jax.experimental.pallas import tpu as pltpu
from jax.experimental.pallas import tpu_sc as plsc

NC, NS = 2, 16
NW = NC * NS
CW = 16
EK = 80

def _sc_mesh():
    return plsc.VectorSubcoreMesh(
        core_axis_name="c", subcore_axis_name="s",
        num_cores=NC, num_subcores=NS)

_HIGH = lax.Precision.HIGHEST


CH = 200


def _sc_degree_counts(dst, n_nodes):
    e = dst.shape[0]
    per_w = e // NW
    nb = per_w // EK
    half = nb // 2
    n_ch = n_nodes // CH
    jmax = (n_ch + NS - 1) // NS

    @functools.partial(
        pl.kernel,
        out_type=jax.ShapeDtypeStruct((NC, n_nodes, CW), jnp.float32),
        mesh=_sc_mesh(),
        scratch_types=[
            pltpu.VMEM_SHARED((n_nodes, CW), jnp.float32),
            pltpu.VMEM((CH, CW), jnp.float32),
            pltpu.VMEM((EK, CW), jnp.float32),
            pltpu.VMEM((EK,), jnp.int32),
            pltpu.VMEM((EK,), jnp.int32),
            pltpu.SemaphoreType.DMA,
            pltpu.SemaphoreType.DMA,
        ],
    )
    def k(dst_hbm, out_hbm, acc, zbuf, ones, didx0, didx1, dsem0, dsem1):
        cid = lax.axis_index("c")
        sid = lax.axis_index("s")
        wid = sid * NC + cid
        zv = jnp.zeros((16,), jnp.float32)
        ov = jnp.ones((16,), jnp.float32)

        def fill_z(i, _):
            zbuf[i, pl.ds(0, 16)] = zv
            return 0

        lax.fori_loop(0, CH, fill_z, 0)

        def fill_o(i, _):
            ones[i, pl.ds(0, 16)] = ov
            return 0

        lax.fori_loop(0, EK, fill_o, 0)

        def zero_chunk(j, _):
            t = sid + j * NS

            @pl.when(t < n_ch)
            def _():
                pltpu.sync_copy(zbuf, acc.at[pl.ds(t * CH, CH)])

            return 0

        lax.fori_loop(0, jmax, zero_chunk, 0)
        plsc.subcore_barrier()

        base = wid * per_w

        def dsl(c):
            return dst_hbm.at[pl.ds(base + c * EK, EK)]

        def idrain(buf, sem):
            pltpu.make_async_copy(dst_hbm.at[pl.ds(0, EK)], buf, sem).wait()

        pltpu.async_copy(dsl(0), didx0, dsem0)
        pltpu.async_copy(dsl(1), didx1, dsem1)

        def pair(cc, _):
            c0 = 2 * cc
            idrain(didx0, dsem0)
            pltpu.sync_copy(ones, acc.at[didx0], add=True)
            pltpu.async_copy(dsl(c0 + 2), didx0, dsem0)
            idrain(didx1, dsem1)
            pltpu.sync_copy(ones, acc.at[didx1], add=True)

            @pl.when(cc < half - 1)
            def _():
                pltpu.async_copy(dsl(c0 + 3), didx1, dsem1)

            return 0

        lax.fori_loop(0, half, pair, 0)
        idrain(didx0, dsem0)
        pltpu.sync_copy(ones, acc.at[didx0], add=True)
        plsc.subcore_barrier()

        def wb(j, _):
            t = sid + j * NS

            @pl.when(t < n_ch)
            def _():
                sl = pl.ds(t * CH, CH)
                pltpu.sync_copy(acc.at[sl], zbuf)
                pltpu.sync_copy(zbuf, out_hbm.at[cid, sl])

            return 0

        lax.fori_loop(0, jmax, wb, 0)

    return k(dst)


def _sc_edge_agg(p, src, dst):
    n, d = p.shape
    e = src.shape[0]
    per_w = e // NW
    nb = per_w // EK
    half = nb // 2
    n_zc = n // EK
    jmax = (n_zc + NS - 1) // NS

    @functools.partial(
        pl.kernel,
        out_type=jax.ShapeDtypeStruct((NC, n, d), jnp.float32),
        mesh=_sc_mesh(),
        scratch_types=[
            pltpu.VMEM_SHARED((n, d), jnp.float32),
            pltpu.VMEM((EK,), jnp.int32),
            pltpu.VMEM((EK,), jnp.int32),
            pltpu.VMEM((EK,), jnp.int32),
            pltpu.VMEM((EK,), jnp.int32),
            pltpu.VMEM((EK, d), jnp.float32),
            pltpu.VMEM((EK, d), jnp.float32),
            pltpu.SemaphoreType.DMA,
            pltpu.SemaphoreType.DMA,
            pltpu.SemaphoreType.DMA,
            pltpu.SemaphoreType.DMA,
            pltpu.SemaphoreType.DMA,
            pltpu.SemaphoreType.DMA,
        ],
    )
    def k(p_hbm, src_hbm, dst_hbm, out_hbm, acc, sidx0, sidx1, didx0, didx1,
          rows0, rows1, g0, g1, si0, si1, di0, di1):
        cid = lax.axis_index("c")
        sid = lax.axis_index("s")
        wid = sid * NC + cid
        zv = jnp.zeros((16,), jnp.float32)

        def fill_z(i, _):
            def col(j, _):
                rows0[i, pl.ds(j * 16, 16)] = zv
                return 0

            lax.fori_loop(0, d // 16, col, 0)
            return 0

        lax.fori_loop(0, EK, fill_z, 0)

        def zero_chunk(j, _):
            t = sid + j * NS

            @pl.when(t < n_zc)
            def _():
                pltpu.sync_copy(rows0, acc.at[pl.ds(t * EK, EK)])

            return 0

        lax.fori_loop(0, jmax, zero_chunk, 0)
        plsc.subcore_barrier()

        base = wid * per_w

        def ssl(c):
            return src_hbm.at[pl.ds(base + c * EK, EK)]

        def dsl(c):
            return dst_hbm.at[pl.ds(base + c * EK, EK)]

        def idrain(buf, sem):
            pltpu.make_async_copy(src_hbm.at[pl.ds(0, EK)], buf, sem).wait()

        def gdrain(buf, sem):
            pltpu.make_async_copy(p_hbm.at[pl.ds(0, EK)], buf, sem).wait()

        pltpu.async_copy(ssl(0), sidx0, si0)
        pltpu.async_copy(dsl(0), didx0, di0)
        pltpu.async_copy(ssl(1), sidx1, si1)
        pltpu.async_copy(dsl(1), didx1, di1)
        idrain(sidx0, si0)
        pltpu.async_copy(p_hbm.at[sidx0], rows0, g0)
        idrain(sidx1, si1)
        pltpu.async_copy(p_hbm.at[sidx1], rows1, g1)

        def pair(cc, _):
            c0 = 2 * cc
            gdrain(rows0, g0)
            pltpu.async_copy(ssl(c0 + 2), sidx0, si0)
            idrain(didx0, di0)
            pltpu.sync_copy(rows0, acc.at[didx0], add=True)
            idrain(sidx0, si0)
            pltpu.async_copy(p_hbm.at[sidx0], rows0, g0)
            pltpu.async_copy(dsl(c0 + 2), didx0, di0)
            gdrain(rows1, g1)

            @pl.when(cc < half - 1)
            def _():
                pltpu.async_copy(ssl(c0 + 3), sidx1, si1)

            idrain(didx1, di1)
            pltpu.sync_copy(rows1, acc.at[didx1], add=True)

            @pl.when(cc < half - 1)
            def _():
                idrain(sidx1, si1)
                pltpu.async_copy(p_hbm.at[sidx1], rows1, g1)
                pltpu.async_copy(dsl(c0 + 3), didx1, di1)

            return 0

        lax.fori_loop(0, half, pair, 0)
        gdrain(rows0, g0)
        idrain(didx0, di0)
        pltpu.sync_copy(rows0, acc.at[didx0], add=True)
        plsc.subcore_barrier()

        def wb(j, _):
            t = sid + j * NS

            @pl.when(t < n_zc)
            def _():
                sl = pl.ds(t * EK, EK)
                pltpu.sync_copy(acc.at[sl], rows0)
                pltpu.sync_copy(rows0, out_hbm.at[cid, sl])

            return 0

        lax.fori_loop(0, jmax, wb, 0)

    return k(p, src, dst)


def _tc_prep(x, W_c1, smiles, W_s1, b_s1, W_s2, b_s2):
    n, d = x.shape
    bn = 1000
    nb = n // bn
    bs, ss = smiles.shape
    h = W_s1.shape[1]

    def body(x_ref, w_ref, sm_ref, ws1_ref, bs1_ref, ws2_ref,
             bs2_ref, q_ref, s_ref):
        i = pl.program_id(0)
        q_ref[...] = jnp.dot(x_ref[...], w_ref[...],
                             preferred_element_type=jnp.float32,
                             precision=_HIGH)

        @pl.when(i == 0)
        def _():
            t = jnp.maximum(
                jnp.dot(sm_ref[...], ws1_ref[...],
                        preferred_element_type=jnp.float32,
                        precision=_HIGH) + bs1_ref[...], 0.0)
            s_ref[...] = jnp.dot(t, ws2_ref[...],
                                 preferred_element_type=jnp.float32,
                                 precision=_HIGH) + bs2_ref[...]

    return pl.pallas_call(
        body,
        grid=(nb,),
        in_specs=[
            pl.BlockSpec((bn, d), lambda i: (i, 0)),
            pl.BlockSpec((d, d), lambda i: (0, 0)),
            pl.BlockSpec((bs, ss), lambda i: (0, 0)),
            pl.BlockSpec((ss, h), lambda i: (0, 0)),
            pl.BlockSpec((1, h), lambda i: (0, 0)),
            pl.BlockSpec((h, h), lambda i: (0, 0)),
            pl.BlockSpec((1, h), lambda i: (0, 0)),
        ],
        out_specs=[
            pl.BlockSpec((bn, d), lambda i: (i, 0)),
            pl.BlockSpec((bs, h), lambda i: (0, 0)),
        ],
        out_shape=[
            jax.ShapeDtypeStruct((n, d), jnp.float32),
            jax.ShapeDtypeStruct((bs, h), jnp.float32),
        ],
    )(x, W_c1, smiles, W_s1, b_s1, W_s2, b_s2)


def _tc_scale(q, cnt):
    n, d = q.shape
    bn = 1000
    nb = n // bn

    def body(q_ref, cnt_ref, p_ref):
        deg = cnt_ref[0, :, 0:1] + cnt_ref[1, :, 0:1] + 1.0
        p_ref[...] = q_ref[...] * lax.rsqrt(deg)

    return pl.pallas_call(
        body,
        grid=(nb,),
        in_specs=[
            pl.BlockSpec((bn, d), lambda i: (i, 0)),
            pl.BlockSpec((NC, bn, CW), lambda i: (0, i, 0)),
        ],
        out_specs=pl.BlockSpec((bn, d), lambda i: (i, 0)),
        out_shape=jax.ShapeDtypeStruct((n, d), jnp.float32),
    )(q, cnt)


def _tc_mid(agg, p1, cnt, b_c1, W_c2):
    _, n, d = agg.shape
    bn = 1000
    nb = n // bn

    def body(agg_ref, p_ref, cnt_ref, b_ref, w_ref, o_ref):
        deg = cnt_ref[0, :, 0:1] + cnt_ref[1, :, 0:1] + 1.0
        dinv = lax.rsqrt(deg)
        h1 = jnp.maximum(
            dinv * (agg_ref[0] + agg_ref[1] + p_ref[...]) + b_ref[...], 0.0)
        o_ref[...] = jnp.dot(h1, w_ref[...],
                             preferred_element_type=jnp.float32,
                             precision=_HIGH) * dinv

    return pl.pallas_call(
        body,
        grid=(nb,),
        in_specs=[
            pl.BlockSpec((NC, bn, d), lambda i: (0, i, 0)),
            pl.BlockSpec((bn, d), lambda i: (i, 0)),
            pl.BlockSpec((NC, bn, CW), lambda i: (0, i, 0)),
            pl.BlockSpec((1, d), lambda i: (0, 0)),
            pl.BlockSpec((d, d), lambda i: (0, 0)),
        ],
        out_specs=pl.BlockSpec((bn, d), lambda i: (i, 0)),
        out_shape=jax.ShapeDtypeStruct((n, d), jnp.float32),
    )(agg, p1, cnt, b_c1, W_c2)


def _tc_final(agg, p2, cnt, b_c2, batch3, s, W_fs, W_fg, b_f, W_o_pad,
              b_o_pad):
    _, n, d = agg.shape
    bn = 1000
    nb = n // bn
    bs = s.shape[0]

    def body(agg_ref, p_ref, cnt_ref, b_ref, bat_ref, s_ref, wfs_ref,
             wfg_ref, bf_ref, wo_ref, bo_ref, o_ref, gsum, cntv):
        i = pl.program_id(0)

        @pl.when(i == 0)
        def _():
            gsum[...] = jnp.zeros_like(gsum)
            cntv[...] = jnp.zeros_like(cntv)

        deg = cnt_ref[0, :, 0:1] + cnt_ref[1, :, 0:1] + 1.0
        dinv = lax.rsqrt(deg)
        h2 = jnp.maximum(
            dinv * (agg_ref[0] + agg_ref[1] + p_ref[...]) + b_ref[...], 0.0)
        bvals = bat_ref[0]
        biota = lax.broadcasted_iota(jnp.int32, (bs, bn), 0)
        mask = (biota == bvals).astype(jnp.float32)
        gsum[...] += jnp.dot(mask, h2, preferred_element_type=jnp.float32,
                             precision=_HIGH)
        cntv[...] += jnp.sum(mask, axis=1, keepdims=True)

        @pl.when(i == nb - 1)
        def _():
            g = gsum[...] / jnp.maximum(cntv[...], 1.0)
            fused = jnp.maximum(
                jnp.dot(s_ref[...], wfs_ref[...],
                        preferred_element_type=jnp.float32, precision=_HIGH)
                + jnp.dot(g, wfg_ref[...],
                          preferred_element_type=jnp.float32, precision=_HIGH)
                + bf_ref[...], 0.0)
            o_ref[...] = jnp.dot(fused, wo_ref[...],
                                 preferred_element_type=jnp.float32,
                                 precision=_HIGH) + bo_ref[...]

    h = W_fs.shape[1]
    return pl.pallas_call(
        body,
        grid=(nb,),
        in_specs=[
            pl.BlockSpec((NC, bn, d), lambda i: (0, i, 0)),
            pl.BlockSpec((bn, d), lambda i: (i, 0)),
            pl.BlockSpec((NC, bn, CW), lambda i: (0, i, 0)),
            pl.BlockSpec((1, d), lambda i: (0, 0)),
            pl.BlockSpec((1, 1, bn), lambda i: (i, 0, 0)),
            pl.BlockSpec((bs, h), lambda i: (0, 0)),
            pl.BlockSpec((h, h), lambda i: (0, 0)),
            pl.BlockSpec((h, h), lambda i: (0, 0)),
            pl.BlockSpec((1, h), lambda i: (0, 0)),
            pl.BlockSpec((h, h), lambda i: (0, 0)),
            pl.BlockSpec((1, h), lambda i: (0, 0)),
        ],
        out_specs=pl.BlockSpec((bs, h), lambda i: (0, 0)),
        out_shape=jax.ShapeDtypeStruct((bs, h), jnp.float32),
        scratch_shapes=[
            pltpu.VMEM((bs, h), jnp.float32),
            pltpu.VMEM((bs, 1), jnp.float32),
        ],
    )(agg, p2, cnt, b_c2, batch3, s, W_fs, W_fg, b_f, W_o_pad, b_o_pad)


def kernel(smiles_input, x, edge_index, batch, W_s1, b_s1, W_s2, b_s2,
           W_c1, b_c1, W_c2, b_c2, W_f, b_f, W_o, b_o):
    n, d = x.shape
    src = edge_index[0]
    dst = edge_index[1]
    h = W_s1.shape[1]
    c_out = W_o.shape[1]

    q, s = _tc_prep(x, W_c1, smiles_input,
                    W_s1, b_s1.reshape(1, -1), W_s2, b_s2.reshape(1, -1))
    cnt = _sc_degree_counts(dst, n)
    p1 = _tc_scale(q, cnt)
    agg1 = _sc_edge_agg(p1, src, dst)
    p2 = _tc_mid(agg1, p1, cnt, b_c1.reshape(1, -1), W_c2)
    agg2 = _sc_edge_agg(p2, src, dst)

    bn = 1000
    batch3 = batch.reshape(n // bn, 1, bn)
    W_o_pad = jnp.pad(W_o, ((0, 0), (0, h - c_out)))
    b_o_pad = jnp.pad(b_o, (0, h - c_out)).reshape(1, -1)
    outp = _tc_final(agg2, p2, cnt, b_c2.reshape(1, -1), batch3, s,
                     W_f[:h], W_f[h:], b_f.reshape(1, -1), W_o_pad, b_o_pad)
    return outp[:, :c_out]

# --- scband reference (transcript-rebuilt; emitter-appended) ---
"""Pipeline reference for scband-mol-fusion-20761871909702 (READ-ONLY COPY).

The authoritative reference and input builder live on the scoring server;
editing this copy changes nothing except your own understanding.
"""

import jax, jax.numpy as jnp
import numpy as np

N = 10000
E = 320000
D = 128
H = 128
B = 256
S = 256
C = 12


def setup_inputs(seed: int = 0) -> dict:
    key = jax.random.key(seed)
    ks = jax.random.split(key, 20)
    smiles_input = jax.random.normal(ks[0], (B, S), dtype=jnp.float32)
    x = jax.random.normal(ks[1], (N, D), dtype=jnp.float32)
    edge_index = jax.random.randint(ks[2], (2, E), 0, N, dtype=jnp.int32)
    batch = jnp.sort(jax.random.randint(ks[3], (N,), 0, B, dtype=jnp.int32))
    def lin(k, fan_in, fan_out):
        bound = 1.0 / np.sqrt(fan_in)
        kw, kb = jax.random.split(k)
        W = jax.random.uniform(kw, (fan_in, fan_out), jnp.float32, -bound, bound)
        b = jax.random.uniform(kb, (fan_out,), jnp.float32, -bound, bound)
        return W, b
    W_s1, b_s1 = lin(ks[4], S, H)
    W_s2, b_s2 = lin(ks[5], H, H)
    W_c1, b_c1 = lin(ks[6], D, H)
    W_c2, b_c2 = lin(ks[7], H, H)
    W_f, b_f = lin(ks[8], 2 * H, H)
    W_o, b_o = lin(ks[9], H, C)
    return {
        "smiles_input": smiles_input, "x": x, "edge_index": edge_index, "batch": batch,
        "W_s1": W_s1, "b_s1": b_s1, "W_s2": W_s2, "b_s2": b_s2,
        "W_c1": W_c1, "b_c1": b_c1, "W_c2": W_c2, "b_c2": b_c2,
        "W_f": W_f, "b_f": b_f, "W_o": W_o, "b_o": b_o,
    }


def gcn_conv(x, edge_index, W, b):
    # Faithful PyG GCNConv: linear transform, add self-loops, symmetric normalization, scatter-add
    n = x.shape[0]
    h = x @ W
    loop = jnp.arange(n, dtype=edge_index.dtype)
    src = jnp.concatenate([edge_index[0], loop])
    dst = jnp.concatenate([edge_index[1], loop])
    deg = jnp.zeros((n,), dtype=h.dtype).at[dst].add(1.0)
    dinv = jnp.where(deg > 0, jax.lax.rsqrt(deg), 0.0)
    norm = dinv[src] * dinv[dst]
    msgs = h[src] * norm[:, None]
    out = jnp.zeros_like(h).at[dst].add(msgs)
    return out + b


def reference(smiles_input, x, edge_index, batch, W_s1, b_s1, W_s2, b_s2,
              W_c1, b_c1, W_c2, b_c2, W_f, b_f, W_o, b_o):
    # SMILES encoder
    s = jax.nn.relu(smiles_input @ W_s1 + b_s1)
    s = s @ W_s2 + b_s2
    # GCN encoder
    h = jax.nn.relu(gcn_conv(x, edge_index, W_c1, b_c1))
    h = jax.nn.relu(gcn_conv(h, edge_index, W_c2, b_c2))
    # global mean pool over graphs
    sums = jax.ops.segment_sum(h, batch, num_segments=B)
    counts = jax.ops.segment_sum(jnp.ones((h.shape[0],), dtype=h.dtype), batch, num_segments=B)
    g = sums / jnp.maximum(counts, 1.0)[:, None]
    combined = jnp.concatenate([s, g], axis=1)
    fused = jax.nn.relu(combined @ W_f + b_f)
    return fused @ W_o + b_o

if __name__ == "__main__":
    import jax
    _d = setup_inputs()
    print(jax.jit(kernel)(*tuple(_d.values())))

</pallas_src>

<mosaic_0001>
#map = affine_map<(d0, d1) -> (0)>
#map1 = affine_map<(d0, d1) -> (0, 0, 0)>
module attributes {stable_mosaic.version = 14 : i64} {
  func.func @k(%arg0: i32, %arg1: i32, %arg2: memref<320000xi32, #tpu.memory_space<hbm>>, %arg3: memref<2x10000x16xf32, #tpu.memory_space<hbm>>, %arg4: memref<10000x16xf32, #tpu.memory_space<vmem_shared>>, %arg5: memref<200x16xf32, #tpu.memory_space<vmem>>, %arg6: memref<80x16xf32, #tpu.memory_space<vmem>>, %arg7: memref<80xi32, #tpu.memory_space<vmem>>, %arg8: memref<80xi32, #tpu.memory_space<vmem>>, %arg9: memref<!tpu.dma_semaphore, #tpu.memory_space<semaphore_mem>>, %arg10: memref<!tpu.dma_semaphore, #tpu.memory_space<semaphore_mem>>) attributes {dimension_semantics = [#tpu.dimension_semantics<core_parallel>, #tpu.dimension_semantics<subcore_parallel>], iteration_bounds = array<i64: 2, 16>, scalar_prefetch = 0 : i64, scratch_operands = 7 : i64, tpu.core_type = #tpu.core_type<sc_vector_subcore>, window_params = [{transform_indices = #map}, {transform_indices = #map1}]} {
    %mul3A = arith.constant 2 : i32
    %mul3A_0 = arith.muli %arg1, %mul3A : i32
    %add3A = arith.addi %mul3A_0, %arg0 : i32
    %broadcast_in_dim3A = arith.constant 0.000000e+00 : f32
    %broadcast_in_dim3A_1 = vector.broadcast %broadcast_in_dim3A : f32 to vector<16xf32>
    %broadcast_in_dim3A_2 = arith.constant 1.000000e+00 : f32
    %broadcast_in_dim3A_3 = vector.broadcast %broadcast_in_dim3A_2 : f32 to vector<16xf32>
    %scan3A = arith.constant 0 : i32
    %scan3A_4 = arith.constant 0 : i32
    %scan3A_5 = arith.constant 200 : i32
    %scan3A_6 = arith.addi %scan3A_4, %scan3A_5 : i32
    %scan3A_7 = arith.constant 1 : i32
    %scan3A_8 = scf.for %scan3A_51 = %scan3A_4 to %scan3A_6 step %scan3A_7 iter_args(%scan3A_52 = %scan3A) -> (i32)  : i32 {
      %swap3A = arith.index_cast %scan3A_51 : i32 to index
      %swap3A_53 = arith.constant 0 : index
      %swap3A_54 = tpu.vector_load %arg5[%swap3A, %swap3A_53] {strides = array<i32>} : memref<200x16xf32, #tpu.memory_space<vmem>>, vector<1x16xf32>,
      %swap3A_55 = vector.shape_cast %swap3A_54 : vector<1x16xf32> to vector<16xf32>
      %swap3A_56 = vector.shape_cast %broadcast_in_dim3A_1 : vector<16xf32> to vector<1x16xf32>
      tpu.vector_store %arg5[%swap3A, %swap3A_53], %swap3A_56 {strides = array<i32>} : memref<200x16xf32, #tpu.memory_space<vmem>>, vector<1x16xf32>,
      %scan3A_57 = arith.constant 0 : i32
      scf.yield %scan3A_57 : i32
    }
    %scan3A_9 = arith.constant 200 : i32
    %scan3A_10 = arith.constant 0 : i32
    %scan3A_11 = arith.constant 0 : i32
    %scan3A_12 = arith.constant 80 : i32
    %scan3A_13 = arith.addi %scan3A_11, %scan3A_12 : i32
    %scan3A_14 = arith.constant 1 : i32
    %scan3A_15 = scf.for %scan3A_51 = %scan3A_11 to %scan3A_13 step %scan3A_14 iter_args(%scan3A_52 = %scan3A_10) -> (i32)  : i32 {
      %swap3A = arith.index_cast %scan3A_51 : i32 to index
      %swap3A_53 = arith.constant 0 : index
      %swap3A_54 = tpu.vector_load %arg6[%swap3A, %swap3A_53] {strides = array<i32>} : memref<80x16xf32, #tpu.memory_space<vmem>>, vector<1x16xf32>,
      %swap3A_55 = vector.shape_cast %swap3A_54 : vector<1x16xf32> to vector<16xf32>
      %swap3A_56 = vector.shape_cast %broadcast_in_dim3A_3 : vector<16xf32> to vector<1x16xf32>
      tpu.vector_store %arg6[%swap3A, %swap3A_53], %swap3A_56 {strides = array<i32>} : memref<80x16xf32, #tpu.memory_space<vmem>>, vector<1x16xf32>,
      %scan3A_57 = arith.constant 0 : i32
      scf.yield %scan3A_57 : i32
    }
    %scan3A_16 = arith.constant 80 : i32
    %scan3A_17 = arith.constant 0 : i32
    %scan3A_18 = arith.constant 0 : i32
    %scan3A_19 = arith.constant 4 : i32
    %scan3A_20 = arith.addi %scan3A_18, %scan3A_19 : i32
    %scan3A_21 = arith.constant 1 : i32
    %scan3A_22 = scf.for %scan3A_51 = %scan3A_18 to %scan3A_20 step %scan3A_21 iter_args(%scan3A_52 = %scan3A_17) -> (i32)  : i32 {
      %mul3A_53 = arith.constant 16 : i32
      %mul3A_54 = arith.muli %scan3A_51, %mul3A_53 : i32
      %add3A_55 = arith.addi %arg1, %mul3A_54 : i32
      %lt3A = arith.constant 50 : i32
      %lt3A_56 = arith.cmpi slt, %add3A_55, %lt3A : i32
      %convert_element_type3A = arith.extui %lt3A_56 : i1 to i32
      %cond3A = arith.constant 0 : i32
      %cond3A_57 = arith.cmpi ne, %convert_element_type3A, %cond3A : i32
      scf.if %cond3A_57 {
        %mul3A_59 = arith.constant 200 : i32
        %mul3A_60 = arith.muli %add3A_55, %mul3A_59 : i32
        "tpu.region"() ({
          %run_scoped3A = tpu.sem_alloc : memref<!tpu.dma_semaphore, #tpu.memory_space<semaphore_mem>>
          %dma_start3A_61 = arith.constant 0 : i32
          %dma_start3A_62 = tpu.memref_slice %arg4[%mul3A_60, %dma_start3A_61] : memref<10000x16xf32, #tpu.memory_space<vmem_shared>> -> memref<200x16xf32, #tpu.memory_space<vmem_shared>>
          %dma_start3A_63 = arith.constant 0 : i32
          %dma_start3A_64 = tpu.memref_slice %arg4[%mul3A_60, %dma_start3A_63] : memref<10000x16xf32, #tpu.memory_space<vmem_shared>> -> memref<200x16xf32, #tpu.memory_space<vmem_shared>>
          tpu.enqueue_dma source(%arg5 : memref<200x16xf32, #tpu.memory_space<vmem>>) target(%dma_start3A_64 : memref<200x16xf32, #tpu.memory_space<vmem_shared>>) target_semaphore(%run_scoped3A : memref<!tpu.dma_semaphore, #tpu.memory_space<semaphore_mem>>)
          %dma_wait3A_65 = arith.constant 0 : i32
          %dma_wait3A_66 = tpu.memref_slice %arg4[%mul3A_60, %dma_wait3A_65] : memref<10000x16xf32, #tpu.memory_space<vmem_shared>> -> memref<200x16xf32, #tpu.memory_space<vmem_shared>>
          %dma_wait3A_67 = arith.constant 0 : i32
          %dma_wait3A_68 = tpu.memref_slice %arg4[%mul3A_60, %dma_wait3A_67] : memref<10000x16xf32, #tpu.memory_space<vmem_shared>> -> memref<200x16xf32, #tpu.memory_space<vmem_shared>>
          tpu.wait_dma2 semaphore(%run_scoped3A : memref<!tpu.dma_semaphore, #tpu.memory_space<semaphore_mem>>) src(%arg5 : memref<200x16xf32, #tpu.memory_space<vmem>>) dst(%dma_wait3A_68 : memref<200x16xf32, #tpu.memory_space<vmem_shared>>)
          tpu.yield
        }) : () -> ()
      } else {
      }
      %scan3A_58 = arith.constant 0 : i32
      scf.yield %scan3A_58 : i32
    }
    %scan3A_23 = arith.constant 4 : i32
    %barrier3A = arith.constant 0 : index
    tpu.barrier barrier_id(%barrier3A)
    %mul3A_24 = arith.constant 10000 : i32
    %mul3A_25 = arith.muli %add3A, %mul3A_24 : i32
    %add3A_26 = arith.constant 0 : i32
    %add3A_27 = arith.addi %mul3A_25, %add3A_26 : i32
    %dma_start3A = tpu.memref_slice %arg2[%add3A_27] : memref<320000xi32, #tpu.memory_space<hbm>> -> memref<80xi32, #tpu.memory_space<hbm>>
    %dma_start3A_28 = tpu.memref_slice %arg2[%add3A_27] : memref<320000xi32, #tpu.memory_space<hbm>> -> memref<80xi32, #tpu.memory_space<hbm>>
    tpu.enqueue_dma source(%dma_start3A_28 : memref<80xi32, #tpu.memory_space<hbm>>) target(%arg7 : memref<80xi32, #tpu.memory_space<vmem>>) target_semaphore(%arg9 : memref<!tpu.dma_semaphore, #tpu.memory_space<semaphore_mem>>)
    %add3A_29 = arith.constant 80 : i32
    %add3A_30 = arith.addi %mul3A_25, %add3A_29 : i32
    %dma_start3A_31 = tpu.memref_slice %arg2[%add3A_30] : memref<320000xi32, #tpu.memory_space<hbm>> -> memref<80xi32, #tpu.memory_space<hbm>>
    %dma_start3A_32 = tpu.memref_slice %arg2[%add3A_30] : memref<320000xi32, #tpu.memory_space<hbm>> -> memref<80xi32, #tpu.memory_space<hbm>>
    tpu.enqueue_dma source(%dma_start3A_32 : memref<80xi32, #tpu.memory_space<hbm>>) target(%arg8 : memref<80xi32, #tpu.memory_space<vmem>>) target_semaphore(%arg10 : memref<!tpu.dma_semaphore, #tpu.memory_space<semaphore_mem>>)
    %scan3A_33 = arith.constant 0 : i32
    %scan3A_34 = arith.constant 0 : i32
    %scan3A_35 = arith.constant 62 : i32
    %scan3A_36 = arith.addi %scan3A_34, %scan3A_35 : i32
    %scan3A_37 = arith.constant 1 : i32
    %scan3A_38 = scf.for %scan3A_51 = %scan3A_34 to %scan3A_36 step %scan3A_37 iter_args(%scan3A_52 = %scan3A_33) -> (i32)  : i32 {
      %mul3A_53 = arith.constant 2 : i32
      %mul3A_54 = arith.muli %mul3A_53, %scan3A_51 : i32
      %dma_wait3A_55 = arith.constant 0 : i32
      %dma_wait3A_56 = tpu.memref_slice %arg2[%dma_wait3A_55] : memref<320000xi32, #tpu.memory_space<hbm>> -> memref<80xi32, #tpu.memory_space<hbm>>
      %dma_wait3A_57 = arith.constant 0 : i32
      %dma_wait3A_58 = tpu.memref_slice %arg2[%dma_wait3A_57] : memref<320000xi32, #tpu.memory_space<hbm>> -> memref<80xi32, #tpu.memory_space<hbm>>
      tpu.wait_dma2 semaphore(%arg9 : memref<!tpu.dma_semaphore, #tpu.memory_space<semaphore_mem>>) src(%dma_wait3A_58 : memref<80xi32, #tpu.memory_space<hbm>>) dst(%arg7 : memref<80xi32, #tpu.memory_space<vmem>>)
      "tpu.region"() ({
        %run_scoped3A = tpu.sem_alloc : memref<!tpu.dma_semaphore, #tpu.memory_space<semaphore_mem>>
        %dma_start3A_73 = arith.constant 0 : i32
        %dma_start3A_74 = arith.constant 0 : i32
        %dma_start3A_75 = tpu.memref_slice %arg4[%dma_start3A_73, %dma_start3A_74] : memref<10000x16xf32, #tpu.memory_space<vmem_shared>> -> memref<10000x16xf32, #tpu.memory_space<vmem_shared>>
        tpu.enqueue_indirect_dma source(%arg6 : memref<80x16xf32, #tpu.memory_space<vmem>>) target(%dma_start3A_75 : memref<10000x16xf32, #tpu.memory_space<vmem_shared>>) offsets(%arg7 : memref<80xi32, #tpu.memory_space<vmem>>) semaphore(%run_scoped3A : memref<!tpu.dma_semaphore, #tpu.memory_space<semaphore_mem>>) {add = true}
        %dma_wait3A_76 = arith.constant 0 : i32
        %dma_wait3A_77 = arith.constant 0 : i32
        %dma_wait3A_78 = tpu.memref_slice %arg4[%dma_wait3A_76, %dma_wait3A_77] : memref<10000x16xf32, #tpu.memory_space<vmem_shared>> -> memref<10000x16xf32, #tpu.memory_space<vmem_shared>>
        tpu.wait_indirect_dma semaphore(%run_scoped3A : memref<!tpu.dma_semaphore, #tpu.memory_space<semaphore_mem>>) src(%arg6 : memref<80x16xf32, #tpu.memory_space<vmem>>) dst(%dma_wait3A_78 : memref<10000x16xf32, #tpu.memory_space<vmem_shared>>)
        tpu.yield
      }) : () -> ()
      %add3A_59 = arith.constant 2 : i32
      %add3A_60 = arith.addi %mul3A_54, %add3A_59 : i32
      %mul3A_61 = arith.constant 80 : i32
      %mul3A_62 = arith.muli %add3A_60, %mul3A_61 : i32
      %add3A_63 = arith.addi %mul3A_25, %mul3A_62 : i32
      %dma_start3A_64 = tpu.memref_slice %arg2[%add3A_63] : memref<320000xi32, #tpu.memory_space<hbm>> -> memref<80xi32, #tpu.memory_space<hbm>>
      %dma_start3A_65 = tpu.memref_slice %arg2[%add3A_63] : memref<320000xi32, #tpu.memory_space<hbm>> -> memref<80xi32, #tpu.memory_space<hbm>>
      tpu.enqueue_dma source(%dma_start3A_65 : memref<80xi32, #tpu.memory_space<hbm>>) target(%arg7 : memref<80xi32, #tpu.memory_space<vmem>>) target_semaphore(%arg9 : memref<!tpu.dma_semaphore, #tpu.memory_space<semaphore_mem>>)
      %dma_wait3A_66 = arith.constant 0 : i32
      %dma_wait3A_67 = tpu.memref_slice %arg2[%dma_wait3A_66] : memref<320000xi32, #tpu.memory_space<hbm>> -> memref<80xi32, #tpu.memory_space<hbm>>
      %dma_wait3A_68 = arith.constant 0 : i32
      %dma_wait3A_69 = tpu.memref_slice %arg2[%dma_wait3A_68] : memref<320000xi32, #tpu.memory_space<hbm>> -> memref<80xi32, #tpu.memory_space<hbm>>
      tpu.wait_dma2 semaphore(%arg10 : memref<!tpu.dma_semaphore, #tpu.memory_space<semaphore_mem>>) src(%dma_wait3A_69 : memref<80xi32, #tpu.memory_space<hbm>>) dst(%arg8 : memref<80xi32, #tpu.memory_space<vmem>>)
      "tpu.region"() ({
        %run_scoped3A = tpu.sem_alloc : memref<!tpu.dma_semaphore, #tpu.memory_space<semaphore_mem>>
        %dma_start3A_73 = arith.constant 0 : i32
        %dma_start3A_74 = arith.constant 0 : i32
        %dma_start3A_75 = tpu.memref_slice %arg4[%dma_start3A_73, %dma_start3A_74] : memref<10000x16xf32, #tpu.memory_space<vmem_shared>> -> memref<10000x16xf32, #tpu.memory_space<vmem_shared>>
        tpu.enqueue_indirect_dma source(%arg6 : memref<80x16xf32, #tpu.memory_space<vmem>>) target(%dma_start3A_75 : memref<10000x16xf32, #tpu.memory_space<vmem_shared>>) offsets(%arg8 : memref<80xi32, #tpu.memory_space<vmem>>) semaphore(%run_scoped3A : memref<!tpu.dma_semaphore, #tpu.memory_space<semaphore_mem>>) {add = true}
        %dma_wait3A_76 = arith.constant 0 : i32
        %dma_wait3A_77 = arith.constant 0 : i32
        %dma_wait3A_78 = tpu.memref_slice %arg4[%dma_wait3A_76, %dma_wait3A_77] : memref<10000x16xf32, #tpu.memory_space<vmem_shared>> -> memref<10000x16xf32, #tpu.memory_space<vmem_shared>>
        tpu.wait_indirect_dma semaphore(%run_scoped3A : memref<!tpu.dma_semaphore, #tpu.memory_space<semaphore_mem>>) src(%arg6 : memref<80x16xf32, #tpu.memory_space<vmem>>) dst(%dma_wait3A_78 : memref<10000x16xf32, #tpu.memory_space<vmem_shared>>)
        tpu.yield
      }) : () -> ()
      %lt3A = arith.constant 61 : i32
      %lt3A_70 = arith.cmpi slt, %scan3A_51, %lt3A : i32
      %convert_element_type3A = arith.extui %lt3A_70 : i1 to i32
      %cond3A = arith.constant 0 : i32
      %cond3A_71 = arith.cmpi ne, %convert_element_type3A, %cond3A : i32
      scf.if %cond3A_71 {
        %add3A_73 = arith.constant 3 : i32
        %add3A_74 = arith.addi %mul3A_54, %add3A_73 : i32
        %mul3A_75 = arith.constant 80 : i32
        %mul3A_76 = arith.muli %add3A_74, %mul3A_75 : i32
        %add3A_77 = arith.addi %mul3A_25, %mul3A_76 : i32
        %dma_start3A_78 = tpu.memref_slice %arg2[%add3A_77] : memref<320000xi32, #tpu.memory_space<hbm>> -> memref<80xi32, #tpu.memory_space<hbm>>
        %dma_start3A_79 = tpu.memref_slice %arg2[%add3A_77] : memref<320000xi32, #tpu.memory_space<hbm>> -> memref<80xi32, #tpu.memory_space<hbm>>
        tpu.enqueue_dma source(%dma_start3A_79 : memref<80xi32, #tpu.memory_space<hbm>>) target(%arg8 : memref<80xi32, #tpu.memory_space<vmem>>) target_semaphore(%arg10 : memref<!tpu.dma_semaphore, #tpu.memory_space<semaphore_mem>>)
      } else {
      }
      %scan3A_72 = arith.constant 0 : i32
      scf.yield %scan3A_72 : i32
    }
    %scan3A_39 = arith.constant 62 : i32
    %dma_wait3A = arith.constant 0 : i32
    %dma_wait3A_40 = tpu.memref_slice %arg2[%dma_wait3A] : memref<320000xi32, #tpu.memory_space<hbm>> -> memref<80xi32, #tpu.memory_space<hbm>>
    %dma_wait3A_41 = arith.constant 0 : i32
    %dma_wait3A_42 = tpu.memref_slice %arg2[%dma_wait3A_41] : memref<320000xi32, #tpu.memory_space<hbm>> -> memref<80xi32, #tpu.memory_space<hbm>>
    tpu.wait_dma2 semaphore(%arg9 : memref<!tpu.dma_semaphore, #tpu.memory_space<semaphore_mem>>) src(%dma_wait3A_42 : memref<80xi32, #tpu.memory_space<hbm>>) dst(%arg7 : memref<80xi32, #tpu.memory_space<vmem>>)
    "tpu.region"() ({
      %run_scoped3A = tpu.sem_alloc : memref<!tpu.dma_semaphore, #tpu.memory_space<semaphore_mem>>
      %dma_start3A_51 = arith.constant 0 : i32
      %dma_start3A_52 = arith.constant 0 : i32
      %dma_start3A_53 = tpu.memref_slice %arg4[%dma_start3A_51, %dma_start3A_52] : memref<10000x16xf32, #tpu.memory_space<vmem_shared>> -> memref<10000x16xf32, #tpu.memory_space<vmem_shared>>
      tpu.enqueue_indirect_dma source(%arg6 : memref<80x16xf32, #tpu.memory_space<vmem>>) target(%dma_start3A_53 : memref<10000x16xf32, #tpu.memory_space<vmem_shared>>) offsets(%arg7 : memref<80xi32, #tpu.memory_space<vmem>>) semaphore(%run_scoped3A : memref<!tpu.dma_semaphore, #tpu.memory_space<semaphore_mem>>) {add = true}
      %dma_wait3A_54 = arith.constant 0 : i32
      %dma_wait3A_55 = arith.constant 0 : i32
      %dma_wait3A_56 = tpu.memref_slice %arg4[%dma_wait3A_54, %dma_wait3A_55] : memref<10000x16xf32, #tpu.memory_space<vmem_shared>> -> memref<10000x16xf32, #tpu.memory_space<vmem_shared>>
      tpu.wait_indirect_dma semaphore(%run_scoped3A : memref<!tpu.dma_semaphore, #tpu.memory_space<semaphore_mem>>) src(%arg6 : memref<80x16xf32, #tpu.memory_space<vmem>>) dst(%dma_wait3A_56 : memref<10000x16xf32, #tpu.memory_space<vmem_shared>>)
      tpu.yield
    }) : () -> ()
    %barrier3A_43 = arith.constant 0 : index
    tpu.barrier barrier_id(%barrier3A_43)
    %scan3A_44 = arith.constant 0 : i32
    %scan3A_45 = arith.constant 0 : i32
    %scan3A_46 = arith.constant 4 : i32
    %scan3A_47 = arith.addi %scan3A_45, %scan3A_46 : i32
    %scan3A_48 = arith.constant 1 : i32
    %scan3A_49 = scf.for %scan3A_51 = %scan3A_45 to %scan3A_47 step %scan3A_48 iter_args(%scan3A_52 = %scan3A_44) -> (i32)  : i32 {
      %mul3A_53 = arith.constant 16 : i32
      %mul3A_54 = arith.muli %scan3A_51, %mul3A_53 : i32
      %add3A_55 = arith.addi %arg1, %mul3A_54 : i32
      %lt3A = arith.constant 50 : i32
      %lt3A_56 = arith.cmpi slt, %add3A_55, %lt3A : i32
      %convert_element_type3A = arith.extui %lt3A_56 : i1 to i32
      %cond3A = arith.constant 0 : i32
      %cond3A_57 = arith.cmpi ne, %convert_element_type3A, %cond3A : i32
      scf.if %cond3A_57 {
        %mul3A_59 = arith.constant 200 : i32
        %mul3A_60 = arith.muli %add3A_55, %mul3A_59 : i32
        "tpu.region"() ({
          %run_scoped3A = tpu.sem_alloc : memref<!tpu.dma_semaphore, #tpu.memory_space<semaphore_mem>>
          %dma_start3A_61 = arith.constant 0 : i32
          %dma_start3A_62 = tpu.memref_slice %arg4[%mul3A_60, %dma_start3A_61] : memref<10000x16xf32, #tpu.memory_space<vmem_shared>> -> memref<200x16xf32, #tpu.memory_space<vmem_shared>>
          %dma_start3A_63 = arith.constant 0 : i32
          %dma_start3A_64 = tpu.memref_slice %arg4[%mul3A_60, %dma_start3A_63] : memref<10000x16xf32, #tpu.memory_space<vmem_shared>> -> memref<200x16xf32, #tpu.memory_space<vmem_shared>>
          tpu.enqueue_dma source(%dma_start3A_64 : memref<200x16xf32, #tpu.memory_space<vmem_shared>>) target(%arg5 : memref<200x16xf32, #tpu.memory_space<vmem>>) target_semaphore(%run_scoped3A : memref<!tpu.dma_semaphore, #tpu.memory_space<semaphore_mem>>)
          %dma_wait3A_65 = arith.constant 0 : i32
          %dma_wait3A_66 = tpu.memref_slice %arg4[%mul3A_60, %dma_wait3A_65] : memref<10000x16xf32, #tpu.memory_space<vmem_shared>> -> memref<200x16xf32, #tpu.memory_space<vmem_shared>>
          %dma_wait3A_67 = arith.constant 0 : i32
          %dma_wait3A_68 = tpu.memref_slice %arg4[%mul3A_60, %dma_wait3A_67] : memref<10000x16xf32, #tpu.memory_space<vmem_shared>> -> memref<200x16xf32, #tpu.memory_space<vmem_shared>>
          tpu.wait_dma2 semaphore(%run_scoped3A : memref<!tpu.dma_semaphore, #tpu.memory_space<semaphore_mem>>) src(%dma_wait3A_68 : memref<200x16xf32, #tpu.memory_space<vmem_shared>>) dst(%arg5 : memref<200x16xf32, #tpu.memory_space<vmem>>)
          tpu.yield
        }) : () -> ()
        "tpu.region"() ({
          %run_scoped3A = tpu.sem_alloc : memref<!tpu.dma_semaphore, #tpu.memory_space<semaphore_mem>>
          %dma_start3A_61 = arith.constant 0 : i32
          %dma_start3A_62 = tpu.memref_slice %arg3[%arg0, %mul3A_60, %dma_start3A_61] : memref<2x10000x16xf32, #tpu.memory_space<hbm>> -> memref<1x200x16xf32, #tpu.memory_space<hbm>>
          %dma_start3A_63 = tpu.memref_squeeze %dma_start3A_62 : memref<1x200x16xf32, #tpu.memory_space<hbm>> -> memref<200x16xf32, #tpu.memory_space<hbm>>
          %dma_start3A_64 = arith.constant 0 : i32
          %dma_start3A_65 = tpu.memref_slice %arg3[%arg0, %mul3A_60, %dma_start3A_64] : memref<2x10000x16xf32, #tpu.memory_space<hbm>> -> memref<1x200x16xf32, #tpu.memory_space<hbm>>
          %dma_start3A_66 = tpu.memref_squeeze %dma_start3A_65 : memref<1x200x16xf32, #tpu.memory_space<hbm>> -> memref<200x16xf32, #tpu.memory_space<hbm>>
          tpu.enqueue_dma source(%arg5 : memref<200x16xf32, #tpu.memory_space<vmem>>) target(%dma_start3A_66 : memref<200x16xf32, #tpu.memory_space<hbm>>) target_semaphore(%run_scoped3A : memref<!tpu.dma_semaphore, #tpu.memory_space<semaphore_mem>>)
          %dma_wait3A_67 = arith.constant 0 : i32
          %dma_wait3A_68 = tpu.memref_slice %arg3[%arg0, %mul3A_60, %dma_wait3A_67] : memref<2x10000x16xf32, #tpu.memory_space<hbm>> -> memref<1x200x16xf32, #tpu.memory_space<hbm>>
          %dma_wait3A_69 = tpu.memref_squeeze %dma_wait3A_68 : memref<1x200x16xf32, #tpu.memory_space<hbm>> -> memref<200x16xf32, #tpu.memory_space<hbm>>
          %dma_wait3A_70 = arith.constant 0 : i32
          %dma_wait3A_71 = tpu.memref_slice %arg3[%arg0, %mul3A_60, %dma_wait3A_70] : memref<2x10000x16xf32, #tpu.memory_space<hbm>> -> memref<1x200x16xf32, #tpu.memory_space<hbm>>
          %dma_wait3A_72 = tpu.memref_squeeze %dma_wait3A_71 : memref<1x200x16xf32, #tpu.memory_space<hbm>> -> memref<200x16xf32, #tpu.memory_space<hbm>>
          tpu.wait_dma2 semaphore(%run_scoped3A : memref<!tpu.dma_semaphore, #tpu.memory_space<semaphore_mem>>) src(%arg5 : memref<200x16xf32, #tpu.memory_space<vmem>>) dst(%dma_wait3A_72 : memref<200x16xf32, #tpu.memory_space<hbm>>)
          tpu.yield
        }) : () -> ()
      } else {
      }
      %scan3A_58 = arith.constant 0 : i32
      scf.yield %scan3A_58 : i32
    }
    %scan3A_50 = arith.constant 4 : i32
    return
  }
}

#map = affine_map<(d0, d1) -> (0, 0)>
#map1 = affine_map<(d0, d1) -> (0)>
#map2 = affine_map<(d0, d1) -> (0, 0, 0)>
module attributes {stable_mosaic.version = 14 : i64} {
  func.func @k(%arg0: i32, %arg1: i32, %arg2: memref<10000x128xf32, #tpu.memory_space<hbm>>, %arg3: memref<320000xi32, #tpu.memory_space<hbm>>, %arg4: memref<320000xi32, #tpu.memory_space<hbm>>, %arg5: memref<2x10000x128xf32, #tpu.memory_space<hbm>>, %arg6: memref<10000x128xf32, #tpu.memory_space<vmem_shared>>, %arg7: memref<80xi32, #tpu.memory_space<vmem>>, %arg8: memref<80xi32, #tpu.memory_space<vmem>>, %arg9: memref<80xi32, #tpu.memory_space<vmem>>, %arg10: memref<80xi32, #tpu.memory_space<vmem>>, %arg11: memref<80x128xf32, #tpu.memory_space<vmem>>, %arg12: memref<80x128xf32, #tpu.memory_space<vmem>>, %arg13: memref<!tpu.dma_semaphore, #tpu.memory_space<semaphore_mem>>, %arg14: memref<!tpu.dma_semaphore, #tpu.memory_space<semaphore_mem>>, %arg15: memref<!tpu.dma_semaphore, #tpu.memory_space<semaphore_mem>>, %arg16: memref<!tpu.dma_semaphore, #tpu.memory_space<semaphore_mem>>, %arg17: memref<!tpu.dma_semaphore, #tpu.memory_space<semaphore_mem>>, %arg18: memref<!tpu.dma_semaphore, #tpu.memory_space<semaphore_mem>>) attributes {dimension_semantics = [#tpu.dimension_semantics<core_parallel>, #tpu.dimension_semantics<subcore_parallel>], iteration_bounds = array<i64: 2, 16>, scalar_prefetch = 0 : i64, scratch_operands = 13 : i64, tpu.core_type = #tpu.core_type<sc_vector_subcore>, window_params = [{transform_indices = #map}, {transform_indices = #map1}, {transform_indices = #map1}, {transform_indices = #map2}]} {
    %mul3A = arith.constant 2 : i32
    %mul3A_0 = arith.muli %arg1, %mul3A : i32
    %add3A = arith.addi %mul3A_0, %arg0 : i32
    %broadcast_in_dim3A = arith.constant 0.000000e+00 : f32
    %broadcast_in_dim3A_1 = vector.broadcast %broadcast_in_dim3A : f32 to vector<16xf32>
    %scan3A = arith.constant 0 : i32
    %scan3A_2 = arith.constant 0 : i32
    %scan3A_3 = arith.constant 80 : i32
    %scan3A_4 = arith.addi %scan3A_2, %scan3A_3 : i32
    %scan3A_5 = arith.constant 1 : i32
    %scan3A_6 = scf.for %scan3A_70 = %scan3A_2 to %scan3A_4 step %scan3A_5 iter_args(%scan3A_71 = %scan3A) -> (i32)  : i32 {
      %scan3A_72 = arith.constant 0 : i32
      %scan3A_73 = arith.constant 0 : i32
      %scan3A_74 = arith.constant 8 : i32
      %scan3A_75 = arith.addi %scan3A_73, %scan3A_74 : i32
      %scan3A_76 = arith.constant 1 : i32
      %scan3A_77 = scf.for %scan3A_80 = %scan3A_73 to %scan3A_75 step %scan3A_76 iter_args(%scan3A_81 = %scan3A_72) -> (i32)  : i32 {
        %mul3A_82 = arith.constant 16 : i32
        %mul3A_83 = arith.muli %scan3A_80, %mul3A_82 : i32
        %swap3A = arith.index_cast %scan3A_70 : i32 to index
        %swap3A_84 = arith.index_cast %mul3A_83 : i32 to index
        %swap3A_85 = tpu.vector_load %arg11[%swap3A, %swap3A_84] {strides = array<i32>} : memref<80x128xf32, #tpu.memory_space<vmem>>, vector<1x16xf32>,
        %swap3A_86 = vector.shape_cast %swap3A_85 : vector<1x16xf32> to vector<16xf32>
        %swap3A_87 = vector.shape_cast %broadcast_in_dim3A_1 : vector<16xf32> to vector<1x16xf32>
        tpu.vector_store %arg11[%swap3A, %swap3A_84], %swap3A_87 {strides = array<i32>} : memref<80x128xf32, #tpu.memory_space<vmem>>, vector<1x16xf32>,
        %scan3A_88 = arith.constant 0 : i32
        scf.yield %scan3A_88 : i32
      }
      %scan3A_78 = arith.constant 8 : i32
      %scan3A_79 = arith.constant 0 : i32
      scf.yield %scan3A_79 : i32
    }
    %scan3A_7 = arith.constant 80 : i32
    %scan3A_8 = arith.constant 0 : i32
    %scan3A_9 = arith.constant 0 : i32
    %scan3A_10 = arith.constant 8 : i32
    %scan3A_11 = arith.addi %scan3A_9, %scan3A_10 : i32
    %scan3A_12 = arith.constant 1 : i32
    %scan3A_13 = scf.for %scan3A_70 = %scan3A_9 to %scan3A_11 step %scan3A_12 iter_args(%scan3A_71 = %scan3A_8) -> (i32)  : i32 {
      %mul3A_72 = arith.constant 16 : i32
      %mul3A_73 = arith.muli %scan3A_70, %mul3A_72 : i32
      %add3A_74 = arith.addi %arg1, %mul3A_73 : i32
      %lt3A = arith.constant 125 : i32
      %lt3A_75 = arith.cmpi slt, %add3A_74, %lt3A : i32
      %convert_element_type3A = arith.extui %lt3A_75 : i1 to i32
      %cond3A = arith.constant 0 : i32
      %cond3A_76 = arith.cmpi ne, %convert_element_type3A, %cond3A : i32
      scf.if %cond3A_76 {
        %mul3A_78 = arith.constant 80 : i32
        %mul3A_79 = arith.muli %add3A_74, %mul3A_78 : i32
        "tpu.region"() ({
          %run_scoped3A = tpu.sem_alloc : memref<!tpu.dma_semaphore, #tpu.memory_space<semaphore_mem>>
          %dma_start3A_80 = arith.constant 0 : i32
          %dma_start3A_81 = tpu.memref_slice %arg6[%mul3A_79, %dma_start3A_80] : memref<10000x128xf32, #tpu.memory_space<vmem_shared>> -> memref<80x128xf32, #tpu.memory_space<vmem_shared>>
          %dma_start3A_82 = arith.constant 0 : i32
          %dma_start3A_83 = tpu.memref_slice %arg6[%mul3A_79, %dma_start3A_82] : memref<10000x128xf32, #tpu.memory_space<vmem_shared>> -> memref<80x128xf32, #tpu.memory_space<vmem_shared>>
          tpu.enqueue_dma source(%arg11 : memref<80x128xf32, #tpu.memory_space<vmem>>) target(%dma_start3A_83 : memref<80x128xf32, #tpu.memory_space<vmem_shared>>) target_semaphore(%run_scoped3A : memref<!tpu.dma_semaphore, #tpu.memory_space<semaphore_mem>>)
          %dma_wait3A_84 = arith.constant 0 : i32
          %dma_wait3A_85 = tpu.memref_slice %arg6[%mul3A_79, %dma_wait3A_84] : memref<10000x128xf32, #tpu.memory_space<vmem_shared>> -> memref<80x128xf32, #tpu.memory_space<vmem_shared>>
          %dma_wait3A_86 = arith.constant 0 : i32
          %dma_wait3A_87 = tpu.memref_slice %arg6[%mul3A_79, %dma_wait3A_86] : memref<10000x128xf32, #tpu.memory_space<vmem_shared>> -> memref<80x128xf32, #tpu.memory_space<vmem_shared>>
          tpu.wait_dma2 semaphore(%run_scoped3A : memref<!tpu.dma_semaphore, #tpu.memory_space<semaphore_mem>>) src(%arg11 : memref<80x128xf32, #tpu.memory_space<vmem>>) dst(%dma_wait3A_87 : memref<80x128xf32, #tpu.memory_space<vmem_shared>>)
          tpu.yield
        }) : () -> ()
      } else {
      }
      %scan3A_77 = arith.constant 0 : i32
      scf.yield %scan3A_77 : i32
    }
    %scan3A_14 = arith.constant 8 : i32
    %barrier3A = arith.constant 0 : index
    tpu.barrier barrier_id(%barrier3A)
    %mul3A_15 = arith.constant 10000 : i32
    %mul3A_16 = arith.muli %add3A, %mul3A_15 : i32
    %add3A_17 = arith.constant 0 : i32
    %add3A_18 = arith.addi %mul3A_16, %add3A_17 : i32
    %dma_start3A = tpu.memref_slice %arg3[%add3A_18] : memref<320000xi32, #tpu.memory_space<hbm>> -> memref<80xi32, #tpu.memory_space<hbm>>
    %dma_start3A_19 = tpu.memref_slice %arg3[%add3A_18] : memref<320000xi32, #tpu.memory_space<hbm>> -> memref<80xi32, #tpu.memory_space<hbm>>
    tpu.enqueue_dma source(%dma_start3A_19 : memref<80xi32, #tpu.memory_space<hbm>>) target(%arg7 : memref<80xi32, #tpu.memory_space<vmem>>) target_semaphore(%arg15 : memref<!tpu.dma_semaphore, #tpu.memory_space<semaphore_mem>>)
    %add3A_20 = arith.constant 0 : i32
    %add3A_21 = arith.addi %mul3A_16, %add3A_20 : i32
    %dma_start3A_22 = tpu.memref_slice %arg4[%add3A_21] : memref<320000xi32, #tpu.memory_space<hbm>> -> memref<80xi32, #tpu.memory_space<hbm>>
    %dma_start3A_23 = tpu.memref_slice %arg4[%add3A_21] : memref<320000xi32, #tpu.memory_space<hbm>> -> memref<80xi32, #tpu.memory_space<hbm>>
    tpu.enqueue_dma source(%dma_start3A_23 : memref<80xi32, #tpu.memory_space<hbm>>) target(%arg9 : memref<80xi32, #tpu.memory_space<vmem>>) target_semaphore(%arg17 : memref<!tpu.dma_semaphore, #tpu.memory_space<semaphore_mem>>)
    %add3A_24 = arith.constant 80 : i32
    %add3A_25 = arith.addi %mul3A_16, %add3A_24 : i32
    %dma_start3A_26 = tpu.memref_slice %arg3[%add3A_25] : memref<320000xi32, #tpu.memory_space<hbm>> -> memref<80xi32, #tpu.memory_space<hbm>>
    %dma_start3A_27 = tpu.memref_slice %arg3[%add3A_25] : memref<320000xi32, #tpu.memory_space<hbm>> -> memref<80xi32, #tpu.memory_space<hbm>>
    tpu.enqueue_dma source(%dma_start3A_27 : memref<80xi32, #tpu.memory_space<hbm>>) target(%arg8 : memref<80xi32, #tpu.memory_space<vmem>>) target_semaphore(%arg16 : memref<!tpu.dma_semaphore, #tpu.memory_space<semaphore_mem>>)
    %add3A_28 = arith.constant 80 : i32
    %add3A_29 = arith.addi %mul3A_16, %add3A_28 : i32
    %dma_start3A_30 = tpu.memref_slice %arg4[%add3A_29] : memref<320000xi32, #tpu.memory_space<hbm>> -> memref<80xi32, #tpu.memory_space<hbm>>
    %dma_start3A_31 = tpu.memref_slice %arg4[%add3A_29] : memref<320000xi32, #tpu.memory_space<hbm>> -> memref<80xi32, #tpu.memory_space<hbm>>
    tpu.enqueue_dma source(%dma_start3A_31 : memref<80xi32, #tpu.memory_space<hbm>>) target(%arg10 : memref<80xi32, #tpu.memory_space<vmem>>) target_semaphore(%arg18 : memref<!tpu.dma_semaphore, #tpu.memory_space<semaphore_mem>>)
    %dma_wait3A = arith.constant 0 : i32
    %dma_wait3A_32 = tpu.memref_slice %arg3[%dma_wait3A] : memref<320000xi32, #tpu.memory_space<hbm>> -> memref<80xi32, #tpu.memory_space<hbm>>
    %dma_wait3A_33 = arith.constant 0 : i32
    %dma_wait3A_34 = tpu.memref_slice %arg3[%dma_wait3A_33] : memref<320000xi32, #tpu.memory_space<hbm>> -> memref<80xi32, #tpu.memory_space<hbm>>
    tpu.wait_dma2 semaphore(%arg15 : memref<!tpu.dma_semaphore, #tpu.memory_space<semaphore_mem>>) src(%dma_wait3A_34 : memref<80xi32, #tpu.memory_space<hbm>>) dst(%arg7 : memref<80xi32, #tpu.memory_space<vmem>>)
    %dma_start3A_35 = arith.constant 0 : i32
    %dma_start3A_36 = arith.constant 0 : i32
    %dma_start3A_37 = tpu.memref_slice %arg2[%dma_start3A_35, %dma_start3A_36] : memref<10000x128xf32, #tpu.memory_space<hbm>> -> memref<10000x128xf32, #tpu.memory_space<hbm>>
    tpu.enqueue_indirect_dma source(%dma_start3A_37 : memref<10000x128xf32, #tpu.memory_space<hbm>>) target(%arg11 : memref<80x128xf32, #tpu.memory_space<vmem>>) offsets(%arg7 : memref<80xi32, #tpu.memory_space<vmem>>) semaphore(%arg13 : memref<!tpu.dma_semaphore, #tpu.memory_space<semaphore_mem>>)
    %dma_wait3A_38 = arith.constant 0 : i32
    %dma_wait3A_39 = tpu.memref_slice %arg3[%dma_wait3A_38] : memref<320000xi32, #tpu.memory_space<hbm>> -> memref<80xi32, #tpu.memory_space<hbm>>
    %dma_wait3A_40 = arith.constant 0 : i32
    %dma_wait3A_41 = tpu.memref_slice %arg3[%dma_wait3A_40] : memref<320000xi32, #tpu.memory_space<hbm>> -> memref<80xi32, #tpu.memory_space<hbm>>
    tpu.wait_dma2 semaphore(%arg16 : memref<!tpu.dma_semaphore, #tpu.memory_space<semaphore_mem>>) src(%dma_wait3A_41 : memref<80xi32, #tpu.memory_space<hbm>>) dst(%arg8 : memref<80xi32, #tpu.memory_space<vmem>>)
    %dma_start3A_42 = arith.constant 0 : i32
    %dma_start3A_43 = arith.constant 0 : i32
    %dma_start3A_44 = tpu.memref_slice %arg2[%dma_start3A_42, %dma_start3A_43] : memref<10000x128xf32, #tpu.memory_space<hbm>> -> memref<10000x128xf32, #tpu.memory_space<hbm>>
    tpu.enqueue_indirect_dma source(%dma_start3A_44 : memref<10000x128xf32, #tpu.memory_space<hbm>>) target(%arg12 : memref<80x128xf32, #tpu.memory_space<vmem>>) offsets(%arg8 : memref<80xi32, #tpu.memory_space<vmem>>) semaphore(%arg14 : memref<!tpu.dma_semaphore, #tpu.memory_space<semaphore_mem>>)
    %scan3A_45 = arith.constant 0 : i32
    %scan3A_46 = arith.constant 0 : i32
    %scan3A_47 = arith.constant 62 : i32
    %scan3A_48 = arith.addi %scan3A_46, %scan3A_47 : i32
    %scan3A_49 = arith.constant 1 : i32
    %scan3A_50 = scf.for %scan3A_70 = %scan3A_46 to %scan3A_48 step %scan3A_49 iter_args(%scan3A_71 = %scan3A_45) -> (i32)  : i32 {
      %mul3A_72 = arith.constant 2 : i32
      %mul3A_73 = arith.muli %mul3A_72, %scan3A_70 : i32
      %dma_wait3A_74 = arith.constant 0 : i32
      %dma_wait3A_75 = arith.constant 0 : i32
      %dma_wait3A_76 = tpu.memref_slice %arg2[%dma_wait3A_74, %dma_wait3A_75] : memref<10000x128xf32, #tpu.memory_space<hbm>> -> memref<80x128xf32, #tpu.memory_space<hbm>>
      %dma_wait3A_77 = arith.constant 0 : i32
      %dma_wait3A_78 = arith.constant 0 : i32
      %dma_wait3A_79 = tpu.memref_slice %arg2[%dma_wait3A_77, %dma_wait3A_78] : memref<10000x128xf32, #tpu.memory_space<hbm>> -> memref<80x128xf32, #tpu.memory_space<hbm>>
      tpu.wait_dma2 semaphore(%arg13 : memref<!tpu.dma_semaphore, #tpu.memory_space<semaphore_mem>>) src(%dma_wait3A_79 : memref<80x128xf32, #tpu.memory_space<hbm>>) dst(%arg11 : memref<80x128xf32, #tpu.memory_space<vmem>>)
      %add3A_80 = arith.constant 2 : i32
      %add3A_81 = arith.addi %mul3A_73, %add3A_80 : i32
      %mul3A_82 = arith.constant 80 : i32
      %mul3A_83 = arith.muli %add3A_81, %mul3A_82 : i32
      %add3A_84 = arith.addi %mul3A_16, %mul3A_83 : i32
      %dma_start3A_85 = tpu.memref_slice %arg3[%add3A_84] : memref<320000xi32, #tpu.memory_space<hbm>> -> memref<80xi32, #tpu.memory_space<hbm>>
      %dma_start3A_86 = tpu.memref_slice %arg3[%add3A_84] : memref<320000xi32, #tpu.memory_space<hbm>> -> memref<80xi32, #tpu.memory_space<hbm>>
      tpu.enqueue_dma source(%dma_start3A_86 : memref<80xi32, #tpu.memory_space<hbm>>) target(%arg7 : memref<80xi32, #tpu.memory_space<vmem>>) target_semaphore(%arg15 : memref<!tpu.dma_semaphore, #tpu.memory_space<semaphore_mem>>)
      %dma_wait3A_87 = arith.constant 0 : i32
      %dma_wait3A_88 = tpu.memref_slice %arg3[%dma_wait3A_87] : memref<320000xi32, #tpu.memory_space<hbm>> -> memref<80xi32, #tpu.memory_space<hbm>>
      %dma_wait3A_89 = arith.constant 0 : i32
      %dma_wait3A_90 = tpu.memref_slice %arg3[%dma_wait3A_89] : memref<320000xi32, #tpu.memory_space<hbm>> -> memref<80xi32, #tpu.memory_space<hbm>>
      tpu.wait_dma2 semaphore(%arg17 : memref<!tpu.dma_semaphore, #tpu.memory_space<semaphore_mem>>) src(%dma_wait3A_90 : memref<80xi32, #tpu.memory_space<hbm>>) dst(%arg9 : memref<80xi32, #tpu.memory_space<vmem>>)
      "tpu.region"() ({
        %run_scoped3A = tpu.sem_alloc : memref<!tpu.dma_semaphore, #tpu.memory_space<semaphore_mem>>
        %dma_start3A_123 = arith.constant 0 : i32
        %dma_start3A_124 = arith.constant 0 : i32
        %dma_start3A_125 = tpu.memref_slice %arg6[%dma_start3A_123, %dma_start3A_124] : memref<10000x128xf32, #tpu.memory_space<vmem_shared>> -> memref<10000x128xf32, #tpu.memory_space<vmem_shared>>
        tpu.enqueue_indirect_dma source(%arg11 : memref<80x128xf32, #tpu.memory_space<vmem>>) target(%dma_start3A_125 : memref<10000x128xf32, #tpu.memory_space<vmem_shared>>) offsets(%arg9 : memref<80xi32, #tpu.memory_space<vmem>>) semaphore(%run_scoped3A : memref<!tpu.dma_semaphore, #tpu.memory_space<semaphore_mem>>) {add = true}
        %dma_wait3A_126 = arith.constant 0 : i32
        %dma_wait3A_127 = arith.constant 0 : i32
        %dma_wait3A_128 = tpu.memref_slice %arg6[%dma_wait3A_126, %dma_wait3A_127] : memref<10000x128xf32, #tpu.memory_space<vmem_shared>> -> memref<10000x128xf32, #tpu.memory_space<vmem_shared>>
        tpu.wait_indirect_dma semaphore(%run_scoped3A : memref<!tpu.dma_semaphore, #tpu.memory_space<semaphore_mem>>) src(%arg11 : memref<80x128xf32, #tpu.memory_space<vmem>>) dst(%dma_wait3A_128 : memref<10000x128xf32, #tpu.memory_space<vmem_shared>>)
        tpu.yield
      }) : () -> ()
      %dma_wait3A_91 = arith.constant 0 : i32
      %dma_wait3A_92 = tpu.memref_slice %arg3[%dma_wait3A_91] : memref<320000xi32, #tpu.memory_space<hbm>> -> memref<80xi32, #tpu.memory_space<hbm>>
      %dma_wait3A_93 = arith.constant 0 : i32
      %dma_wait3A_94 = tpu.memref_slice %arg3[%dma_wait3A_93] : memref<320000xi32, #tpu.memory_space<hbm>> -> memref<80xi32, #tpu.memory_space<hbm>>
      tpu.wait_dma2 semaphore(%arg15 : memref<!tpu.dma_semaphore, #tpu.memory_space<semaphore_mem>>) src(%dma_wait3A_94 : memref<80xi32, #tpu.memory_space<hbm>>) dst(%arg7 : memref<80xi32, #tpu.memory_space<vmem>>)
      %dma_start3A_95 = arith.constant 0 : i32
      %dma_start3A_96 = arith.constant 0 : i32
      %dma_start3A_97 = tpu.memref_slice %arg2[%dma_start3A_95, %dma_start3A_96] : memref<10000x128xf32, #tpu.memory_space<hbm>> -> memref<10000x128xf32, #tpu.memory_space<hbm>>
      tpu.enqueue_indirect_dma source(%dma_start3A_97 : memref<10000x128xf32, #tpu.memory_space<hbm>>) target(%arg11 : memref<80x128xf32, #tpu.memory_space<vmem>>) offsets(%arg7 : memref<80xi32, #tpu.memory_space<vmem>>) semaphore(%arg13 : memref<!tpu.dma_semaphore, #tpu.memory_space<semaphore_mem>>)
      %add3A_98 = arith.constant 2 : i32
      %add3A_99 = arith.addi %mul3A_73, %add3A_98 : i32
      %mul3A_100 = arith.constant 80 : i32
      %mul3A_101 = arith.muli %add3A_99, %mul3A_100 : i32
      %add3A_102 = arith.addi %mul3A_16, %mul3A_101 : i32
      %dma_start3A_103 = tpu.memref_slice %arg4[%add3A_102] : memref<320000xi32, #tpu.memory_space<hbm>> -> memref<80xi32, #tpu.memory_space<hbm>>
      %dma_start3A_104 = tpu.memref_slice %arg4[%add3A_102] : memref<320000xi32, #tpu.memory_space<hbm>> -> memref<80xi32, #tpu.memory_space<hbm>>
      tpu.enqueue_dma source(%dma_start3A_104 : memref<80xi32, #tpu.memory_space<hbm>>) target(%arg9 : memref<80xi32, #tpu.memory_space<vmem>>) target_semaphore(%arg17 : memref<!tpu.dma_semaphore, #tpu.memory_space<semaphore_mem>>)
      %dma_wait3A_105 = arith.constant 0 : i32
      %dma_wait3A_106 = arith.constant 0 : i32
      %dma_wait3A_107 = tpu.memref_slice %arg2[%dma_wait3A_105, %dma_wait3A_106] : memref<10000x128xf32, #tpu.memory_space<hbm>> -> memref<80x128xf32, #tpu.memory_space<hbm>>
      %dma_wait3A_108 = arith.constant 0 : i32
      %dma_wait3A_109 = arith.constant 0 : i32
      %dma_wait3A_110 = tpu.memref_slice %arg2[%dma_wait3A_108, %dma_wait3A_109] : memref<10000x128xf32, #tpu.memory_space<hbm>> -> memref<80x128xf32, #tpu.memory_space<hbm>>
      tpu.wait_dma2 semaphore(%arg14 : memref<!tpu.dma_semaphore, #tpu.memory_space<semaphore_mem>>) src(%dma_wait3A_110 : memref<80x128xf32, #tpu.memory_space<hbm>>) dst(%arg12 : memref<80x128xf32, #tpu.memory_space<vmem>>)
      %lt3A = arith.constant 61 : i32
      %lt3A_111 = arith.cmpi slt, %scan3A_70, %lt3A : i32
      %convert_element_type3A = arith.extui %lt3A_111 : i1 to i32
      %cond3A = arith.constant 0 : i32
      %cond3A_112 = arith.cmpi ne, %convert_element_type3A, %cond3A : i32
      scf.if %cond3A_112 {
        %add3A_123 = arith.constant 3 : i32
        %add3A_124 = arith.addi %mul3A_73, %add3A_123 : i32
        %mul3A_125 = arith.constant 80 : i32
        %mul3A_126 = arith.muli %add3A_124, %mul3A_125 : i32
        %add3A_127 = arith.addi %mul3A_16, %mul3A_126 : i32
        %dma_start3A_128 = tpu.memref_slice %arg3[%add3A_127] : memref<320000xi32, #tpu.memory_space<hbm>> -> memref<80xi32, #tpu.memory_space<hbm>>
        %dma_start3A_129 = tpu.memref_slice %arg3[%add3A_127] : memref<320000xi32, #tpu.memory_space<hbm>> -> memref<80xi32, #tpu.memory_space<hbm>>
        tpu.enqueue_dma source(%dma_start3A_129 : memref<80xi32, #tpu.memory_space<hbm>>) target(%arg8 : memref<80xi32, #tpu.memory_space<vmem>>) target_semaphore(%arg16 : memref<!tpu.dma_semaphore, #tpu.memory_space<semaphore_mem>>)
      } else {
      }
      %dma_wait3A_113 = arith.constant 0 : i32
      %dma_wait3A_114 = tpu.memref_slice %arg3[%dma_wait3A_113] : memref<320000xi32, #tpu.memory_space<hbm>> -> memref<80xi32, #tpu.memory_space<hbm>>
      %dma_wait3A_115 = arith.constant 0 : i32
      %dma_wait3A_116 = tpu.memref_slice %arg3[%dma_wait3A_115] : memref<320000xi32, #tpu.memory_space<hbm>> -> memref<80xi32, #tpu.memory_space<hbm>>
      tpu.wait_dma2 semaphore(%arg18 : memref<!tpu.dma_semaphore, #tpu.memory_space<semaphore_mem>>) src(%dma_wait3A_116 : memref<80xi32, #tpu.memory_space<hbm>>) dst(%arg10 : memref<80xi32, #tpu.memory_space<vmem>>)
      "tpu.region"() ({
        %run_scoped3A = tpu.sem_alloc : memref<!tpu.dma_semaphore, #tpu.memory_space<semaphore_mem>>
        %dma_start3A_123 = arith.constant 0 : i32
        %dma_start3A_124 = arith.constant 0 : i32
        %dma_start3A_125 = tpu.memref_slice %arg6[%dma_start3A_123, %dma_start3A_124] : memref<10000x128xf32, #tpu.memory_space<vmem_shared>> -> memref<10000x128xf32, #tpu.memory_space<vmem_shared>>
        tpu.enqueue_indirect_dma source(%arg12 : memref<80x128xf32, #tpu.memory_space<vmem>>) target(%dma_start3A_125 : memref<10000x128xf32, #tpu.memory_space<vmem_shared>>) offsets(%arg10 : memref<80xi32, #tpu.memory_space<vmem>>) semaphore(%run_scoped3A : memref<!tpu.dma_semaphore, #tpu.memory_space<semaphore_mem>>) {add = true}
        %dma_wait3A_126 = arith.constant 0 : i32
        %dma_wait3A_127 = arith.constant 0 : i32
        %dma_wait3A_128 = tpu.memref_slice %arg6[%dma_wait3A_126, %dma_wait3A_127] : memref<10000x128xf32, #tpu.memory_space<vmem_shared>> -> memref<10000x128xf32, #tpu.memory_space<vmem_shared>>
        tpu.wait_indirect_dma semaphore(%run_scoped3A : memref<!tpu.dma_semaphore, #tpu.memory_space<semaphore_mem>>) src(%arg12 : memref<80x128xf32, #tpu.memory_space<vmem>>) dst(%dma_wait3A_128 : memref<10000x128xf32, #tpu.memory_space<vmem_shared>>)
        tpu.yield
      }) : () -> ()
      %lt3A_117 = arith.constant 61 : i32
      %lt3A_118 = arith.cmpi slt, %scan3A_70, %lt3A_117 : i32
      %convert_element_type3A_119 = arith.extui %lt3A_118 : i1 to i32
      %cond3A_120 = arith.constant 0 : i32
      %cond3A_121 = arith.cmpi ne, %convert_element_type3A_119, %cond3A_120 : i32
      scf.if %cond3A_121 {
        %dma_wait3A_123 = arith.constant 0 : i32
        %dma_wait3A_124 = tpu.memref_slice %arg3[%dma_wait3A_123] : memref<320000xi32, #tpu.memory_space<hbm>> -> memref<80xi32, #tpu.memory_space<hbm>>
        %dma_wait3A_125 = arith.constant 0 : i32
        %dma_wait3A_126 = tpu.memref_slice %arg3[%dma_wait3A_125] : memref<320000xi32, #tpu.memory_space<hbm>> -> memref<80xi32, #tpu.memory_space<hbm>>
        tpu.wait_dma2 semaphore(%arg16 : memref<!tpu.dma_semaphore, #tpu.memory_space<semaphore_mem>>) src(%dma_wait3A_126 : memref<80xi32, #tpu.memory_space<hbm>>) dst(%arg8 : memref<80xi32, #tpu.memory_space<vmem>>)
        %dma_start3A_127 = arith.constant 0 : i32
        %dma_start3A_128 = arith.constant 0 : i32
        %dma_start3A_129 = tpu.memref_slice %arg2[%dma_start3A_127, %dma_start3A_128] : memref<10000x128xf32, #tpu.memory_space<hbm>> -> memref<10000x128xf32, #tpu.memory_space<hbm>>
        tpu.enqueue_indirect_dma source(%dma_start3A_129 : memref<10000x128xf32, #tpu.memory_space<hbm>>) target(%arg12 : memref<80x128xf32, #tpu.memory_space<vmem>>) offsets(%arg8 : memref<80xi32, #tpu.memory_space<vmem>>) semaphore(%arg14 : memref<!tpu.dma_semaphore, #tpu.memory_space<semaphore_mem>>)
        %add3A_130 = arith.constant 3 : i32
        %add3A_131 = arith.addi %mul3A_73, %add3A_130 : i32
        %mul3A_132 = arith.constant 80 : i32
        %mul3A_133 = arith.muli %add3A_131, %mul3A_132 : i32
        %add3A_134 = arith.addi %mul3A_16, %mul3A_133 : i32
        %dma_start3A_135 = tpu.memref_slice %arg4[%add3A_134] : memref<320000xi32, #tpu.memory_space<hbm>> -> memref<80xi32, #tpu.memory_space<hbm>>
        %dma_start3A_136 = tpu.memref_slice %arg4[%add3A_134] : memref<320000xi32, #tpu.memory_space<hbm>> -> memref<80xi32, #tpu.memory_space<hbm>>
        tpu.enqueue_dma source(%dma_start3A_136 : memref<80xi32, #tpu.memory_space<hbm>>) target(%arg10 : memref<80xi32, #tpu.memory_space<vmem>>) target_semaphore(%arg18 : memref<!tpu.dma_semaphore, #tpu.memory_space<semaphore_mem>>)
      } else {
      }
      %scan3A_122 = arith.constant 0 : i32
      scf.yield %scan3A_122 : i32
    }
    %scan3A_51 = arith.constant 62 : i32
    %dma_wait3A_52 = arith.constant 0 : i32
    %dma_wait3A_53 = arith.constant 0 : i32
    %dma_wait3A_54 = tpu.memref_slice %arg2[%dma_wait3A_52, %dma_wait3A_53] : memref<10000x128xf32, #tpu.memory_space<hbm>> -> memref<80x128xf32, #tpu.memory_space<hbm>>
    %dma_wait3A_55 = arith.constant 0 : i32
    %dma_wait3A_56 = arith.constant 0 : i32
    %dma_wait3A_57 = tpu.memref_slice %arg2[%dma_wait3A_55, %dma_wait3A_56] : memref<10000x128xf32, #tpu.memory_space<hbm>> -> memref<80x128xf32, #tpu.memory_space<hbm>>
    tpu.wait_dma2 semaphore(%arg13 : memref<!tpu.dma_semaphore, #tpu.memory_space<semaphore_mem>>) src(%dma_wait3A_57 : memref<80x128xf32, #tpu.memory_space<hbm>>) dst(%arg11 : memref<80x128xf32, #tpu.memory_space<vmem>>)
    %dma_wait3A_58 = arith.constant 0 : i32
    %dma_wait3A_59 = tpu.memref_slice %arg3[%dma_wait3A_58] : memref<320000xi32, #tpu.memory_space<hbm>> -> memref<80xi32, #tpu.memory_space<hbm>>
    %dma_wait3A_60 = arith.constant 0 : i32
    %dma_wait3A_61 = tpu.memref_slice %arg3[%dma_wait3A_60] : memref<320000xi32, #tpu.memory_space<hbm>> -> memref<80xi32, #tpu.memory_space<hbm>>
    tpu.wait_dma2 semaphore(%arg17 : memref<!tpu.dma_semaphore, #tpu.memory_space<semaphore_mem>>) src(%dma_wait3A_61 : memref<80xi32, #tpu.memory_space<hbm>>) dst(%arg9 : memref<80xi32, #tpu.memory_space<vmem>>)
    "tpu.region"() ({
      %run_scoped3A = tpu.sem_alloc : memref<!tpu.dma_semaphore, #tpu.memory_space<semaphore_mem>>
      %dma_start3A_70 = arith.constant 0 : i32
      %dma_start3A_71 = arith.constant 0 : i32
      %dma_start3A_72 = tpu.memref_slice %arg6[%dma_start3A_70, %dma_start3A_71] : memref<10000x128xf32, #tpu.memory_space<vmem_shared>> -> memref<10000x128xf32, #tpu.memory_space<vmem_shared>>
      tpu.enqueue_indirect_dma source(%arg11 : memref<80x128xf32, #tpu.memory_space<vmem>>) target(%dma_start3A_72 : memref<10000x128xf32, #tpu.memory_space<vmem_shared>>) offsets(%arg9 : memref<80xi32, #tpu.memory_space<vmem>>) semaphore(%run_scoped3A : memref<!tpu.dma_semaphore, #tpu.memory_space<semaphore_mem>>) {add = true}
      %dma_wait3A_73 = arith.constant 0 : i32
      %dma_wait3A_74 = arith.constant 0 : i32
      %dma_wait3A_75 = tpu.memref_slice %arg6[%dma_wait3A_73, %dma_wait3A_74] : memref<10000x128xf32, #tpu.memory_space<vmem_shared>> -> memref<10000x128xf32, #tpu.memory_space<vmem_shared>>
      tpu.wait_indirect_dma semaphore(%run_scoped3A : memref<!tpu.dma_semaphore, #tpu.memory_space<semaphore_mem>>) src(%arg11 : memref<80x128xf32, #tpu.memory_space<vmem>>) dst(%dma_wait3A_75 : memref<10000x128xf32, #tpu.memory_space<vmem_shared>>)
      tpu.yield
    }) : () -> ()
    %barrier3A_62 = arith.constant 0 : index
    tpu.barrier barrier_id(%barrier3A_62)
    %scan3A_63 = arith.constant 0 : i32
    %scan3A_64 = arith.constant 0 : i32
    %scan3A_65 = arith.constant 8 : i32
    %scan3A_66 = arith.addi %scan3A_64, %scan3A_65 : i32
    %scan3A_67 = arith.constant 1 : i32
    %scan3A_68 = scf.for %scan3A_70 = %scan3A_64 to %scan3A_66 step %scan3A_67 iter_args(%scan3A_71 = %scan3A_63) -> (i32)  : i32 {
      %mul3A_72 = arith.constant 16 : i32
      %mul3A_73 = arith.muli %scan3A_70, %mul3A_72 : i32
      %add3A_74 = arith.addi %arg1, %mul3A_73 : i32
      %lt3A = arith.constant 125 : i32
      %lt3A_75 = arith.cmpi slt, %add3A_74, %lt3A : i32
      %convert_element_type3A = arith.extui %lt3A_75 : i1 to i32
      %cond3A = arith.constant 0 : i32
      %cond3A_76 = arith.cmpi ne, %convert_element_type3A, %cond3A : i32
      scf.if %cond3A_76 {
        %mul3A_78 = arith.constant 80 : i32
        %mul3A_79 = arith.muli %add3A_74, %mul3A_78 : i32
        "tpu.region"() ({
          %run_scoped3A = tpu.sem_alloc : memref<!tpu.dma_semaphore, #tpu.memory_space<semaphore_mem>>
          %dma_start3A_80 = arith.constant 0 : i32
          %dma_start3A_81 = tpu.memref_slice %arg6[%mul3A_79, %dma_start3A_80] : memref<10000x128xf32, #tpu.memory_space<vmem_shared>> -> memref<80x128xf32, #tpu.memory_space<vmem_shared>>
          %dma_start3A_82 = arith.constant 0 : i32
          %dma_start3A_83 = tpu.memref_slice %arg6[%mul3A_79, %dma_start3A_82] : memref<10000x128xf32, #tpu.memory_space<vmem_shared>> -> memref<80x128xf32, #tpu.memory_space<vmem_shared>>
          tpu.enqueue_dma source(%dma_start3A_83 : memref<80x128xf32, #tpu.memory_space<vmem_shared>>) target(%arg11 : memref<80x128xf32, #tpu.memory_space<vmem>>) target_semaphore(%run_scoped3A : memref<!tpu.dma_semaphore, #tpu.memory_space<semaphore_mem>>)
          %dma_wait3A_84 = arith.constant 0 : i32
          %dma_wait3A_85 = tpu.memref_slice %arg6[%mul3A_79, %dma_wait3A_84] : memref<10000x128xf32, #tpu.memory_space<vmem_shared>> -> memref<80x128xf32, #tpu.memory_space<vmem_shared>>
          %dma_wait3A_86 = arith.constant 0 : i32
          %dma_wait3A_87 = tpu.memref_slice %arg6[%mul3A_79, %dma_wait3A_86] : memref<10000x128xf32, #tpu.memory_space<vmem_shared>> -> memref<80x128xf32, #tpu.memory_space<vmem_shared>>
          tpu.wait_dma2 semaphore(%run_scoped3A : memref<!tpu.dma_semaphore, #tpu.memory_space<semaphore_mem>>) src(%dma_wait3A_87 : memref<80x128xf32, #tpu.memory_space<vmem_shared>>) dst(%arg11 : memref<80x128xf32, #tpu.memory_space<vmem>>)
          tpu.yield
        }) : () -> ()
        "tpu.region"() ({
          %run_scoped3A = tpu.sem_alloc : memref<!tpu.dma_semaphore, #tpu.memory_space<semaphore_mem>>
          %dma_start3A_80 = arith.constant 0 : i32
          %dma_start3A_81 = tpu.memref_slice %arg5[%arg0, %mul3A_79, %dma_start3A_80] : memref<2x10000x128xf32, #tpu.memory_space<hbm>> -> memref<1x80x128xf32, #tpu.memory_space<hbm>>
          %dma_start3A_82 = tpu.memref_squeeze %dma_start3A_81 : memref<1x80x128xf32, #tpu.memory_space<hbm>> -> memref<80x128xf32, #tpu.memory_space<hbm>>
          %dma_start3A_83 = arith.constant 0 : i32
          %dma_start3A_84 = tpu.memref_slice %arg5[%arg0, %mul3A_79, %dma_start3A_83] : memref<2x10000x128xf32, #tpu.memory_space<hbm>> -> memref<1x80x128xf32, #tpu.memory_space<hbm>>
          %dma_start3A_85 = tpu.memref_squeeze %dma_start3A_84 : memref<1x80x128xf32, #tpu.memory_space<hbm>> -> memref<80x128xf32, #tpu.memory_space<hbm>>
          tpu.enqueue_dma source(%arg11 : memref<80x128xf32, #tpu.memory_space<vmem>>) target(%dma_start3A_85 : memref<80x128xf32, #tpu.memory_space<hbm>>) target_semaphore(%run_scoped3A : memref<!tpu.dma_semaphore, #tpu.memory_space<semaphore_mem>>)
          %dma_wait3A_86 = arith.constant 0 : i32
          %dma_wait3A_87 = tpu.memref_slice %arg5[%arg0, %mul3A_79, %dma_wait3A_86] : memref<2x10000x128xf32, #tpu.memory_space<hbm>> -> memref<1x80x128xf32, #tpu.memory_space<hbm>>
          %dma_wait3A_88 = tpu.memref_squeeze %dma_wait3A_87 : memref<1x80x128xf32, #tpu.memory_space<hbm>> -> memref<80x128xf32, #tpu.memory_space<hbm>>
          %dma_wait3A_89 = arith.constant 0 : i32
          %dma_wait3A_90 = tpu.memref_slice %arg5[%arg0, %mul3A_79, %dma_wait3A_89] : memref<2x10000x128xf32, #tpu.memory_space<hbm>> -> memref<1x80x128xf32, #tpu.memory_space<hbm>>
          %dma_wait3A_91 = tpu.memref_squeeze %dma_wait3A_90 : memref<1x80x128xf32, #tpu.memory_space<hbm>> -> memref<80x128xf32, #tpu.memory_space<hbm>>
          tpu.wait_dma2 semaphore(%run_scoped3A : memref<!tpu.dma_semaphore, #tpu.memory_space<semaphore_mem>>) src(%arg11 : memref<80x128xf32, #tpu.memory_space<vmem>>) dst(%dma_wait3A_91 : memref<80x128xf32, #tpu.memory_space<hbm>>)
          tpu.yield
        }) : () -> ()
      } else {
      }
      %scan3A_77 = arith.constant 0 : i32
      scf.yield %scan3A_77 : i32
    }
    %scan3A_69 = arith.constant 8 : i32
    return
  }
}

#map = affine_map<(d0, d1) -> (0, 0)>
#map1 = affine_map<(d0, d1) -> (0)>
#map2 = affine_map<(d0, d1) -> (0, 0, 0)>
module attributes {stable_mosaic.version = 14 : i64} {
  func.func @k(%arg0: i32, %arg1: i32, %arg2: memref<10000x128xf32, #tpu.memory_space<hbm>>, %arg3: memref<320000xi32, #tpu.memory_space<hbm>>, %arg4: memref<320000xi32, #tpu.memory_space<hbm>>, %arg5: memref<2x10000x128xf32, #tpu.memory_space<hbm>>, %arg6: memref<10000x128xf32, #tpu.memory_space<vmem_shared>>, %arg7: memref<80xi32, #tpu.memory_space<vmem>>, %arg8: memref<80xi32, #tpu.memory_space<vmem>>, %arg9: memref<80xi32, #tpu.memory_space<vmem>>, %arg10: memref<80xi32, #tpu.memory_space<vmem>>, %arg11: memref<80x128xf32, #tpu.memory_space<vmem>>, %arg12: memref<80x128xf32, #tpu.memory_space<vmem>>, %arg13: memref<!tpu.dma_semaphore, #tpu.memory_space<semaphore_mem>>, %arg14: memref<!tpu.dma_semaphore, #tpu.memory_space<semaphore_mem>>, %arg15: memref<!tpu.dma_semaphore, #tpu.memory_space<semaphore_mem>>, %arg16: memref<!tpu.dma_semaphore, #tpu.memory_space<semaphore_mem>>, %arg17: memref<!tpu.dma_semaphore, #tpu.memory_space<semaphore_mem>>, %arg18: memref<!tpu.dma_semaphore, #tpu.memory_space<semaphore_mem>>) attributes {dimension_semantics = [#tpu.dimension_semantics<core_parallel>, #tpu.dimension_semantics<subcore_parallel>], iteration_bounds = array<i64: 2, 16>, scalar_prefetch = 0 : i64, scratch_operands = 13 : i64, tpu.core_type = #tpu.core_type<sc_vector_subcore>, window_params = [{transform_indices = #map}, {transform_indices = #map1}, {transform_indices = #map1}, {transform_indices = #map2}]} {
    %mul3A = arith.constant 2 : i32
    %mul3A_0 = arith.muli %arg1, %mul3A : i32
    %add3A = arith.addi %mul3A_0, %arg0 : i32
    %broadcast_in_dim3A = arith.constant 0.000000e+00 : f32
    %broadcast_in_dim3A_1 = vector.broadcast %broadcast_in_dim3A : f32 to vector<16xf32>
    %scan3A = arith.constant 0 : i32
    %scan3A_2 = arith.constant 0 : i32
    %scan3A_3 = arith.constant 80 : i32
    %scan3A_4 = arith.addi %scan3A_2, %scan3A_3 : i32
    %scan3A_5 = arith.constant 1 : i32
    %scan3A_6 = scf.for %scan3A_70 = %scan3A_2 to %scan3A_4 step %scan3A_5 iter_args(%scan3A_71 = %scan3A) -> (i32)  : i32 {
      %scan3A_72 = arith.constant 0 : i32
      %scan3A_73 = arith.constant 0 : i32
      %scan3A_74 = arith.constant 8 : i32
      %scan3A_75 = arith.addi %scan3A_73, %scan3A_74 : i32
      %scan3A_76 = arith.constant 1 : i32
      %scan3A_77 = scf.for %scan3A_80 = %scan3A_73 to %scan3A_75 step %scan3A_76 iter_args(%scan3A_81 = %scan3A_72) -> (i32)  : i32 {
        %mul3A_82 = arith.constant 16 : i32
        %mul3A_83 = arith.muli %scan3A_80, %mul3A_82 : i32
        %swap3A = arith.index_cast %scan3A_70 : i32 to index
        %swap3A_84 = arith.index_cast %mul3A_83 : i32 to index
        %swap3A_85 = tpu.vector_load %arg11[%swap3A, %swap3A_84] {strides = array<i32>} : memref<80x128xf32, #tpu.memory_space<vmem>>, vector<1x16xf32>,
        %swap3A_86 = vector.shape_cast %swap3A_85 : vector<1x16xf32> to vector<16xf32>
        %swap3A_87 = vector.shape_cast %broadcast_in_dim3A_1 : vector<16xf32> to vector<1x16xf32>
        tpu.vector_store %arg11[%swap3A, %swap3A_84], %swap3A_87 {strides = array<i32>} : memref<80x128xf32, #tpu.memory_space<vmem>>, vector<1x16xf32>,
        %scan3A_88 = arith.constant 0 : i32
        scf.yield %scan3A_88 : i32
      }
      %scan3A_78 = arith.constant 8 : i32
      %scan3A_79 = arith.constant 0 : i32
      scf.yield %scan3A_79 : i32
    }
    %scan3A_7 = arith.constant 80 : i32
    %scan3A_8 = arith.constant 0 : i32
    %scan3A_9 = arith.constant 0 : i32
    %scan3A_10 = arith.constant 8 : i32
    %scan3A_11 = arith.addi %scan3A_9, %scan3A_10 : i32
    %scan3A_12 = arith.constant 1 : i32
    %scan3A_13 = scf.for %scan3A_70 = %scan3A_9 to %scan3A_11 step %scan3A_12 iter_args(%scan3A_71 = %scan3A_8) -> (i32)  : i32 {
      %mul3A_72 = arith.constant 16 : i32
      %mul3A_73 = arith.muli %scan3A_70, %mul3A_72 : i32
      %add3A_74 = arith.addi %arg1, %mul3A_73 : i32
      %lt3A = arith.constant 125 : i32
      %lt3A_75 = arith.cmpi slt, %add3A_74, %lt3A : i32
      %convert_element_type3A = arith.extui %lt3A_75 : i1 to i32
      %cond3A = arith.constant 0 : i32
      %cond3A_76 = arith.cmpi ne, %convert_element_type3A, %cond3A : i32
      scf.if %cond3A_76 {
        %mul3A_78 = arith.constant 80 : i32
        %mul3A_79 = arith.muli %add3A_74, %mul3A_78 : i32
        "tpu.region"() ({
          %run_scoped3A = tpu.sem_alloc : memref<!tpu.dma_semaphore, #tpu.memory_space<semaphore_mem>>
          %dma_start3A_80 = arith.constant 0 : i32
          %dma_start3A_81 = tpu.memref_slice %arg6[%mul3A_79, %dma_start3A_80] : memref<10000x128xf32, #tpu.memory_space<vmem_shared>> -> memref<80x128xf32, #tpu.memory_space<vmem_shared>>
          %dma_start3A_82 = arith.constant 0 : i32
          %dma_start3A_83 = tpu.memref_slice %arg6[%mul3A_79, %dma_start3A_82] : memref<10000x128xf32, #tpu.memory_space<vmem_shared>> -> memref<80x128xf32, #tpu.memory_space<vmem_shared>>
          tpu.enqueue_dma source(%arg11 : memref<80x128xf32, #tpu.memory_space<vmem>>) target(%dma_start3A_83 : memref<80x128xf32, #tpu.memory_space<vmem_shared>>) target_semaphore(%run_scoped3A : memref<!tpu.dma_semaphore, #tpu.memory_space<semaphore_mem>>)
          %dma_wait3A_84 = arith.constant 0 : i32
          %dma_wait3A_85 = tpu.memref_slice %arg6[%mul3A_79, %dma_wait3A_84] : memref<10000x128xf32, #tpu.memory_space<vmem_shared>> -> memref<80x128xf32, #tpu.memory_space<vmem_shared>>
          %dma_wait3A_86 = arith.constant 0 : i32
          %dma_wait3A_87 = tpu.memref_slice %arg6[%mul3A_79, %dma_wait3A_86] : memref<10000x128xf32, #tpu.memory_space<vmem_shared>> -> memref<80x128xf32, #tpu.memory_space<vmem_shared>>
          tpu.wait_dma2 semaphore(%run_scoped3A : memref<!tpu.dma_semaphore, #tpu.memory_space<semaphore_mem>>) src(%arg11 : memref<80x128xf32, #tpu.memory_space<vmem>>) dst(%dma_wait3A_87 : memref<80x128xf32, #tpu.memory_space<vmem_shared>>)
          tpu.yield
        }) : () -> ()
      } else {
      }
      %scan3A_77 = arith.constant 0 : i32
      scf.yield %scan3A_77 : i32
    }
    %scan3A_14 = arith.constant 8 : i32
    %barrier3A = arith.constant 0 : index
    tpu.barrier barrier_id(%barrier3A)
    %mul3A_15 = arith.constant 10000 : i32
    %mul3A_16 = arith.muli %add3A, %mul3A_15 : i32
    %add3A_17 = arith.constant 0 : i32
    %add3A_18 = arith.addi %mul3A_16, %add3A_17 : i32
    %dma_start3A = tpu.memref_slice %arg3[%add3A_18] : memref<320000xi32, #tpu.memory_space<hbm>> -> memref<80xi32, #tpu.memory_space<hbm>>
    %dma_start3A_19 = tpu.memref_slice %arg3[%add3A_18] : memref<320000xi32, #tpu.memory_space<hbm>> -> memref<80xi32, #tpu.memory_space<hbm>>
    tpu.enqueue_dma source(%dma_start3A_19 : memref<80xi32, #tpu.memory_space<hbm>>) target(%arg7 : memref<80xi32, #tpu.memory_space<vmem>>) target_semaphore(%arg15 : memref<!tpu.dma_semaphore, #tpu.memory_space<semaphore_mem>>)
    %add3A_20 = arith.constant 0 : i32
    %add3A_21 = arith.addi %mul3A_16, %add3A_20 : i32
    %dma_start3A_22 = tpu.memref_slice %arg4[%add3A_21] : memref<320000xi32, #tpu.memory_space<hbm>> -> memref<80xi32, #tpu.memory_space<hbm>>
    %dma_start3A_23 = tpu.memref_slice %arg4[%add3A_21] : memref<320000xi32, #tpu.memory_space<hbm>> -> memref<80xi32, #tpu.memory_space<hbm>>
    tpu.enqueue_dma source(%dma_start3A_23 : memref<80xi32, #tpu.memory_space<hbm>>) target(%arg9 : memref<80xi32, #tpu.memory_space<vmem>>) target_semaphore(%arg17 : memref<!tpu.dma_semaphore, #tpu.memory_space<semaphore_mem>>)
    %add3A_24 = arith.constant 80 : i32
    %add3A_25 = arith.addi %mul3A_16, %add3A_24 : i32
    %dma_start3A_26 = tpu.memref_slice %arg3[%add3A_25] : memref<320000xi32, #tpu.memory_space<hbm>> -> memref<80xi32, #tpu.memory_space<hbm>>
    %dma_start3A_27 = tpu.memref_slice %arg3[%add3A_25] : memref<320000xi32, #tpu.memory_space<hbm>> -> memref<80xi32, #tpu.memory_space<hbm>>
    tpu.enqueue_dma source(%dma_start3A_27 : memref<80xi32, #tpu.memory_space<hbm>>) target(%arg8 : memref<80xi32, #tpu.memory_space<vmem>>) target_semaphore(%arg16 : memref<!tpu.dma_semaphore, #tpu.memory_space<semaphore_mem>>)
    %add3A_28 = arith.constant 80 : i32
    %add3A_29 = arith.addi %mul3A_16, %add3A_28 : i32
    %dma_start3A_30 = tpu.memref_slice %arg4[%add3A_29] : memref<320000xi32, #tpu.memory_space<hbm>> -> memref<80xi32, #tpu.memory_space<hbm>>
    %dma_start3A_31 = tpu.memref_slice %arg4[%add3A_29] : memref<320000xi32, #tpu.memory_space<hbm>> -> memref<80xi32, #tpu.memory_space<hbm>>
    tpu.enqueue_dma source(%dma_start3A_31 : memref<80xi32, #tpu.memory_space<hbm>>) target(%arg10 : memref<80xi32, #tpu.memory_space<vmem>>) target_semaphore(%arg18 : memref<!tpu.dma_semaphore, #tpu.memory_space<semaphore_mem>>)
    %dma_wait3A = arith.constant 0 : i32
    %dma_wait3A_32 = tpu.memref_slice %arg3[%dma_wait3A] : memref<320000xi32, #tpu.memory_space<hbm>> -> memref<80xi32, #tpu.memory_space<hbm>>
    %dma_wait3A_33 = arith.constant 0 : i32
    %dma_wait3A_34 = tpu.memref_slice %arg3[%dma_wait3A_33] : memref<320000xi32, #tpu.memory_space<hbm>> -> memref<80xi32, #tpu.memory_space<hbm>>
    tpu.wait_dma2 semaphore(%arg15 : memref<!tpu.dma_semaphore, #tpu.memory_space<semaphore_mem>>) src(%dma_wait3A_34 : memref<80xi32, #tpu.memory_space<hbm>>) dst(%arg7 : memref<80xi32, #tpu.memory_space<vmem>>)
    %dma_start3A_35 = arith.constant 0 : i32
    %dma_start3A_36 = arith.constant 0 : i32
    %dma_start3A_37 = tpu.memref_slice %arg2[%dma_start3A_35, %dma_start3A_36] : memref<10000x128xf32, #tpu.memory_space<hbm>> -> memref<10000x128xf32, #tpu.memory_space<hbm>>
    tpu.enqueue_indirect_dma source(%dma_start3A_37 : memref<10000x128xf32, #tpu.memory_space<hbm>>) target(%arg11 : memref<80x128xf32, #tpu.memory_space<vmem>>) offsets(%arg7 : memref<80xi32, #tpu.memory_space<vmem>>) semaphore(%arg13 : memref<!tpu.dma_semaphore, #tpu.memory_space<semaphore_mem>>)
    %dma_wait3A_38 = arith.constant 0 : i32
    %dma_wait3A_39 = tpu.memref_slice %arg3[%dma_wait3A_38] : memref<320000xi32, #tpu.memory_space<hbm>> -> memref<80xi32, #tpu.memory_space<hbm>>
    %dma_wait3A_40 = arith.constant 0 : i32
    %dma_wait3A_41 = tpu.memref_slice %arg3[%dma_wait3A_40] : memref<320000xi32, #tpu.memory_space<hbm>> -> memref<80xi32, #tpu.memory_space<hbm>>
    tpu.wait_dma2 semaphore(%arg16 : memref<!tpu.dma_semaphore, #tpu.memory_space<semaphore_mem>>) src(%dma_wait3A_41 : memref<80xi32, #tpu.memory_space<hbm>>) dst(%arg8 : memref<80xi32, #tpu.memory_space<vmem>>)
    %dma_start3A_42 = arith.constant 0 : i32
    %dma_start3A_43 = arith.constant 0 : i32
    %dma_start3A_44 = tpu.memref_slice %arg2[%dma_start3A_42, %dma_start3A_43] : memref<10000x128xf32, #tpu.memory_space<hbm>> -> memref<10000x128xf32, #tpu.memory_space<hbm>>
    tpu.enqueue_indirect_dma source(%dma_start3A_44 : memref<10000x128xf32, #tpu.memory_space<hbm>>) target(%arg12 : memref<80x128xf32, #tpu.memory_space<vmem>>) offsets(%arg8 : memref<80xi32, #tpu.memory_space<vmem>>) semaphore(%arg14 : memref<!tpu.dma_semaphore, #tpu.memory_space<semaphore_mem>>)
    %scan3A_45 = arith.constant 0 : i32
    %scan3A_46 = arith.constant 0 : i32
    %scan3A_47 = arith.constant 62 : i32
    %scan3A_48 = arith.addi %scan3A_46, %scan3A_47 : i32
    %scan3A_49 = arith.constant 1 : i32
    %scan3A_50 = scf.for %scan3A_70 = %scan3A_46 to %scan3A_48 step %scan3A_49 iter_args(%scan3A_71 = %scan3A_45) -> (i32)  : i32 {
      %mul3A_72 = arith.constant 2 : i32
      %mul3A_73 = arith.muli %mul3A_72, %scan3A_70 : i32
      %dma_wait3A_74 = arith.constant 0 : i32
      %dma_wait3A_75 = arith.constant 0 : i32
      %dma_wait3A_76 = tpu.memref_slice %arg2[%dma_wait3A_74, %dma_wait3A_75] : memref<10000x128xf32, #tpu.memory_space<hbm>> -> memref<80x128xf32, #tpu.memory_space<hbm>>
      %dma_wait3A_77 = arith.constant 0 : i32
      %dma_wait3A_78 = arith.constant 0 : i32
      %dma_wait3A_79 = tpu.memref_slice %arg2[%dma_wait3A_77, %dma_wait3A_78] : memref<10000x128xf32, #tpu.memory_space<hbm>> -> memref<80x128xf32, #tpu.memory_space<hbm>>
      tpu.wait_dma2 semaphore(%arg13 : memref<!tpu.dma_semaphore, #tpu.memory_space<semaphore_mem>>) src(%dma_wait3A_79 : memref<80x128xf32, #tpu.memory_space<hbm>>) dst(%arg11 : memref<80x128xf32, #tpu.memory_space<vmem>>)
      %add3A_80 = arith.constant 2 : i32
      %add3A_81 = arith.addi %mul3A_73, %add3A_80 : i32
      %mul3A_82 = arith.constant 80 : i32
      %mul3A_83 = arith.muli %add3A_81, %mul3A_82 : i32
      %add3A_84 = arith.addi %mul3A_16, %mul3A_83 : i32
      %dma_start3A_85 = tpu.memref_slice %arg3[%add3A_84] : memref<320000xi32, #tpu.memory_space<hbm>> -> memref<80xi32, #tpu.memory_space<hbm>>
      %dma_start3A_86 = tpu.memref_slice %arg3[%add3A_84] : memref<320000xi32, #tpu.memory_space<hbm>> -> memref<80xi32, #tpu.memory_space<hbm>>
      tpu.enqueue_dma source(%dma_start3A_86 : memref<80xi32, #tpu.memory_space<hbm>>) target(%arg7 : memref<80xi32, #tpu.memory_space<vmem>>) target_semaphore(%arg15 : memref<!tpu.dma_semaphore, #tpu.memory_space<semaphore_mem>>)
      %dma_wait3A_87 = arith.constant 0 : i32
      %dma_wait3A_88 = tpu.memref_slice %arg3[%dma_wait3A_87] : memref<320000xi32, #tpu.memory_space<hbm>> -> memref<80xi32, #tpu.memory_space<hbm>>
      %dma_wait3A_89 = arith.constant 0 : i32
      %dma_wait3A_90 = tpu.memref_slice %arg3[%dma_wait3A_89] : memref<320000xi32, #tpu.memory_space<hbm>> -> memref<80xi32, #tpu.memory_space<hbm>>
      tpu.wait_dma2 semaphore(%arg17 : memref<!tpu.dma_semaphore, #tpu.memory_space<semaphore_mem>>) src(%dma_wait3A_90 : memref<80xi32, #tpu.memory_space<hbm>>) dst(%arg9 : memref<80xi32, #tpu.memory_space<vmem>>)
      "tpu.region"() ({
        %run_scoped3A = tpu.sem_alloc : memref<!tpu.dma_semaphore, #tpu.memory_space<semaphore_mem>>
        %dma_start3A_123 = arith.constant 0 : i32
        %dma_start3A_124 = arith.constant 0 : i32
        %dma_start3A_125 = tpu.memref_slice %arg6[%dma_start3A_123, %dma_start3A_124] : memref<10000x128xf32, #tpu.memory_space<vmem_shared>> -> memref<10000x128xf32, #tpu.memory_space<vmem_shared>>
        tpu.enqueue_indirect_dma source(%arg11 : memref<80x128xf32, #tpu.memory_space<vmem>>) target(%dma_start3A_125 : memref<10000x128xf32, #tpu.memory_space<vmem_shared>>) offsets(%arg9 : memref<80xi32, #tpu.memory_space<vmem>>) semaphore(%run_scoped3A : memref<!tpu.dma_semaphore, #tpu.memory_space<semaphore_mem>>) {add = true}
        %dma_wait3A_126 = arith.constant 0 : i32
        %dma_wait3A_127 = arith.constant 0 : i32
        %dma_wait3A_128 = tpu.memref_slice %arg6[%dma_wait3A_126, %dma_wait3A_127] : memref<10000x128xf32, #tpu.memory_space<vmem_shared>> -> memref<10000x128xf32, #tpu.memory_space<vmem_shared>>
        tpu.wait_indirect_dma semaphore(%run_scoped3A : memref<!tpu.dma_semaphore, #tpu.memory_space<semaphore_mem>>) src(%arg11 : memref<80x128xf32, #tpu.memory_space<vmem>>) dst(%dma_wait3A_128 : memref<10000x128xf32, #tpu.memory_space<vmem_shared>>)
        tpu.yield
      }) : () -> ()
      %dma_wait3A_91 = arith.constant 0 : i32
      %dma_wait3A_92 = tpu.memref_slice %arg3[%dma_wait3A_91] : memref<320000xi32, #tpu.memory_space<hbm>> -> memref<80xi32, #tpu.memory_space<hbm>>
      %dma_wait3A_93 = arith.constant 0 : i32
      %dma_wait3A_94 = tpu.memref_slice %arg3[%dma_wait3A_93] : memref<320000xi32, #tpu.memory_space<hbm>> -> memref<80xi32, #tpu.memory_space<hbm>>
      tpu.wait_dma2 semaphore(%arg15 : memref<!tpu.dma_semaphore, #tpu.memory_space<semaphore_mem>>) src(%dma_wait3A_94 : memref<80xi32, #tpu.memory_space<hbm>>) dst(%arg7 : memref<80xi32, #tpu.memory_space<vmem>>)
      %dma_start3A_95 = arith.constant 0 : i32
      %dma_start3A_96 = arith.constant 0 : i32
      %dma_start3A_97 = tpu.memref_slice %arg2[%dma_start3A_95, %dma_start3A_96] : memref<10000x128xf32, #tpu.memory_space<hbm>> -> memref<10000x128xf32, #tpu.memory_space<hbm>>
      tpu.enqueue_indirect_dma source(%dma_start3A_97 : memref<10000x128xf32, #tpu.memory_space<hbm>>) target(%arg11 : memref<80x128xf32, #tpu.memory_space<vmem>>) offsets(%arg7 : memref<80xi32, #tpu.memory_space<vmem>>) semaphore(%arg13 : memref<!tpu.dma_semaphore, #tpu.memory_space<semaphore_mem>>)
      %add3A_98 = arith.constant 2 : i32
      %add3A_99 = arith.addi %mul3A_73, %add3A_98 : i32
      %mul3A_100 = arith.constant 80 : i32
      %mul3A_101 = arith.muli %add3A_99, %mul3A_100 : i32
      %add3A_102 = arith.addi %mul3A_16, %mul3A_101 : i32
      %dma_start3A_103 = tpu.memref_slice %arg4[%add3A_102] : memref<320000xi32, #tpu.memory_space<hbm>> -> memref<80xi32, #tpu.memory_space<hbm>>
      %dma_start3A_104 = tpu.memref_slice %arg4[%add3A_102] : memref<320000xi32, #tpu.memory_space<hbm>> -> memref<80xi32, #tpu.memory_space<hbm>>
      tpu.enqueue_dma source(%dma_start3A_104 : memref<80xi32, #tpu.memory_space<hbm>>) target(%arg9 : memref<80xi32, #tpu.memory_space<vmem>>) target_semaphore(%arg17 : memref<!tpu.dma_semaphore, #tpu.memory_space<semaphore_mem>>)
      %dma_wait3A_105 = arith.constant 0 : i32
      %dma_wait3A_106 = arith.constant 0 : i32
      %dma_wait3A_107 = tpu.memref_slice %arg2[%dma_wait3A_105, %dma_wait3A_106] : memref<10000x128xf32, #tpu.memory_space<hbm>> -> memref<80x128xf32, #tpu.memory_space<hbm>>
      %dma_wait3A_108 = arith.constant 0 : i32
      %dma_wait3A_109 = arith.constant 0 : i32
      %dma_wait3A_110 = tpu.memref_slice %arg2[%dma_wait3A_108, %dma_wait3A_109] : memref<10000x128xf32, #tpu.memory_space<hbm>> -> memref<80x128xf32, #tpu.memory_space<hbm>>
      tpu.wait_dma2 semaphore(%arg14 : memref<!tpu.dma_semaphore, #tpu.memory_space<semaphore_mem>>) src(%dma_wait3A_110 : memref<80x128xf32, #tpu.memory_space<hbm>>) dst(%arg12 : memref<80x128xf32, #tpu.memory_space<vmem>>)
      %lt3A = arith.constant 61 : i32
      %lt3A_111 = arith.cmpi slt, %scan3A_70, %lt3A : i32
      %convert_element_type3A = arith.extui %lt3A_111 : i1 to i32
      %cond3A = arith.constant 0 : i32
      %cond3A_112 = arith.cmpi ne, %convert_element_type3A, %cond3A : i32
      scf.if %cond3A_112 {
        %add3A_123 = arith.constant 3 : i32
        %add3A_124 = arith.addi %mul3A_73, %add3A_123 : i32
        %mul3A_125 = arith.constant 80 : i32
        %mul3A_126 = arith.muli %add3A_124, %mul3A_125 : i32
        %add3A_127 = arith.addi %mul3A_16, %mul3A_126 : i32
        %dma_start3A_128 = tpu.memref_slice %arg3[%add3A_127] : memref<320000xi32, #tpu.memory_space<hbm>> -> memref<80xi32, #tpu.memory_space<hbm>>
        %dma_start3A_129 = tpu.memref_slice %arg3[%add3A_127] : memref<320000xi32, #tpu.memory_space<hbm>> -> memref<80xi32, #tpu.memory_space<hbm>>
        tpu.enqueue_dma source(%dma_start3A_129 : memref<80xi32, #tpu.memory_space<hbm>>) target(%arg8 : memref<80xi32, #tpu.memory_space<vmem>>) target_semaphore(%arg16 : memref<!tpu.dma_semaphore, #tpu.memory_space<semaphore_mem>>)
      } else {
      }
      %dma_wait3A_113 = arith.constant 0 : i32
      %dma_wait3A_114 = tpu.memref_slice %arg3[%dma_wait3A_113] : memref<320000xi32, #tpu.memory_space<hbm>> -> memref<80xi32, #tpu.memory_space<hbm>>
      %dma_wait3A_115 = arith.constant 0 : i32
      %dma_wait3A_116 = tpu.memref_slice %arg3[%dma_wait3A_115] : memref<320000xi32, #tpu.memory_space<hbm>> -> memref<80xi32, #tpu.memory_space<hbm>>
      tpu.wait_dma2 semaphore(%arg18 : memref<!tpu.dma_semaphore, #tpu.memory_space<semaphore_mem>>) src(%dma_wait3A_116 : memref<80xi32, #tpu.memory_space<hbm>>) dst(%arg10 : memref<80xi32, #tpu.memory_space<vmem>>)
      "tpu.region"() ({
        %run_scoped3A = tpu.sem_alloc : memref<!tpu.dma_semaphore, #tpu.memory_space<semaphore_mem>>
        %dma_start3A_123 = arith.constant 0 : i32
        %dma_start3A_124 = arith.constant 0 : i32
        %dma_start3A_125 = tpu.memref_slice %arg6[%dma_start3A_123, %dma_start3A_124] : memref<10000x128xf32, #tpu.memory_space<vmem_shared>> -> memref<10000x128xf32, #tpu.memory_space<vmem_shared>>
        tpu.enqueue_indirect_dma source(%arg12 : memref<80x128xf32, #tpu.memory_space<vmem>>) target(%dma_start3A_125 : memref<10000x128xf32, #tpu.memory_space<vmem_shared>>) offsets(%arg10 : memref<80xi32, #tpu.memory_space<vmem>>) semaphore(%run_scoped3A : memref<!tpu.dma_semaphore, #tpu.memory_space<semaphore_mem>>) {add = true}
        %dma_wait3A_126 = arith.constant 0 : i32
        %dma_wait3A_127 = arith.constant 0 : i32
        %dma_wait3A_128 = tpu.memref_slice %arg6[%dma_wait3A_126, %dma_wait3A_127] : memref<10000x128xf32, #tpu.memory_space<vmem_shared>> -> memref<10000x128xf32, #tpu.memory_space<vmem_shared>>
        tpu.wait_indirect_dma semaphore(%run_scoped3A : memref<!tpu.dma_semaphore, #tpu.memory_space<semaphore_mem>>) src(%arg12 : memref<80x128xf32, #tpu.memory_space<vmem>>) dst(%dma_wait3A_128 : memref<10000x128xf32, #tpu.memory_space<vmem_shared>>)
        tpu.yield
      }) : () -> ()
      %lt3A_117 = arith.constant 61 : i32
      %lt3A_118 = arith.cmpi slt, %scan3A_70, %lt3A_117 : i32
      %convert_element_type3A_119 = arith.extui %lt3A_118 : i1 to i32
      %cond3A_120 = arith.constant 0 : i32
      %cond3A_121 = arith.cmpi ne, %convert_element_type3A_119, %cond3A_120 : i32
      scf.if %cond3A_121 {
        %dma_wait3A_123 = arith.constant 0 : i32
        %dma_wait3A_124 = tpu.memref_slice %arg3[%dma_wait3A_123] : memref<320000xi32, #tpu.memory_space<hbm>> -> memref<80xi32, #tpu.memory_space<hbm>>
        %dma_wait3A_125 = arith.constant 0 : i32
        %dma_wait3A_126 = tpu.memref_slice %arg3[%dma_wait3A_125] : memref<320000xi32, #tpu.memory_space<hbm>> -> memref<80xi32, #tpu.memory_space<hbm>>
        tpu.wait_dma2 semaphore(%arg16 : memref<!tpu.dma_semaphore, #tpu.memory_space<semaphore_mem>>) src(%dma_wait3A_126 : memref<80xi32, #tpu.memory_space<hbm>>) dst(%arg8 : memref<80xi32, #tpu.memory_space<vmem>>)
        %dma_start3A_127 = arith.constant 0 : i32
        %dma_start3A_128 = arith.constant 0 : i32
        %dma_start3A_129 = tpu.memref_slice %arg2[%dma_start3A_127, %dma_start3A_128] : memref<10000x128xf32, #tpu.memory_space<hbm>> -> memref<10000x128xf32, #tpu.memory_space<hbm>>
        tpu.enqueue_indirect_dma source(%dma_start3A_129 : memref<10000x128xf32, #tpu.memory_space<hbm>>) target(%arg12 : memref<80x128xf32, #tpu.memory_space<vmem>>) offsets(%arg8 : memref<80xi32, #tpu.memory_space<vmem>>) semaphore(%arg14 : memref<!tpu.dma_semaphore, #tpu.memory_space<semaphore_mem>>)
        %add3A_130 = arith.constant 3 : i32
        %add3A_131 = arith.addi %mul3A_73, %add3A_130 : i32
        %mul3A_132 = arith.constant 80 : i32
        %mul3A_133 = arith.muli %add3A_131, %mul3A_132 : i32
        %add3A_134 = arith.addi %mul3A_16, %mul3A_133 : i32
        %dma_start3A_135 = tpu.memref_slice %arg4[%add3A_134] : memref<320000xi32, #tpu.memory_space<hbm>> -> memref<80xi32, #tpu.memory_space<hbm>>
        %dma_start3A_136 = tpu.memref_slice %arg4[%add3A_134] : memref<320000xi32, #tpu.memory_space<hbm>> -> memref<80xi32, #tpu.memory_space<hbm>>
        tpu.enqueue_dma source(%dma_start3A_136 : memref<80xi32, #tpu.memory_space<hbm>>) target(%arg10 : memref<80xi32, #tpu.memory_space<vmem>>) target_semaphore(%arg18 : memref<!tpu.dma_semaphore, #tpu.memory_space<semaphore_mem>>)
      } else {
      }
      %scan3A_122 = arith.constant 0 : i32
      scf.yield %scan3A_122 : i32
    }
    %scan3A_51 = arith.constant 62 : i32
    %dma_wait3A_52 = arith.constant 0 : i32
    %dma_wait3A_53 = arith.constant 0 : i32
    %dma_wait3A_54 = tpu.memref_slice %arg2[%dma_wait3A_52, %dma_wait3A_53] : memref<10000x128xf32, #tpu.memory_space<hbm>> -> memref<80x128xf32, #tpu.memory_space<hbm>>
    %dma_wait3A_55 = arith.constant 0 : i32
    %dma_wait3A_56 = arith.constant 0 : i32
    %dma_wait3A_57 = tpu.memref_slice %arg2[%dma_wait3A_55, %dma_wait3A_56] : memref<10000x128xf32, #tpu.memory_space<hbm>> -> memref<80x128xf32, #tpu.memory_space<hbm>>
    tpu.wait_dma2 semaphore(%arg13 : memref<!tpu.dma_semaphore, #tpu.memory_space<semaphore_mem>>) src(%dma_wait3A_57 : memref<80x128xf32, #tpu.memory_space<hbm>>) dst(%arg11 : memref<80x128xf32, #tpu.memory_space<vmem>>)
    %dma_wait3A_58 = arith.constant 0 : i32
    %dma_wait3A_59 = tpu.memref_slice %arg3[%dma_wait3A_58] : memref<320000xi32, #tpu.memory_space<hbm>> -> memref<80xi32, #tpu.memory_space<hbm>>
    %dma_wait3A_60 = arith.constant 0 : i32
    %dma_wait3A_61 = tpu.memref_slice %arg3[%dma_wait3A_60] : memref<320000xi32, #tpu.memory_space<hbm>> -> memref<80xi32, #tpu.memory_space<hbm>>
    tpu.wait_dma2 semaphore(%arg17 : memref<!tpu.dma_semaphore, #tpu.memory_space<semaphore_mem>>) src(%dma_wait3A_61 : memref<80xi32, #tpu.memory_space<hbm>>) dst(%arg9 : memref<80xi32, #tpu.memory_space<vmem>>)
    "tpu.region"() ({
      %run_scoped3A = tpu.sem_alloc : memref<!tpu.dma_semaphore, #tpu.memory_space<semaphore_mem>>
      %dma_start3A_70 = arith.constant 0 : i32
      %dma_start3A_71 = arith.constant 0 : i32
      %dma_start3A_72 = tpu.memref_slice %arg6[%dma_start3A_70, %dma_start3A_71] : memref<10000x128xf32, #tpu.memory_space<vmem_shared>> -> memref<10000x128xf32, #tpu.memory_space<vmem_shared>>
      tpu.enqueue_indirect_dma source(%arg11 : memref<80x128xf32, #tpu.memory_space<vmem>>) target(%dma_start3A_72 : memref<10000x128xf32, #tpu.memory_space<vmem_shared>>) offsets(%arg9 : memref<80xi32, #tpu.memory_space<vmem>>) semaphore(%run_scoped3A : memref<!tpu.dma_semaphore, #tpu.memory_space<semaphore_mem>>) {add = true}
      %dma_wait3A_73 = arith.constant 0 : i32
      %dma_wait3A_74 = arith.constant 0 : i32
      %dma_wait3A_75 = tpu.memref_slice %arg6[%dma_wait3A_73, %dma_wait3A_74] : memref<10000x128xf32, #tpu.memory_space<vmem_shared>> -> memref<10000x128xf32, #tpu.memory_space<vmem_shared>>
      tpu.wait_indirect_dma semaphore(%run_scoped3A : memref<!tpu.dma_semaphore, #tpu.memory_space<semaphore_mem>>) src(%arg11 : memref<80x128xf32, #tpu.memory_space<vmem>>) dst(%dma_wait3A_75 : memref<10000x128xf32, #tpu.memory_space<vmem_shared>>)
      tpu.yield
    }) : () -> ()
    %barrier3A_62 = arith.constant 0 : index
    tpu.barrier barrier_id(%barrier3A_62)
    %scan3A_63 = arith.constant 0 : i32
    %scan3A_64 = arith.constant 0 : i32
    %scan3A_65 = arith.constant 8 : i32
    %scan3A_66 = arith.addi %scan3A_64, %scan3A_65 : i32
    %scan3A_67 = arith.constant 1 : i32
    %scan3A_68 = scf.for %scan3A_70 = %scan3A_64 to %scan3A_66 step %scan3A_67 iter_args(%scan3A_71 = %scan3A_63) -> (i32)  : i32 {
      %mul3A_72 = arith.constant 16 : i32
      %mul3A_73 = arith.muli %scan3A_70, %mul3A_72 : i32
      %add3A_74 = arith.addi %arg1, %mul3A_73 : i32
      %lt3A = arith.constant 125 : i32
      %lt3A_75 = arith.cmpi slt, %add3A_74, %lt3A : i32
      %convert_element_type3A = arith.extui %lt3A_75 : i1 to i32
      %cond3A = arith.constant 0 : i32
      %cond3A_76 = arith.cmpi ne, %convert_element_type3A, %cond3A : i32
      scf.if %cond3A_76 {
        %mul3A_78 = arith.constant 80 : i32
        %mul3A_79 = arith.muli %add3A_74, %mul3A_78 : i32
        "tpu.region"() ({
          %run_scoped3A = tpu.sem_alloc : memref<!tpu.dma_semaphore, #tpu.memory_space<semaphore_mem>>
          %dma_start3A_80 = arith.constant 0 : i32
          %dma_start3A_81 = tpu.memref_slice %arg6[%mul3A_79, %dma_start3A_80] : memref<10000x128xf32, #tpu.memory_space<vmem_shared>> -> memref<80x128xf32, #tpu.memory_space<vmem_shared>>
          %dma_start3A_82 = arith.constant 0 : i32
          %dma_start3A_83 = tpu.memref_slice %arg6[%mul3A_79, %dma_start3A_82] : memref<10000x128xf32, #tpu.memory_space<vmem_shared>> -> memref<80x128xf32, #tpu.memory_space<vmem_shared>>
          tpu.enqueue_dma source(%dma_start3A_83 : memref<80x128xf32, #tpu.memory_space<vmem_shared>>) target(%arg11 : memref<80x128xf32, #tpu.memory_space<vmem>>) target_semaphore(%run_scoped3A : memref<!tpu.dma_semaphore, #tpu.memory_space<semaphore_mem>>)
          %dma_wait3A_84 = arith.constant 0 : i32
          %dma_wait3A_85 = tpu.memref_slice %arg6[%mul3A_79, %dma_wait3A_84] : memref<10000x128xf32, #tpu.memory_space<vmem_shared>> -> memref<80x128xf32, #tpu.memory_space<vmem_shared>>
          %dma_wait3A_86 = arith.constant 0 : i32
          %dma_wait3A_87 = tpu.memref_slice %arg6[%mul3A_79, %dma_wait3A_86] : memref<10000x128xf32, #tpu.memory_space<vmem_shared>> -> memref<80x128xf32, #tpu.memory_space<vmem_shared>>
          tpu.wait_dma2 semaphore(%run_scoped3A : memref<!tpu.dma_semaphore, #tpu.memory_space<semaphore_mem>>) src(%dma_wait3A_87 : memref<80x128xf32, #tpu.memory_space<vmem_shared>>) dst(%arg11 : memref<80x128xf32, #tpu.memory_space<vmem>>)
          tpu.yield
        }) : () -> ()
        "tpu.region"() ({
          %run_scoped3A = tpu.sem_alloc : memref<!tpu.dma_semaphore, #tpu.memory_space<semaphore_mem>>
          %dma_start3A_80 = arith.constant 0 : i32
          %dma_start3A_81 = tpu.memref_slice %arg5[%arg0, %mul3A_79, %dma_start3A_80] : memref<2x10000x128xf32, #tpu.memory_space<hbm>> -> memref<1x80x128xf32, #tpu.memory_space<hbm>>
          %dma_start3A_82 = tpu.memref_squeeze %dma_start3A_81 : memref<1x80x128xf32, #tpu.memory_space<hbm>> -> memref<80x128xf32, #tpu.memory_space<hbm>>
          %dma_start3A_83 = arith.constant 0 : i32
          %dma_start3A_84 = tpu.memref_slice %arg5[%arg0, %mul3A_79, %dma_start3A_83] : memref<2x10000x128xf32, #tpu.memory_space<hbm>> -> memref<1x80x128xf32, #tpu.memory_space<hbm>>
          %dma_start3A_85 = tpu.memref_squeeze %dma_start3A_84 : memref<1x80x128xf32, #tpu.memory_space<hbm>> -> memref<80x128xf32, #tpu.memory_space<hbm>>
          tpu.enqueue_dma source(%arg11 : memref<80x128xf32, #tpu.memory_space<vmem>>) target(%dma_start3A_85 : memref<80x128xf32, #tpu.memory_space<hbm>>) target_semaphore(%run_scoped3A : memref<!tpu.dma_semaphore, #tpu.memory_space<semaphore_mem>>)
          %dma_wait3A_86 = arith.constant 0 : i32
          %dma_wait3A_87 = tpu.memref_slice %arg5[%arg0, %mul3A_79, %dma_wait3A_86] : memref<2x10000x128xf32, #tpu.memory_space<hbm>> -> memref<1x80x128xf32, #tpu.memory_space<hbm>>
          %dma_wait3A_88 = tpu.memref_squeeze %dma_wait3A_87 : memref<1x80x128xf32, #tpu.memory_space<hbm>> -> memref<80x128xf32, #tpu.memory_space<hbm>>
          %dma_wait3A_89 = arith.constant 0 : i32
          %dma_wait3A_90 = tpu.memref_slice %arg5[%arg0, %mul3A_79, %dma_wait3A_89] : memref<2x10000x128xf32, #tpu.memory_space<hbm>> -> memref<1x80x128xf32, #tpu.memory_space<hbm>>
          %dma_wait3A_91 = tpu.memref_squeeze %dma_wait3A_90 : memref<1x80x128xf32, #tpu.memory_space<hbm>> -> memref<80x128xf32, #tpu.memory_space<hbm>>
          tpu.wait_dma2 semaphore(%run_scoped3A : memref<!tpu.dma_semaphore, #tpu.memory_space<semaphore_mem>>) src(%arg11 : memref<80x128xf32, #tpu.memory_space<vmem>>) dst(%dma_wait3A_91 : memref<80x128xf32, #tpu.memory_space<hbm>>)
          tpu.yield
        }) : () -> ()
      } else {
      }
      %scan3A_77 = arith.constant 0 : i32
      scf.yield %scan3A_77 : i32
    }
    %scan3A_69 = arith.constant 8 : i32
    return
  }
}

module attributes {stable_mosaic.version = 14 : i64} {
  func.func @body(%arg0: i32, %arg1: memref<1000x128xf32, #tpu.memory_space<vmem>>, %arg2: memref<2x1000x16xf32, #tpu.memory_space<vmem>>, %arg3: memref<1000x128xf32, #tpu.memory_space<vmem>>) attributes {dimension_semantics = [#tpu.dimension_semantics<arbitrary>], iteration_bounds = array<i64: 10>, scalar_prefetch = 0 : i64, scratch_operands = 0 : i64, tpu.core_type = #tpu.core_type<tc>, window_params = [{transform_indices = @transform_0, window_bounds = array<i64: 1000, 128>}, {transform_indices = @transform_1, window_bounds = array<i64: 2, 1000, 16>}, {transform_indices = @transform_2, window_bounds = array<i64: 1000, 128>}]} {
    %get3A = arith.constant 0 : index
    %get3A_0 = arith.constant 0 : index
    %get3A_1 = arith.constant 0 : index
    %get3A_2 = vector.load %arg2[%get3A, %get3A_0, %get3A_1] : memref<2x1000x16xf32, #tpu.memory_space<vmem>>, vector<1x1000x1xf32>
    %get3A_3 = vector.shape_cast %get3A_2 : vector<1x1000x1xf32> to vector<1000x1xf32>
    %get3A_4 = arith.constant 1 : index
    %get3A_5 = arith.constant 0 : index
    %get3A_6 = arith.constant 0 : index
    %get3A_7 = vector.load %arg2[%get3A_4, %get3A_5, %get3A_6] : memref<2x1000x16xf32, #tpu.memory_space<vmem>>, vector<1x1000x1xf32>
    %get3A_8 = vector.shape_cast %get3A_7 : vector<1x1000x1xf32> to vector<1000x1xf32>
    %add3A = arith.addf %get3A_3, %get3A_8 : vector<1000x1xf32>
    %add3A_9 = arith.constant 1.000000e+00 : f32
    %add3A_10 = vector.broadcast %add3A_9 : f32 to vector<1000x1xf32>
    %add3A_11 = arith.addf %add3A, %add3A_10 : vector<1000x1xf32>
    %get3A_12 = arith.constant 0 : index
    %get3A_13 = arith.constant 0 : index
    %get3A_14 = vector.load %arg1[%get3A_12, %get3A_13] : memref<1000x128xf32, #tpu.memory_space<vmem>>, vector<1000x128xf32>
    %rsqrt3A = math.rsqrt %add3A_11 : vector<1000x1xf32>
    %mul3A = vector.broadcast %rsqrt3A : vector<1000x1xf32> to vector<1000x128xf32>
    %mul3A_15 = arith.mulf %get3A_14, %mul3A : vector<1000x128xf32>
    %swap3A = arith.constant 0 : index
    %swap3A_16 = arith.constant 0 : index
    %swap3A_17 = vector.load %arg3[%swap3A, %swap3A_16] : memref<1000x128xf32, #tpu.memory_space<vmem>>, vector<1000x128xf32>
    tpu.vector_store %arg3[%swap3A, %swap3A_16], %mul3A_15 {strides = array<i32>} : memref<1000x128xf32, #tpu.memory_space<vmem>>, vector<1000x128xf32>,
    return
  }
  func.func @transform_0(%arg0: i32) -> (i32, i32) {
    %c0_i32 = arith.constant 0 : i32
    %c0_i32_0 = arith.constant 0 : i32
    return %arg0, %c0_i32 : i32, i32
  }
  func.func @transform_1(%arg0: i32) -> (i32, i32, i32) {
    %c0_i32 = arith.constant 0 : i32
    %c0_i32_0 = arith.constant 0 : i32
    %c0_i32_1 = arith.constant 0 : i32
    return %c0_i32, %arg0, %c0_i32_0 : i32, i32, i32
  }
  func.func @transform_2(%arg0: i32) -> (i32, i32) {
    %c0_i32 = arith.constant 0 : i32
    %c0_i32_0 = arith.constant 0 : i32
    return %arg0, %c0_i32 : i32, i32
  }
}

module attributes {stable_mosaic.version = 14 : i64} {
  func.func @body(%arg0: i32, %arg1: memref<1000x128xf32, #tpu.memory_space<vmem>>, %arg2: memref<128x128xf32, #tpu.memory_space<vmem>>, %arg3: memref<256x256xf32, #tpu.memory_space<vmem>>, %arg4: memref<256x128xf32, #tpu.memory_space<vmem>>, %arg5: memref<1x128xf32, #tpu.memory_space<vmem>>, %arg6: memref<128x128xf32, #tpu.memory_space<vmem>>, %arg7: memref<1x128xf32, #tpu.memory_space<vmem>>, %arg8: memref<1000x128xf32, #tpu.memory_space<vmem>>, %arg9: memref<256x128xf32, #tpu.memory_space<vmem>>) attributes {dimension_semantics = [#tpu.dimension_semantics<arbitrary>], iteration_bounds = array<i64: 10>, scalar_prefetch = 0 : i64, scratch_operands = 0 : i64, tpu.core_type = #tpu.core_type<tc>, window_params = [{transform_indices = @transform_0, window_bounds = array<i64: 1000, 128>}, {pipeline_mode = #tpu.pipeline_mode<synchronous>, transform_indices = @transform_1, window_bounds = array<i64: 128, 128>}, {pipeline_mode = #tpu.pipeline_mode<synchronous>, transform_indices = @transform_2, window_bounds = array<i64: 256, 256>}, {pipeline_mode = #tpu.pipeline_mode<synchronous>, transform_indices = @transform_3, window_bounds = array<i64: 256, 128>}, {pipeline_mode = #tpu.pipeline_mode<synchronous>, transform_indices = @transform_4, window_bounds = array<i64: 1, 128>}, {pipeline_mode = #tpu.pipeline_mode<synchronous>, transform_indices = @transform_5, window_bounds = array<i64: 128, 128>}, {pipeline_mode = #tpu.pipeline_mode<synchronous>, transform_indices = @transform_6, window_bounds = array<i64: 1, 128>}, {transform_indices = @transform_7, window_bounds = array<i64: 1000, 128>}, {pipeline_mode = #tpu.pipeline_mode<synchronous>, transform_indices = @transform_8, window_bounds = array<i64: 256, 128>}]} {
    %get3A = arith.constant 0 : index
    %get3A_0 = arith.constant 0 : index
    %get3A_1 = vector.load %arg1[%get3A, %get3A_0] : memref<1000x128xf32, #tpu.memory_space<vmem>>, vector<1000x128xf32>
    %get3A_2 = arith.constant 0 : index
    %get3A_3 = arith.constant 0 : index
    %get3A_4 = vector.load %arg2[%get3A_2, %get3A_3] : memref<128x128xf32, #tpu.memory_space<vmem>>, vector<128x128xf32>
    %dot_general3A = arith.constant dense<0.000000e+00> : vector<1000x128xf32>
    %dot_general3A_5 = tpu.matmul %get3A_1, %get3A_4, %dot_general3A {dimension_numbers = #tpu.dot_dimension_numbers<[1], [0], [0], [1], [0, 0, 1, 1], [], []>, precision = #tpu.contract_precision<fp32>, transpose_lhs_hint = false} : vector<1000x128xf32>, vector<128x128xf32>, vector<1000x128xf32> -> vector<1000x128xf32>
    %swap3A = arith.constant 0 : index
    %swap3A_6 = arith.constant 0 : index
    %swap3A_7 = vector.load %arg8[%swap3A, %swap3A_6] : memref<1000x128xf32, #tpu.memory_space<vmem>>, vector<1000x128xf32>
    tpu.vector_store %arg8[%swap3A, %swap3A_6], %dot_general3A_5 {strides = array<i32>} : memref<1000x128xf32, #tpu.memory_space<vmem>>, vector<1000x128xf32>,
    %eq3A = arith.constant 0 : i32
    %eq3A_8 = arith.cmpi eq, %arg0, %eq3A : i32
    %convert_element_type3A = arith.extui %eq3A_8 : i1 to i32
    %cond3A = arith.constant 0 : i32
    %cond3A_9 = arith.cmpi ne, %convert_element_type3A, %cond3A : i32
    scf.if %cond3A_9 {
      %get3A_10 = arith.constant 0 : index
      %get3A_11 = arith.constant 0 : index
      %get3A_12 = vector.load %arg3[%get3A_10, %get3A_11] : memref<256x256xf32, #tpu.memory_space<vmem>>, vector<256x256xf32>
      %get3A_13 = arith.constant 0 : index
      %get3A_14 = arith.constant 0 : index
      %get3A_15 = vector.load %arg4[%get3A_13, %get3A_14] : memref<256x128xf32, #tpu.memory_space<vmem>>, vector<256x128xf32>
      %dot_general3A_16 = arith.constant dense<0.000000e+00> : vector<256x128xf32>
      %dot_general3A_17 = tpu.matmul %get3A_12, %get3A_15, %dot_general3A_16 {dimension_numbers = #tpu.dot_dimension_numbers<[1], [0], [0], [1], [0, 0, 1, 1], [], []>, precision = #tpu.contract_precision<fp32>, transpose_lhs_hint = false} : vector<256x256xf32>, vector<256x128xf32>, vector<256x128xf32> -> vector<256x128xf32>
      %get3A_18 = arith.constant 0 : index
      %get3A_19 = arith.constant 0 : index
      %get3A_20 = vector.load %arg5[%get3A_18, %get3A_19] : memref<1x128xf32, #tpu.memory_space<vmem>>, vector<1x128xf32>
      %add3A = vector.broadcast %get3A_20 : vector<1x128xf32> to vector<256x128xf32>
      %add3A_21 = arith.addf %dot_general3A_17, %add3A : vector<256x128xf32>
      %max3A = arith.constant 0.000000e+00 : f32
      %max3A_22 = vector.broadcast %max3A : f32 to vector<256x128xf32>
      %max3A_23 = arith.maximumf %add3A_21, %max3A_22 : vector<256x128xf32>
      %get3A_24 = arith.constant 0 : index
      %get3A_25 = arith.constant 0 : index
      %get3A_26 = vector.load %arg6[%get3A_24, %get3A_25] : memref<128x128xf32, #tpu.memory_space<vmem>>, vector<128x128xf32>
      %dot_general3A_27 = arith.constant dense<0.000000e+00> : vector<256x128xf32>
      %dot_general3A_28 = tpu.matmul %max3A_23, %get3A_26, %dot_general3A_27 {dimension_numbers = #tpu.dot_dimension_numbers<[1], [0], [0], [1], [0, 0, 1, 1], [], []>, precision = #tpu.contract_precision<fp32>, transpose_lhs_hint = false} : vector<256x128xf32>, vector<128x128xf32>, vector<256x128xf32> -> vector<256x128xf32>
      %get3A_29 = arith.constant 0 : index
      %get3A_30 = arith.constant 0 : index
      %get3A_31 = vector.load %arg7[%get3A_29, %get3A_30] : memref<1x128xf32, #tpu.memory_space<vmem>>, vector<1x128xf32>
      %add3A_32 = vector.broadcast %get3A_31 : vector<1x128xf32> to vector<256x128xf32>
      %add3A_33 = arith.addf %dot_general3A_28, %add3A_32 : vector<256x128xf32>
      %swap3A_34 = arith.constant 0 : index
      %swap3A_35 = arith.constant 0 : index
      %swap3A_36 = vector.load %arg9[%swap3A_34, %swap3A_35] : memref<256x128xf32, #tpu.memory_space<vmem>>, vector<256x128xf32>
      tpu.vector_store %arg9[%swap3A_34, %swap3A_35], %add3A_33 {strides = array<i32>} : memref<256x128xf32, #tpu.memory_space<vmem>>, vector<256x128xf32>,
    } else {
    }
    return
  }
  func.func @transform_0(%arg0: i32) -> (i32, i32) {
    %c0_i32 = arith.constant 0 : i32
    %c0_i32_0 = arith.constant 0 : i32
    return %arg0, %c0_i32 : i32, i32
  }
  func.func @transform_1(%arg0: i32) -> (i32, i32) {
    %c0_i32 = arith.constant 0 : i32
    %c0_i32_0 = arith.constant 0 : i32
    %c0_i32_1 = arith.constant 0 : i32
    return %c0_i32, %c0_i32_0 : i32, i32
  }
  func.func @transform_2(%arg0: i32) -> (i32, i32) {
    %c0_i32 = arith.constant 0 : i32
    %c0_i32_0 = arith.constant 0 : i32
    %c0_i32_1 = arith.constant 0 : i32
    return %c0_i32, %c0_i32_0 : i32, i32
  }
  func.func @transform_3(%arg0: i32) -> (i32, i32) {
    %c0_i32 = arith.constant 0 : i32
    %c0_i32_0 = arith.constant 0 : i32
    %c0_i32_1 = arith.constant 0 : i32
    return %c0_i32, %c0_i32_0 : i32, i32
  }
  func.func @transform_4(%arg0: i32) -> (i32, i32) {
    %c0_i32 = arith.constant 0 : i32
    %c0_i32_0 = arith.constant 0 : i32
    %c0_i32_1 = arith.constant 0 : i32
    return %c0_i32, %c0_i32_0 : i32, i32
  }
  func.func @transform_5(%arg0: i32) -> (i32, i32) {
    %c0_i32 = arith.constant 0 : i32
    %c0_i32_0 = arith.constant 0 : i32
    %c0_i32_1 = arith.constant 0 : i32
    return %c0_i32, %c0_i32_0 : i32, i32
  }
  func.func @transform_6(%arg0: i32) -> (i32, i32) {
    %c0_i32 = arith.constant 0 : i32
    %c0_i32_0 = arith.constant 0 : i32
    %c0_i32_1 = arith.constant 0 : i32
    return %c0_i32, %c0_i32_0 : i32, i32
  }
  func.func @transform_7(%arg0: i32) -> (i32, i32) {
    %c0_i32 = arith.constant 0 : i32
    %c0_i32_0 = arith.constant 0 : i32
    return %arg0, %c0_i32 : i32, i32
  }
  func.func @transform_8(%arg0: i32) -> (i32, i32) {
    %c0_i32 = arith.constant 0 : i32
    %c0_i32_0 = arith.constant 0 : i32
    %c0_i32_1 = arith.constant 0 : i32
    return %c0_i32, %c0_i32_0 : i32, i32
  }
}

module attributes {stable_mosaic.version = 14 : i64} {
  func.func @body(%arg0: i32, %arg1: memref<2x1000x128xf32, #tpu.memory_space<vmem>>, %arg2: memref<1000x128xf32, #tpu.memory_space<vmem>>, %arg3: memref<2x1000x16xf32, #tpu.memory_space<vmem>>, %arg4: memref<1x128xf32, #tpu.memory_space<vmem>>, %arg5: memref<128x128xf32, #tpu.memory_space<vmem>>, %arg6: memref<1000x128xf32, #tpu.memory_space<vmem>>) attributes {dimension_semantics = [#tpu.dimension_semantics<arbitrary>], iteration_bounds = array<i64: 10>, scalar_prefetch = 0 : i64, scratch_operands = 0 : i64, tpu.core_type = #tpu.core_type<tc>, window_params = [{transform_indices = @transform_0, window_bounds = array<i64: 2, 1000, 128>}, {transform_indices = @transform_1, window_bounds = array<i64: 1000, 128>}, {transform_indices = @transform_2, window_bounds = array<i64: 2, 1000, 16>}, {pipeline_mode = #tpu.pipeline_mode<synchronous>, transform_indices = @transform_3, window_bounds = array<i64: 1, 128>}, {pipeline_mode = #tpu.pipeline_mode<synchronous>, transform_indices = @transform_4, window_bounds = array<i64: 128, 128>}, {transform_indices = @transform_5, window_bounds = array<i64: 1000, 128>}]} {
    %get3A = arith.constant 0 : index
    %get3A_0 = arith.constant 0 : index
    %get3A_1 = arith.constant 0 : index
    %get3A_2 = vector.load %arg3[%get3A, %get3A_0, %get3A_1] : memref<2x1000x16xf32, #tpu.memory_space<vmem>>, vector<1x1000x1xf32>
    %get3A_3 = vector.shape_cast %get3A_2 : vector<1x1000x1xf32> to vector<1000x1xf32>
    %get3A_4 = arith.constant 1 : index
    %get3A_5 = arith.constant 0 : index
    %get3A_6 = arith.constant 0 : index
    %get3A_7 = vector.load %arg3[%get3A_4, %get3A_5, %get3A_6] : memref<2x1000x16xf32, #tpu.memory_space<vmem>>, vector<1x1000x1xf32>
    %get3A_8 = vector.shape_cast %get3A_7 : vector<1x1000x1xf32> to vector<1000x1xf32>
    %add3A = arith.addf %get3A_3, %get3A_8 : vector<1000x1xf32>
    %add3A_9 = arith.constant 1.000000e+00 : f32
    %add3A_10 = vector.broadcast %add3A_9 : f32 to vector<1000x1xf32>
    %add3A_11 = arith.addf %add3A, %add3A_10 : vector<1000x1xf32>
    %rsqrt3A = math.rsqrt %add3A_11 : vector<1000x1xf32>
    %get3A_12 = arith.constant 0 : index
    %get3A_13 = arith.constant 0 : index
    %get3A_14 = arith.constant 0 : index
    %get3A_15 = vector.load %arg1[%get3A_12, %get3A_13, %get3A_14] : memref<2x1000x128xf32, #tpu.memory_space<vmem>>, vector<1x1000x128xf32>
    %get3A_16 = vector.shape_cast %get3A_15 : vector<1x1000x128xf32> to vector<1000x128xf32>
    %get3A_17 = arith.constant 1 : index
    %get3A_18 = arith.constant 0 : index
    %get3A_19 = arith.constant 0 : index
    %get3A_20 = vector.load %arg1[%get3A_17, %get3A_18, %get3A_19] : memref<2x1000x128xf32, #tpu.memory_space<vmem>>, vector<1x1000x128xf32>
    %get3A_21 = vector.shape_cast %get3A_20 : vector<1x1000x128xf32> to vector<1000x128xf32>
    %add3A_22 = arith.addf %get3A_16, %get3A_21 : vector<1000x128xf32>
    %get3A_23 = arith.constant 0 : index
    %get3A_24 = arith.constant 0 : index
    %get3A_25 = vector.load %arg2[%get3A_23, %get3A_24] : memref<1000x128xf32, #tpu.memory_space<vmem>>, vector<1000x128xf32>
    %add3A_26 = arith.addf %add3A_22, %get3A_25 : vector<1000x128xf32>
    %mul3A = vector.broadcast %rsqrt3A : vector<1000x1xf32> to vector<1000x128xf32>
    %mul3A_27 = arith.mulf %mul3A, %add3A_26 : vector<1000x128xf32>
    %get3A_28 = arith.constant 0 : index
    %get3A_29 = arith.constant 0 : index
    %get3A_30 = vector.load %arg4[%get3A_28, %get3A_29] : memref<1x128xf32, #tpu.memory_space<vmem>>, vector<1x128xf32>
    %add3A_31 = vector.broadcast %get3A_30 : vector<1x128xf32> to vector<1000x128xf32>
    %add3A_32 = arith.addf %mul3A_27, %add3A_31 : vector<1000x128xf32>
    %max3A = arith.constant 0.000000e+00 : f32
    %max3A_33 = vector.broadcast %max3A : f32 to vector<1000x128xf32>
    %max3A_34 = arith.maximumf %add3A_32, %max3A_33 : vector<1000x128xf32>
    %get3A_35 = arith.constant 0 : index
    %get3A_36 = arith.constant 0 : index
    %get3A_37 = vector.load %arg5[%get3A_35, %get3A_36] : memref<128x128xf32, #tpu.memory_space<vmem>>, vector<128x128xf32>
    %dot_general3A = arith.constant dense<0.000000e+00> : vector<1000x128xf32>
    %dot_general3A_38 = tpu.matmul %max3A_34, %get3A_37, %dot_general3A {dimension_numbers = #tpu.dot_dimension_numbers<[1], [0], [0], [1], [0, 0, 1, 1], [], []>, precision = #tpu.contract_precision<fp32>, transpose_lhs_hint = false} : vector<1000x128xf32>, vector<128x128xf32>, vector<1000x128xf32> -> vector<1000x128xf32>
    %mul3A_39 = vector.broadcast %rsqrt3A : vector<1000x1xf32> to vector<1000x128xf32>
    %mul3A_40 = arith.mulf %dot_general3A_38, %mul3A_39 : vector<1000x128xf32>
    %swap3A = arith.constant 0 : index
    %swap3A_41 = arith.constant 0 : index
    %swap3A_42 = vector.load %arg6[%swap3A, %swap3A_41] : memref<1000x128xf32, #tpu.memory_space<vmem>>, vector<1000x128xf32>
    tpu.vector_store %arg6[%swap3A, %swap3A_41], %mul3A_40 {strides = array<i32>} : memref<1000x128xf32, #tpu.memory_space<vmem>>, vector<1000x128xf32>,
    return
  }
  func.func @transform_0(%arg0: i32) -> (i32, i32, i32) {
    %c0_i32 = arith.constant 0 : i32
    %c0_i32_0 = arith.constant 0 : i32
    %c0_i32_1 = arith.constant 0 : i32
    return %c0_i32, %arg0, %c0_i32_0 : i32, i32, i32
  }
  func.func @transform_1(%arg0: i32) -> (i32, i32) {
    %c0_i32 = arith.constant 0 : i32
    %c0_i32_0 = arith.constant 0 : i32
    return %arg0, %c0_i32 : i32, i32
  }
  func.func @transform_2(%arg0: i32) -> (i32, i32, i32) {
    %c0_i32 = arith.constant 0 : i32
    %c0_i32_0 = arith.constant 0 : i32
    %c0_i32_1 = arith.constant 0 : i32
    return %c0_i32, %arg0, %c0_i32_0 : i32, i32, i32
  }
  func.func @transform_3(%arg0: i32) -> (i32, i32) {
    %c0_i32 = arith.constant 0 : i32
    %c0_i32_0 = arith.constant 0 : i32
    %c0_i32_1 = arith.constant 0 : i32
    return %c0_i32, %c0_i32_0 : i32, i32
  }
  func.func @transform_4(%arg0: i32) -> (i32, i32) {
    %c0_i32 = arith.constant 0 : i32
    %c0_i32_0 = arith.constant 0 : i32
    %c0_i32_1 = arith.constant 0 : i32
    return %c0_i32, %c0_i32_0 : i32, i32
  }
  func.func @transform_5(%arg0: i32) -> (i32, i32) {
    %c0_i32 = arith.constant 0 : i32
    %c0_i32_0 = arith.constant 0 : i32
    return %arg0, %c0_i32 : i32, i32
  }
}

module attributes {stable_mosaic.version = 14 : i64} {
  func.func @body(%arg0: i32, %arg1: memref<2x1000x128xf32, #tpu.memory_space<vmem>>, %arg2: memref<1000x128xf32, #tpu.memory_space<vmem>>, %arg3: memref<2x1000x16xf32, #tpu.memory_space<vmem>>, %arg4: memref<1x128xf32, #tpu.memory_space<vmem>>, %arg5: memref<1x1x1000xi32, #tpu.memory_space<vmem>>, %arg6: memref<256x128xf32, #tpu.memory_space<vmem>>, %arg7: memref<128x128xf32, #tpu.memory_space<vmem>>, %arg8: memref<128x128xf32, #tpu.memory_space<vmem>>, %arg9: memref<1x128xf32, #tpu.memory_space<vmem>>, %arg10: memref<128x128xf32, #tpu.memory_space<vmem>>, %arg11: memref<1x128xf32, #tpu.memory_space<vmem>>, %arg12: memref<256x128xf32, #tpu.memory_space<vmem>>, %arg13: memref<256x128xf32, #tpu.memory_space<vmem>>, %arg14: memref<256x1xf32, #tpu.memory_space<vmem>>) attributes {dimension_semantics = [#tpu.dimension_semantics<arbitrary>], iteration_bounds = array<i64: 10>, scalar_prefetch = 0 : i64, scratch_operands = 2 : i64, tpu.core_type = #tpu.core_type<tc>, window_params = [{transform_indices = @transform_0, window_bounds = array<i64: 2, 1000, 128>}, {transform_indices = @transform_1, window_bounds = array<i64: 1000, 128>}, {transform_indices = @transform_2, window_bounds = array<i64: 2, 1000, 16>}, {pipeline_mode = #tpu.pipeline_mode<synchronous>, transform_indices = @transform_3, window_bounds = array<i64: 1, 128>}, {transform_indices = @transform_4, window_bounds = array<i64: 1, 1, 1000>}, {pipeline_mode = #tpu.pipeline_mode<synchronous>, transform_indices = @transform_5, window_bounds = array<i64: 256, 128>}, {pipeline_mode = #tpu.pipeline_mode<synchronous>, transform_indices = @transform_6, window_bounds = array<i64: 128, 128>}, {pipeline_mode = #tpu.pipeline_mode<synchronous>, transform_indices = @transform_7, window_bounds = array<i64: 128, 128>}, {pipeline_mode = #tpu.pipeline_mode<synchronous>, transform_indices = @transform_8, window_bounds = array<i64: 1, 128>}, {pipeline_mode = #tpu.pipeline_mode<synchronous>, transform_indices = @transform_9, window_bounds = array<i64: 128, 128>}, {pipeline_mode = #tpu.pipeline_mode<synchronous>, transform_indices = @transform_10, window_bounds = array<i64: 1, 128>}, {pipeline_mode = #tpu.pipeline_mode<synchronous>, transform_indices = @transform_11, window_bounds = array<i64: 256, 128>}]} {
    %eq3A = arith.constant 0 : i32
    %eq3A_0 = arith.cmpi eq, %arg0, %eq3A : i32
    %convert_element_type3A = arith.extui %eq3A_0 : i1 to i32
    %cond3A = arith.constant 0 : i32
    %cond3A_1 = arith.cmpi ne, %convert_element_type3A, %cond3A : i32
    scf.if %cond3A_1 {
      %broadcast_in_dim3A_66 = arith.constant 0.000000e+00 : f32
      %broadcast_in_dim3A_67 = vector.broadcast %broadcast_in_dim3A_66 : f32 to vector<256x128xf32>
      %swap3A_68 = arith.constant 0 : index
      %swap3A_69 = arith.constant 0 : index
      %swap3A_70 = vector.load %arg13[%swap3A_68, %swap3A_69] : memref<256x128xf32, #tpu.memory_space<vmem>>, vector<256x128xf32>
      tpu.vector_store %arg13[%swap3A_68, %swap3A_69], %broadcast_in_dim3A_67 {strides = array<i32>} : memref<256x128xf32, #tpu.memory_space<vmem>>, vector<256x128xf32>,
      %broadcast_in_dim3A_71 = arith.constant 0.000000e+00 : f32
      %broadcast_in_dim3A_72 = vector.broadcast %broadcast_in_dim3A_71 : f32 to vector<256x1xf32>
      %swap3A_73 = arith.constant 0 : index
      %swap3A_74 = arith.constant 0 : index
      %swap3A_75 = vector.load %arg14[%swap3A_73, %swap3A_74] : memref<256x1xf32, #tpu.memory_space<vmem>>, vector<256x1xf32>
      tpu.vector_store %arg14[%swap3A_73, %swap3A_74], %broadcast_in_dim3A_72 {strides = array<i32>} : memref<256x1xf32, #tpu.memory_space<vmem>>, vector<256x1xf32>,
    } else {
    }
    %get3A = arith.constant 0 : index
    %get3A_2 = arith.constant 0 : index
    %get3A_3 = arith.constant 0 : index
    %get3A_4 = vector.load %arg3[%get3A, %get3A_2, %get3A_3] : memref<2x1000x16xf32, #tpu.memory_space<vmem>>, vector<1x1000x1xf32>
    %get3A_5 = vector.shape_cast %get3A_4 : vector<1x1000x1xf32> to vector<1000x1xf32>
    %get3A_6 = arith.constant 1 : index
    %get3A_7 = arith.constant 0 : index
    %get3A_8 = arith.constant 0 : index
    %get3A_9 = vector.load %arg3[%get3A_6, %get3A_7, %get3A_8] : memref<2x1000x16xf32, #tpu.memory_space<vmem>>, vector<1x1000x1xf32>
    %get3A_10 = vector.shape_cast %get3A_9 : vector<1x1000x1xf32> to vector<1000x1xf32>
    %add3A = arith.addf %get3A_5, %get3A_10 : vector<1000x1xf32>
    %add3A_11 = arith.constant 1.000000e+00 : f32
    %add3A_12 = vector.broadcast %add3A_11 : f32 to vector<1000x1xf32>
    %add3A_13 = arith.addf %add3A, %add3A_12 : vector<1000x1xf32>
    %rsqrt3A = math.rsqrt %add3A_13 : vector<1000x1xf32>
    %get3A_14 = arith.constant 0 : index
    %get3A_15 = arith.constant 0 : index
    %get3A_16 = arith.constant 0 : index
    %get3A_17 = vector.load %arg1[%get3A_14, %get3A_15, %get3A_16] : memref<2x1000x128xf32, #tpu.memory_space<vmem>>, vector<1x1000x128xf32>
    %get3A_18 = vector.shape_cast %get3A_17 : vector<1x1000x128xf32> to vector<1000x128xf32>
    %get3A_19 = arith.constant 1 : index
    %get3A_20 = arith.constant 0 : index
    %get3A_21 = arith.constant 0 : index
    %get3A_22 = vector.load %arg1[%get3A_19, %get3A_20, %get3A_21] : memref<2x1000x128xf32, #tpu.memory_space<vmem>>, vector<1x1000x128xf32>
    %get3A_23 = vector.shape_cast %get3A_22 : vector<1x1000x128xf32> to vector<1000x128xf32>
    %add3A_24 = arith.addf %get3A_18, %get3A_23 : vector<1000x128xf32>
    %get3A_25 = arith.constant 0 : index
    %get3A_26 = arith.constant 0 : index
    %get3A_27 = vector.load %arg2[%get3A_25, %get3A_26] : memref<1000x128xf32, #tpu.memory_space<vmem>>, vector<1000x128xf32>
    %add3A_28 = arith.addf %add3A_24, %get3A_27 : vector<1000x128xf32>
    %mul3A = vector.broadcast %rsqrt3A : vector<1000x1xf32> to vector<1000x128xf32>
    %mul3A_29 = arith.mulf %mul3A, %add3A_28 : vector<1000x128xf32>
    %get3A_30 = arith.constant 0 : index
    %get3A_31 = arith.constant 0 : index
    %get3A_32 = vector.load %arg4[%get3A_30, %get3A_31] : memref<1x128xf32, #tpu.memory_space<vmem>>, vector<1x128xf32>
    %add3A_33 = vector.broadcast %get3A_32 : vector<1x128xf32> to vector<1000x128xf32>
    %add3A_34 = arith.addf %mul3A_29, %add3A_33 : vector<1000x128xf32>
    %max3A = arith.constant 0.000000e+00 : f32
    %max3A_35 = vector.broadcast %max3A : f32 to vector<1000x128xf32>
    %max3A_36 = arith.maximumf %add3A_34, %max3A_35 : vector<1000x128xf32>
    %get3A_37 = arith.constant 0 : index
    %get3A_38 = arith.constant 0 : index
    %get3A_39 = arith.constant 0 : index
    %get3A_40 = vector.load %arg5[%get3A_37, %get3A_38, %get3A_39] : memref<1x1x1000xi32, #tpu.memory_space<vmem>>, vector<1x1x1000xi32>
    %get3A_41 = vector.shape_cast %get3A_40 : vector<1x1x1000xi32> to vector<1x1000xi32>
    %iota3A = tpu.iota {dimensions = array<i32: 0>} : vector<256x1000xi32>
    %eq3A_42 = vector.broadcast %get3A_41 : vector<1x1000xi32> to vector<256x1000xi32>
    %eq3A_43 = arith.cmpi eq, %iota3A, %eq3A_42 : vector<256x1000xi32>
    %convert_element_type3A_44 = arith.extui %eq3A_43 : vector<256x1000xi1> to vector<256x1000xi32>
    %convert_element_type3A_45 = arith.sitofp %convert_element_type3A_44 : vector<256x1000xi32> to vector<256x1000xf32>
    %get3A_46 = arith.constant 0 : index
    %get3A_47 = arith.constant 0 : index
    %get3A_48 = vector.load %arg13[%get3A_46, %get3A_47] : memref<256x128xf32, #tpu.memory_space<vmem>>, vector<256x128xf32>
    %dot_general3A = arith.constant dense<0.000000e+00> : vector<256x128xf32>
    %dot_general3A_49 = tpu.matmul %convert_element_type3A_45, %max3A_36, %dot_general3A {dimension_numbers = #tpu.dot_dimension_numbers<[1], [0], [0], [1], [0, 0, 1, 1], [], []>, precision = #tpu.contract_precision<fp32>, transpose_lhs_hint = false} : vector<256x1000xf32>, vector<1000x128xf32>, vector<256x128xf32> -> vector<256x128xf32>
    %add3A_50 = arith.addf %get3A_48, %dot_general3A_49 : vector<256x128xf32>
    %swap3A = arith.constant 0 : index
    %swap3A_51 = arith.constant 0 : index
    %swap3A_52 = vector.load %arg13[%swap3A, %swap3A_51] : memref<256x128xf32, #tpu.memory_space<vmem>>, vector<256x128xf32>
    tpu.vector_store %arg13[%swap3A, %swap3A_51], %add3A_50 {strides = array<i32>} : memref<256x128xf32, #tpu.memory_space<vmem>>, vector<256x128xf32>,
    %get3A_53 = arith.constant 0 : index
    %get3A_54 = arith.constant 0 : index
    %get3A_55 = vector.load %arg14[%get3A_53, %get3A_54] : memref<256x1xf32, #tpu.memory_space<vmem>>, vector<256x1xf32>
    %reduce_sum3A = arith.constant dense<0.000000e+00> : vector<256xf32>
    %reduce_sum3A_56 = vector.multi_reduction <add>, %convert_element_type3A_45, %reduce_sum3A [1] : vector<256x1000xf32> to vector<256xf32>
    %broadcast_in_dim3A = vector.shape_cast %reduce_sum3A_56 : vector<256xf32> to vector<256x1xf32>
    %add3A_57 = arith.addf %get3A_55, %broadcast_in_dim3A : vector<256x1xf32>
    %swap3A_58 = arith.constant 0 : index
    %swap3A_59 = arith.constant 0 : index
    %swap3A_60 = vector.load %arg14[%swap3A_58, %swap3A_59] : memref<256x1xf32, #tpu.memory_space<vmem>>, vector<256x1xf32>
    tpu.vector_store %arg14[%swap3A_58, %swap3A_59], %add3A_57 {strides = array<i32>} : memref<256x1xf32, #tpu.memory_space<vmem>>, vector<256x1xf32>,
    %eq3A_61 = arith.constant 9 : i32
    %eq3A_62 = arith.cmpi eq, %arg0, %eq3A_61 : i32
    %convert_element_type3A_63 = arith.extui %eq3A_62 : i1 to i32
    %cond3A_64 = arith.constant 0 : i32
    %cond3A_65 = arith.cmpi ne, %convert_element_type3A_63, %cond3A_64 : i32
    scf.if %cond3A_65 {
      %get3A_66 = arith.constant 0 : index
      %get3A_67 = arith.constant 0 : index
      %get3A_68 = vector.load %arg13[%get3A_66, %get3A_67] : memref<256x128xf32, #tpu.memory_space<vmem>>, vector<256x128xf32>
      %get3A_69 = arith.constant 0 : index
      %get3A_70 = arith.constant 0 : index
      %get3A_71 = vector.load %arg14[%get3A_69, %get3A_70] : memref<256x1xf32, #tpu.memory_space<vmem>>, vector<256x1xf32>
      %max3A_72 = arith.constant 1.000000e+00 : f32
      %max3A_73 = vector.broadcast %max3A_72 : f32 to vector<256x1xf32>
      %max3A_74 = arith.maximumf %get3A_71, %max3A_73 : vector<256x1xf32>
      %div3A = vector.broadcast %max3A_74 : vector<256x1xf32> to vector<256x128xf32>
      %div3A_75 = arith.divf %get3A_68, %div3A : vector<256x128xf32>
      %get3A_76 = arith.constant 0 : index
      %get3A_77 = arith.constant 0 : index
      %get3A_78 = vector.load %arg6[%get3A_76, %get3A_77] : memref<256x128xf32, #tpu.memory_space<vmem>>, vector<256x128xf32>
      %get3A_79 = arith.constant 0 : index
      %get3A_80 = arith.constant 0 : index
      %get3A_81 = vector.load %arg7[%get3A_79, %get3A_80] : memref<128x128xf32, #tpu.memory_space<vmem>>, vector<128x128xf32>
      %dot_general3A_82 = arith.constant dense<0.000000e+00> : vector<256x128xf32>
      %dot_general3A_83 = tpu.matmul %get3A_78, %get3A_81, %dot_general3A_82 {dimension_numbers = #tpu.dot_dimension_numbers<[1], [0], [0], [1], [0, 0, 1, 1], [], []>, precision = #tpu.contract_precision<fp32>, transpose_lhs_hint = false} : vector<256x128xf32>, vector<128x128xf32>, vector<256x128xf32> -> vector<256x128xf32>
      %get3A_84 = arith.constant 0 : index
      %get3A_85 = arith.constant 0 : index
      %get3A_86 = vector.load %arg8[%get3A_84, %get3A_85] : memref<128x128xf32, #tpu.memory_space<vmem>>, vector<128x128xf32>
      %dot_general3A_87 = arith.constant dense<0.000000e+00> : vector<256x128xf32>
      %dot_general3A_88 = tpu.matmul %div3A_75, %get3A_86, %dot_general3A_87 {dimension_numbers = #tpu.dot_dimension_numbers<[1], [0], [0], [1], [0, 0, 1, 1], [], []>, precision = #tpu.contract_precision<fp32>, transpose_lhs_hint = false} : vector<256x128xf32>, vector<128x128xf32>, vector<256x128xf32> -> vector<256x128xf32>
      %add3A_89 = arith.addf %dot_general3A_83, %dot_general3A_88 : vector<256x128xf32>
      %get3A_90 = arith.constant 0 : index
      %get3A_91 = arith.constant 0 : index
      %get3A_92 = vector.load %arg9[%get3A_90, %get3A_91] : memref<1x128xf32, #tpu.memory_space<vmem>>, vector<1x128xf32>
      %add3A_93 = vector.broadcast %get3A_92 : vector<1x128xf32> to vector<256x128xf32>
      %add3A_94 = arith.addf %add3A_89, %add3A_93 : vector<256x128xf32>
      %max3A_95 = arith.constant 0.000000e+00 : f32
      %max3A_96 = vector.broadcast %max3A_95 : f32 to vector<256x128xf32>
      %max3A_97 = arith.maximumf %add3A_94, %max3A_96 : vector<256x128xf32>
      %get3A_98 = arith.constant 0 : index
      %get3A_99 = arith.constant 0 : index
      %get3A_100 = vector.load %arg10[%get3A_98, %get3A_99] : memref<128x128xf32, #tpu.memory_space<vmem>>, vector<128x128xf32>
      %dot_general3A_101 = arith.constant dense<0.000000e+00> : vector<256x128xf32>
      %dot_general3A_102 = tpu.matmul %max3A_97, %get3A_100, %dot_general3A_101 {dimension_numbers = #tpu.dot_dimension_numbers<[1], [0], [0], [1], [0, 0, 1, 1], [], []>, precision = #tpu.contract_precision<fp32>, transpose_lhs_hint = false} : vector<256x128xf32>, vector<128x128xf32>, vector<256x128xf32> -> vector<256x128xf32>
      %get3A_103 = arith.constant 0 : index
      %get3A_104 = arith.constant 0 : index
      %get3A_105 = vector.load %arg11[%get3A_103, %get3A_104] : memref<1x128xf32, #tpu.memory_space<vmem>>, vector<1x128xf32>
      %add3A_106 = vector.broadcast %get3A_105 : vector<1x128xf32> to vector<256x128xf32>
      %add3A_107 = arith.addf %dot_general3A_102, %add3A_106 : vector<256x128xf32>
      %swap3A_108 = arith.constant 0 : index
      %swap3A_109 = arith.constant 0 : index
      %swap3A_110 = vector.load %arg12[%swap3A_108, %swap3A_109] : memref<256x128xf32, #tpu.memory_space<vmem>>, vector<256x128xf32>
      tpu.vector_store %arg12[%swap3A_108, %swap3A_109], %add3A_107 {strides = array<i32>} : memref<256x128xf32, #tpu.memory_space<vmem>>, vector<256x128xf32>,
    } else {
    }
    return
  }
  func.func @transform_0(%arg0: i32) -> (i32, i32, i32) {
    %c0_i32 = arith.constant 0 : i32
    %c0_i32_0 = arith.constant 0 : i32
    %c0_i32_1 = arith.constant 0 : i32
    return %c0_i32, %arg0, %c0_i32_0 : i32, i32, i32
  }
  func.func @transform_1(%arg0: i32) -> (i32, i32) {
    %c0_i32 = arith.constant 0 : i32
    %c0_i32_0 = arith.constant 0 : i32
    return %arg0, %c0_i32 : i32, i32
  }
  func.func @transform_2(%arg0: i32) -> (i32, i32, i32) {
    %c0_i32 = arith.constant 0 : i32
    %c0_i32_0 = arith.constant 0 : i32
    %c0_i32_1 = arith.constant 0 : i32
    return %c0_i32, %arg0, %c0_i32_0 : i32, i32, i32
  }
  func.func @transform_3(%arg0: i32) -> (i32, i32) {
    %c0_i32 = arith.constant 0 : i32
    %c0_i32_0 = arith.constant 0 : i32
    %c0_i32_1 = arith.constant 0 : i32
    return %c0_i32, %c0_i32_0 : i32, i32
  }
  func.func @transform_4(%arg0: i32) -> (i32, i32, i32) {
    %c0_i32 = arith.constant 0 : i32
    %c0_i32_0 = arith.constant 0 : i32
    %c0_i32_1 = arith.constant 0 : i32
    return %arg0, %c0_i32, %c0_i32_0 : i32, i32, i32
  }
  func.func @transform_5(%arg0: i32) -> (i32, i32) {
    %c0_i32 = arith.constant 0 : i32
    %c0_i32_0 = arith.constant 0 : i32
    %c0_i32_1 = arith.constant 0 : i32
    return %c0_i32, %c0_i32_0 : i32, i32
  }
  func.func @transform_6(%arg0: i32) -> (i32, i32) {
    %c0_i32 = arith.constant 0 : i32
    %c0_i32_0 = arith.constant 0 : i32
    %c0_i32_1 = arith.constant 0 : i32
    return %c0_i32, %c0_i32_0 : i32, i32
  }
  func.func @transform_7(%arg0: i32) -> (i32, i32) {
    %c0_i32 = arith.constant 0 : i32
    %c0_i32_0 = arith.constant 0 : i32
    %c0_i32_1 = arith.constant 0 : i32
    return %c0_i32, %c0_i32_0 : i32, i32
  }
  func.func @transform_8(%arg0: i32) -> (i32, i32) {
    %c0_i32 = arith.constant 0 : i32
    %c0_i32_0 = arith.constant 0 : i32
    %c0_i32_1 = arith.constant 0 : i32
    return %c0_i32, %c0_i32_0 : i32, i32
  }
  func.func @transform_9(%arg0: i32) -> (i32, i32) {
    %c0_i32 = arith.constant 0 : i32
    %c0_i32_0 = arith.constant 0 : i32
    %c0_i32_1 = arith.constant 0 : i32
    return %c0_i32, %c0_i32_0 : i32, i32
  }
  func.func @transform_10(%arg0: i32) -> (i32, i32) {
    %c0_i32 = arith.constant 0 : i32
    %c0_i32_0 = arith.constant 0 : i32
    %c0_i32_1 = arith.constant 0 : i32
    return %c0_i32, %c0_i32_0 : i32, i32
  }
  func.func @transform_11(%arg0: i32) -> (i32, i32) {
    %c0_i32 = arith.constant 0 : i32
    %c0_i32_0 = arith.constant 0 : i32
    %c0_i32_1 = arith.constant 0 : i32
    return %c0_i32, %c0_i32_0 : i32, i32
  }
}

</mosaic_0001>

<sc_bundles>
// kernel: kernel.12.cloned.1.call-start
scs
__scs_entry_jumppad:
0x0: {  	(pc) =	sbr.rel $0x88, $3  }
0x1: {  	(tag) =	ssettag $0x0;
	lr =	simm.s32 $0x1  }
0x2: {  	[smem:$0x3F91] =	sst lr;
	_ =	strace $0xD0000000  }
0x3: {  	_ = 	snop  }
0x4: {  	_ = 	snop  }
0x5: {  	_ = 	snop  }
0x6: {  	_ = 	snop  }
0x7: {  	_ = 	snop  }
__scs_overlays_trampoline_lowered:
0x8: {  	[smem:$0x3FA0] =	sst s0  }
0x9: {  	[smem:$0x3FA1] =	sst s1  }
0xa: {  	[smem:$0x3FA2] =	sst s2  }
0xb: {  	[smem:$0x3FA3] =	sst s3  }
0xc: {  	[smem:$0x3FA4] =	sst s4  }
0xd: {  	[smem:$0x3FA5] =	sst s5  }
0xe: {  	[smem:$0x3FA6] =	sst s6  }
0xf: {  	[smem:$0x3FA7] =	sst s7  }
0x10: {  	[smem:$0x3FA8] =	sst s8  }
0x11: {  	[smem:$0x3FA9] =	sst s9;
	s0 =	simm.s32 @!p0 $0x0  }
0x12: {  	s1 =	sld [smem:$0x3F8F];
	s0 =	simm.s32 @p0 $0x1  }
0x13: {  	[smem:$0x3FAA] =	sst s0;
	s0 =	simm.s32 @!p1 $0x0  }
0x14: {  	s2 =	sld [smem:$0x3F8E];
	s0 =	simm.s32 @p1 $0x1  }
0x15: {  	[smem:$0x3FAB] =	sst s0;
	s0 =	simm.s32 @!p2 $0x0  }
0x16: {  	s3 =	sld [smem:$0x3FDB];
	s0 =	simm.s32 @p2 $0x1  }
0x17: {  	s4 =	simm.s32 $0x1BF5;
	[smem:$0x3FAD] =	sst s0  }
0x18: {  	s0 =	sld [smem:$0x3F90];
	_ =	swait.ge [sflag:s4], $0x0  }
0x19: {  	s7 =	sld [smem:$0x3F91]  }
0x1a: {  	s8 =	sadd.s32 $0xFFFFE003, lr  }
0x1b: {  	s9 =	sadd.s32 $0xFFFFFEF7, lr;
	s5 =	simm.s32 $0xFFFFFFFF;
	p2 =	slt.u32 s8, $0xFFFFF086  }
0x1c: {  	p1 =	slt.u32 s9, $0xF7A;
	s5 =	simm.s32 @!p2 $0x0  }
0x1d: {  	s5 =	simm.s32 @p1 $0x1;
	p0 =	seq.s32 s7, s2  }
0x1e: {  	s7 =	smul.u32 @!p0 $0xF7A, s2;
	p2 =	seq.s32 @!p0 s5, $0x0  }
0x1f: {  	s9 =	smul.u32 $0xF7A, s1;
	s8 =	simm.s32 @!p0 $0x1BF5;
	p2 =	por !p2, p0  }
0x20: {  	[sflag:s8] =	ssyncset.s32 @!p0 $0xFFFFF086;
	s6 =	sadd.s32 @!p0 s3, s7;
	s7 =	simm.s32 @!p0 $0x108  }
0x21: {  	s3 =	sadd.s32 s3, s9;
	s6 =	sadd.s32 @!p0 $0x88, s6;
	s7 =	simm.s32 @p2 $0x1082  }
0x22: {  	[simem:s7], [sflag:s8] =	dma.local @!p0 [hbm:s6], $0xF7A  }
0x23: {  	s9 =	sor.u32 $0xD0000000, s2;
	s6 =	simm.s32 $0x108;
	_ =	swait.ge @!p0 [sflag:s8], $0x0  }
0x24: {  	s3 =	sadd.s32 $0x88, s3;
	s6 =	simm.s32 @!p1 $0x1082;
	[sflag:s4] =	ssyncset.s32 $0xFFFFF086  }
0x25: {  	[simem:s6], [sflag:s4] =	dma.local [hbm:s3], $0xF7A  }
0x26: {  	[smem:$0x3F91] =	sst s1;
	(tag) =	ssettag s2;
	_ =	strace s9  }
0x27: {  	s1 =	sld [smem:$0x3FA1]  }
0x28: {  	s2 =	sld [smem:$0x3FA2]  }
0x29: {  	s4 =	sld [smem:$0x3FA4]  }
0x2a: {  	p0 =	seq.s32 s5, $0x0;
	s5 =	sld [smem:$0x3FA5]  }
0x2b: {  	s6 =	sld [smem:$0x3FA6]  }
0x2c: {  	s7 =	sld [smem:$0x3FA7]  }
0x2d: {  	s3 =	simm.s32 $0x108;
	s8 =	sld [smem:$0x3FA8]  }
0x2e: {  	s3 =	simm.s32 @!p0 $0x1082;
	s9 =	sld [smem:$0x3FA9]  }
0x2f: {  	lr =	sadd.s32 s0, s3;
	s0 =	sld [smem:$0x3FA0]  }
0x30: {  	s3 =	sld [smem:$0x3FA3]  }
0x31: {  	[smem:$0x3FAC] =	sst s10  }
0x32: {  	s10 =	sld [smem:$0x3FAA];
	_ =	sdelay $0x3  }
0x33: {  	p0 =	seq.s32 s10, $0x1;
	s10 =	sld [smem:$0x3FAC];
	_ =	sdelay $0x3  }
0x34: {  	[smem:$0x3FAC] =	sst s10  }
0x35: {  	s10 =	sld [smem:$0x3FAB];
	_ =	sdelay $0x3  }
0x36: {  	p1 =	seq.s32 s10, $0x1;
	s10 =	sld [smem:$0x3FAC];
	_ =	sdelay $0x3  }
0x37: {  	[smem:$0x3FAC] =	sst s10  }
0x38: {  	s10 =	sld [smem:$0x3FAD]  }
0x39: {  	_ = 	snop;
	(pc) =	sbr.ind lr, $3  }
0x3a: {  	_ = 	snop  }
0x3b: {  	_ = 	snop  }
0x3c: {  	p2 =	seq.s32 s10, $0x1;
	s10 =	sld [smem:$0x3FAC]  }
0x3d: {  	_ =	shalt  }
0x3e: {  	_ =	shalt  }
0x3f: {  	_ =	shalt  }
0x40: {  	_ =	shalt  }
0x41: {  	_ =	shalt  }
0x42: {  	_ =	shalt  }
0x43: {  	_ =	shalt  }
0x44: {  	_ =	shalt  }
0x45: {  	_ =	shalt  }
0x46: {  	_ =	shalt  }
0x47: {  	_ =	shalt  }
0x48: {  	_ =	shalt  }
0x49: {  	_ =	shalt  }
0x4a: {  	_ =	shalt  }
0x4b: {  	_ =	shalt  }
0x4c: {  	_ =	shalt  }
0x4d: {  	_ =	shalt  }
0x4e: {  	_ =	shalt  }
0x4f: {  	_ =	shalt  }
0x50: {  	_ =	shalt  }
0x51: {  	_ =	shalt  }
0x52: {  	_ =	shalt  }
0x53: {  	_ =	shalt  }
0x54: {  	_ =	shalt  }
0x55: {  	_ =	shalt  }
0x56: {  	_ =	shalt  }
0x57: {  	_ =	shalt  }
0x58: {  	_ =	shalt  }
0x59: {  	_ =	shalt  }
0x5a: {  	_ =	shalt  }
0x5b: {  	_ =	shalt  }
0x5c: {  	_ =	shalt  }
0x5d: {  	_ =	shalt  }
0x5e: {  	_ =	shalt  }
0x5f: {  	_ =	shalt  }
0x60: {  	_ =	shalt  }
0x61: {  	_ =	shalt  }
0x62: {  	_ =	shalt  }
0x63: {  	_ =	shalt  }
0x64: {  	_ =	shalt  }
0x65: {  	_ =	shalt  }
0x66: {  	_ =	shalt  }
0x67: {  	_ =	shalt  }
0x68: {  	_ =	shalt  }
0x69: {  	_ =	shalt  }
0x6a: {  	_ =	shalt  }
0x6b: {  	_ =	shalt  }
0x6c: {  	_ =	shalt  }
0x6d: {  	_ =	shalt  }
0x6e: {  	_ =	shalt  }
0x6f: {  	_ =	shalt  }
0x70: {  	_ =	shalt  }
0x71: {  	_ =	shalt  }
0x72: {  	_ =	shalt  }
0x73: {  	_ =	shalt  }
0x74: {  	_ =	shalt  }
0x75: {  	_ =	shalt  }
0x76: {  	_ =	shalt  }
0x77: {  	_ =	shalt  }
0x78: {  	_ =	shalt  }
0x79: {  	_ =	shalt  }
0x7a: {  	_ =	shalt  }
0x7b: {  	_ =	shalt  }
0x7c: {  	_ =	shalt  }
0x7d: {  	_ =	shalt  }
0x7e: {  	_ =	shalt  }
0x7f: {  	_ =	shalt  }
0x80: {  	_ =	shalt  }
0x81: {  	_ =	shalt  }
0x82: {  	_ =	shalt  }
0x83: {  	_ =	shalt  }
0x84: {  	_ =	shalt  }
0x85: {  	_ =	shalt  }
0x86: {  	_ =	shalt  }
0x87: {  	_ =	shalt  }
.Lfunc_end0:
.L_simem_size_0:
called_computation.1_lowered:
.L_overlay_start_0:
0x88: {  	s2 =	sld [smem:$0x3FD9]  }
0x89: {  	s3 =	sld [smem:$0x3FFE];
	_ =	sdelay $0x1  }
0x8a: {  	s1 =	srdreg.scid  }
0x8b: {  	s0 =	sand.u32 $0x1, s1  }
0x8c: {  	s16 =	sshll.u32 s0, $0xA;
	s2 =	sadd.s32 s3, s2  }
0x8d: {  	s2 =	sadd.s32 s2, s16  }
0x8e: {  	[smem:$0x3FB8] =	sst s2  }
0x8f: {  	_ = 	snop  }
0x90: {  	(tm) =	ssettm $0x1  }
0x91: {  	s17 =	sld [smem:$0x3FFB];
	_ =	sdelay $0x3  }
0x92: {  	_ =	strace s17  }
0x93: {  	s2 =	sld [smem:$0x3FFC];
	_ =	sdelay $0x3  }
0x94: {  	_ =	strace s2  }
0x95: {  	s2 =	sld [smem:$0x3FFD];
	_ =	sdelay $0x3  }
0x96: {  	_ =	strace s2  }
0x97: {  	_ =	strace $0x8FFFFFFF  }
0x98: {  	s18 =	sld [smem:$0x3FDB];
	_ =	sdelay $0x1  }
0x99: {  	s19 =	simm.s32 $_scs_section_size  }
0x9a: {  	s4 =	simm.s32 $_size__tile_overlayer_lowered;
	s5 =	simm.s32 $_tile_overlayer_lowered  }
0x9b: {  	s22 =	simm.s32 $0x1BFF;
	s21 =	sshll.u32 s5, $0x1;
	s2 =	sadd.s32 s19, s18  }
0x9c: {  	s6 =	simm.s32 $0x0;
	s20 =	sshll.u32 s4, $0x1;
	s4 =	sadd.s32 s21, s2  }
0x9d: {  	[timem:s6], [sflag:s22] =	dma.local [hbm:s4], s20  }
0x9e: {  	_ =	swait.ge [sflag:s22], s20  }
0x9f: {  	s3 =	ssub.s32 $0x0, s20;
	[sflag:s22] =	ssyncset.done $0x0  }
0xa0: {  	[sflag:s22] =	ssyncadd.s32 s3;
	_ =	sdelay $0x1  }
0xa1: {  	s23 =	simm.s32 $0x1B8B  }
0xa2: {  	_ =	swait.ge [sflag:s23], $0x1  }
0xa3: {  	[sflag:s23] =	ssyncset.done $0x0  }
0xa4: {  	s25 =	simm.s32 $0x1B8E;
	s24 =	sld [smem:$0x3FFE];
	[sflag:s23] =	ssyncadd.s32 $0xFFFFFFFF  }
0xa5: {  	s26 =	simm.s32 $execute0_lowered;
	[smem:$0x3FD2] =	sst s25  }
0xa6: {  	s4 =	sshll.u32 s26, $0x1;
	_ =	strace $0x80000049;
	[dreg:$0x1] =	wrdreg $0xFFFFFFFF  }
0xa7: {  	s28 =	simm.s32 $_size_execute0_lowered;
	s2 =	sadd.s32 s2, s4;
	[dreg:$0x0] =	wrdreg $0x0  }
0xa8: {  	s4 =	sshll.u32 s28, $0x1;
	[dreg:$0x2] =	wrdreg s2  }
0xa9: {  	[dreg:$0x3] =	wrdreg s4  }
0xaa: {  	[dreg:$0x4] =	wrdreg $0xC0  }
0xab: {  	_ =	task [dreg:s6], $0x5FFFF  }
0xac: {  	[dreg:$0x1] =	wrdreg $0xFFFFFFFF  }
0xad: {  	[dreg:$0x0] =	wrdreg $0x60  }
0xae: {  	[dreg:$0x2] =	wrdreg s24  }
0xaf: {  	[dreg:$0x3] =	wrdreg $0x0  }
0xb0: {  	[dreg:$0x4] =	wrdreg $0x9  }
0xb1: {  	_ =	task.clear_ibuf [dreg:s6], $0x5FFFF;
	_ =	strace $0x90000049  }
0xb2: {  	s29 =	simm.s32 $0x9;
	_ =	strace $0x8000004B  }
0xb3: {  	_ =	swait.ge [sflag:s29], $0x1  }
0xb4: {  	[sflag:s29] =	ssyncadd.s32 $0xFFFFFFFF  }
0xb5: {  	_ =	strace $0x9000004B  }
0xb6: {  	_ =	sfence  }
0xb7: {  	s30 =	sld [smem:$0x0];
	_ =	sdelay $0x2  }
0xb8: {  	s31 =	sshll.u32 s1, $0xD;
	s1 =	sshrl.u32 s1, $0x2  }
0xb9: {  	s3 =	sand.u32 $0x4000, s31;
	s1 =	sadd.s32 s1, s30  }
0xba: {  	s0 =	sor.u32 s3, s0;
	s1 =	sshll.u32 s1, $0x11  }
0xbb: {  	s0 =	sor.u32 s1, s0  }
0xbc: {  	s0 =	sadd.s32 $0x8F2B, s0  }
0xbd: {  	[sflag:s0] =	ssyncadd.remote.s32 $0x1  }
0xbe: {  	_ =	sfence.sel $0xFFFF  }
0xbf: {  	[dreg:$0x0] =	wrdreg $0xFFFFFFFF;
	(pc) =	sbr.abs _section_cstart, $3  }
0xc0: {  	[dreg:$0x1] =	wrdreg $0xFFFFFFFF  }
0xc1: {  	_ =	task.clear_ibuf [dreg:s6], $0x2FFFF;
	_ =	strace $0x9FFFFFFF  }
0xc2: {  	(tm) =	ssettm $0x7FFFFFFF  }
0xc3: {  	_ =	shalt  }
tec
execute0_lowered:
.L_overlay_start_1:
0x0: {  	(tag) =	ssettag $0x1  }
0x1: {  	s0 =	rddreg [dreg:$0x0]  }
0x2: {  	s1 =	rddreg [dreg:$0x1];
	s3 =	simm.s32 $0x0  }
0x3: {  	s2 =	srdreg.scid;
	s21 =	stileid.u32;
	s28 =	simm.s32 $0x2  }
0x4: {  	s29 =	simm.s32 $0x6;
	s30 =	simm.s32 $0x8;
	[smem:$0x7FF] =	sst s3  }
0x5: {  	s2 =	sand.u32 $0x1, s2;
	s9 =	sor.u32 $0x10, s21;
	s12 =	smul.u32 $0x2800, s21  }
0x6: {  	s5 =	sshll.u32 s21, $0x1;
	s10 =	sor.u32 $0x20, s21;
	s13 =	smul.u32 $0x2800, s9  }
0x7: {  	s4 =	sadd.s32 $0x65E00, s0;
	s11 =	sor.u32 $0x30, s21;
	s14 =	smul.u32 $0x2800, s10  }
0x8: {  	s7 =	sadd.s32 $0x8D000, s0;
	s15 =	sor.u32 $0x40, s21;
	s18 =	smul.u32 $0x2800, s11  }
0x9: {  	s16 =	sor.u32 $0x50, s21;
	s17 =	sor.u32 $0x60, s21;
	s26 =	smul.u32 $0x2800, s15  }
0xa: {  	s6 =	ssub.s32 $0x2, s2;
	s5 =	sor.u32 s2, s5;
	s20 =	smul.u32 $0x2800, s16  }
0xb: {  	s19 =	sor.u32 $0x70, s21;
	s8 =	sshrl.u32 s6, $0x1;
	s5 =	smul.u32 $0x2710, s5  }
0xc: {  	_ =	strace $0x8000004A;
	s6 =	ssub.s32 s6, s8;
	s8 =	smul.u32 $0x138800, s2  }
0xd: {  	p0 =	sgt.u32 s19, $0x7C;
	s2 =	smul.u32 $0x2710, s2;
	s5 =	sshrl.u32 s5, $0x3  }
0xe: {  	s6 =	smax.u32 s6, $0x1;
	s12 =	sadd.s32 s8, s12;
	s13 =	sadd.s32 s8, s13  }
0xf: {  	s24 =	sadd.s32 s8, s14;
	s25 =	sadd.s32 s8, s18;
	[dreg:$0xd] =	wrdreg s6  }
0x10: {  	s12 =	sshrl.u32 s12, $0x3;
	s23 =	sshrl.u32 s13, $0x3;
	s13 =	sshrl.u32 s24, $0x3  }
0x11: {  	s14 =	sshrl.u32 s25, $0x3;
	s24 =	sadd.s32 s8, s20;
	s12 =	sadd.s32 s7, s12  }
0x12: {  	s25 =	smul.u32 $0x2800, s17;
	s13 =	sadd.s32 s7, s13;
	[dreg:$0x3] =	wrdreg s12  }
0x13: {  	s20 =	smul.u32 $0x4E20, s21;
	s22 =	sadd.s32 s7, s14;
	[dreg:$0x5] =	wrdreg s13  }
0x14: {  	s12 =	sadd.s32 s7, s23;
	[dreg:$0x6] =	wrdreg s22;
	s23 =	sadd.s32 s8, s26  }
0x15: {  	s13 =	sshrl.u32 s24, $0x3;
	s26 =	smul.u32 $0x2800, s19;
	s14 =	sadd.s32 s8, s25  }
0x16: {  	s2 =	sadd.s32 s2, s20;
	s22 =	sadd.s32 $0xA, s5;
	s25 =	smul.u32 $0xA000, s21  }
0x17: {  	[dreg:$0x4] =	wrdreg s12;
	s12 =	sshrl.u32 s23, $0x3;
	s23 =	smul.u32 $0xA000, s9  }
0x18: {  	s13 =	sadd.s32 s7, s13;
	s9 =	smul.u32 $0xA000, s11;
	s12 =	sadd.s32 s7, s12  }
0x19: {  	[dreg:$0x8] =	wrdreg s13;
	s8 =	sadd.s32 s8, s26;
	s26 =	smul.u32 $0xA000, s10  }
0x1a: {  	s13 =	sadd.s32 $0x4000, s0;
	s10 =	smul.u32 $0xA000, s15;
	[dreg:$0x7] =	wrdreg s12  }
0x1b: {  	s12 =	sshrl.u32 s14, $0x3;
	s8 =	sshrl.u32 s8, $0x3;
	s14 =	sadd.s32 $0xDE00, s0  }
0x1c: {  	s24 =	sadd.s32 s13, s22;
	s0 =	sshrl.u32 s25, $0x2;
	s11 =	sshrl.u32 s9, $0x2  }
0x1d: {  	s21 =	sadd.s32 s13, s5;
	s9 =	simm.s32 $0x13900;
	s12 =	sadd.s32 s7, s12  }
0x1e: {  	s7 =	sadd.s32 s7, s8;
	[dreg:$0xb] =	wrdreg s24;
	s8 =	sshrl.u32 s23, $0x2  }
0x1f: {  	s6 =	sshrl.u32 s26, $0x2;
	s15 =	sadd.s32 s11, s1;
	[dreg:$0x14] =	wrdreg s21  }
0x20: {  	s24 =	sadd.s32 $0xF0, s2;
	s25 =	sadd.s32 s14, s5;
	s5 =	sadd.s32 $0x4D8, s5  }
0x21: {  	s2 =	sadd.s32 $0xA0, s2;
	s11 =	simm.s32 $0x3;
	[dreg:$0x9] =	wrdreg s12  }
0x22: {  	[dreg:$0xa] =	wrdreg s7;
	s7 =	sadd.s32 s14, s22;
	s22 =	sadd.s32 s0, s1  }
0x23: {  	s23 =	sadd.s32 s8, s1;
	s12 =	smul.u32 $0xA000, s16;
	[dreg:$0xf] =	wrdreg s15  }
0x24: {  	s6 =	sadd.s32 s6, s1;
	s16 =	smul.u32 $0xA000, s17;
	[dreg:$0x15] =	wrdreg s25  }
0x25: {  	s0 =	sshrl.u32 s10, $0x2;
	s17 =	smul.u32 $0xA000, s19;
	[dreg:$0xc] =	wrdreg s7  }
0x26: {  	s26 =	sadd.s32 s13, s5;
	s5 =	sadd.s32 s14, s5;
	[dreg:$0xe] =	wrdreg s6  }
0x27: {  	s8 =	simm.s32 $0x13980;
	s10 =	simm.s32 $0x13A00;
	[dreg:$0x16] =	wrdreg s26  }
0x28: {  	s15 =	simm.s32 $0x4;
	s0 =	sadd.s32 s0, s1;
	[dreg:$0x17] =	wrdreg s5  }
0x29: {  	s5 =	simm.s32 $0x13A80;
	s7 =	simm.s32 $0x13880;
	s26 =	simm.s32 $0x5  }
0x2a: {  	[dreg:$0x10] =	wrdreg s0;
	s18 =	sshrl.u32 s12, $0x2;
	s6 =	sshrl.u32 s16, $0x2  }
0x2b: {  	s20 =	sshrl.u32 s17, $0x2;
	s12 =	simm.s32 $0x50;
	s16 =	simm.s32 $0x16280  }
0x2c: {  	s17 =	simm.s32 $0x1;
	s0 =	sadd.s32 s18, s1;
	s19 =	sadd.s32 s6, s1  }
0x2d: {  	s6 =	simm.s32 $0x7;
	[dreg:$0x11] =	wrdreg s0;
	s0 =	sadd.s32 s20, s1  }
0x2e: {  	s18 =	simm.s32 $0x0;
	[dreg:$0x13] =	wrdreg s0;
	s0 =	sshrl.u32 s24, $0x3  }
0x2f: {  	v0 =	vimm.f32 $0.0e+00;
	[dreg:$0x12] =	wrdreg s19;
	s31 =	sadd.s32 s0, s14;
	s0 =	sadd.s32 s0, s13  }
.LBB2_1:
0x30: {  	s19 =	simm.s32 $0x70;
	s20 =	simm.s32 $0x3C0  }
.LBB2_2:
0x31: {  	p1 =	sne.s32 s20, $0x9FC0;
	[tilespmem:s19+$0x13A80] =	vst v0  }
0x32: {  	[tilespmem:s19+$0x13A10] =	vst v0  }
0x33: {  	[tilespmem:s19+$0x13A20] =	vst v0  }
.Ltmp0:
0x34: {  	[tilespmem:s19+$0x13A30] =	vst v0;
	(pc) =	sbr.rel @p1 .LBB2_2-.Ltmp0, $4  }
0x35: {  	[tilespmem:s19+$0x13A40] =	vst v0  }
0x36: {  	[tilespmem:s19+$0x13A50] =	vst v0  }
0x37: {  	[tilespmem:s19+$0x13A60] =	vst v0  }
0x38: {  	[tilespmem:s19+$0x13A70] =	vst v0;
	s19 =	sshra.s32 s20, $0x2;
	s20 =	sadd.s32 $0x200, s20  }
0x39: {  	[tilespmem:s19+$0x13A80] =	vst v0  }
0x3a: {  	[tilespmem:s19+$0x13A10] =	vst v0  }
0x3b: {  	[tilespmem:s19+$0x13A20] =	vst v0  }
0x3c: {  	[tilespmem:s19+$0x13A30] =	vst v0  }
0x3d: {  	[tilespmem:s19+$0x13A40] =	vst v0  }
0x3e: {  	[tilespmem:s19+$0x13A50] =	vst v0  }
0x3f: {  	[tilespmem:s19+$0x13A60] =	vst v0  }
0x40: {  	[tilespmem:s19+$0x13A70] =	vst v0  }
0x41: {  	[spmem:s22] =	stream.linear.scatter [tilespmem:s5], [sflag:$0x7], $0x2800, $0x38;
	[tilespmem:$0x18A80] =	vst v63  }
0x42: {  	_ =	swait.ge [sflag:s6], $0x2800  }
0x43: {  	[sflag:s6] =	ssyncset.done $0x0  }
0x44: {  	[sflag:s6] =	ssyncadd.s32 $0xFFFFD800  }
0x45: {  	[spmem:s23] =	stream.linear.scatter [tilespmem:s5], [sflag:$0x7], $0x2800, $0x38;
	[tilespmem:$0x18A80] =	vst v63  }
0x46: {  	_ =	swait.ge [sflag:s6], $0x2800  }
0x47: {  	[sflag:s6] =	ssyncset.done $0x0  }
0x48: {  	s24 =	smov.u32 s22;
	s22 =	rddreg [dreg:$0xe];
	[sflag:s6] =	ssyncadd.s32 $0xFFFFD800  }
0x49: {  	[spmem:s22] =	stream.linear.scatter [tilespmem:s5], [sflag:$0x7], $0x2800, $0x38;
	[tilespmem:$0x18A80] =	vst v63  }
0x4a: {  	_ =	swait.ge [sflag:s6], $0x2800  }
0x4b: {  	[sflag:s6] =	ssyncset.done $0x0  }
0x4c: {  	s25 =	smov.u32 s23;
	s23 =	rddreg [dreg:$0xf];
	[sflag:s6] =	ssyncadd.s32 $0xFFFFD800  }
0x4d: {  	[spmem:s23] =	stream.linear.scatter [tilespmem:s5], [sflag:$0x7], $0x2800, $0x38;
	[tilespmem:$0x18A80] =	vst v63  }
0x4e: {  	_ =	swait.ge [sflag:s6], $0x2800  }
0x4f: {  	[sflag:s6] =	ssyncset.done $0x0  }
0x50: {  	s20 =	rddreg [dreg:$0x10];
	[sflag:s6] =	ssyncadd.s32 $0xFFFFD800  }
0x51: {  	[spmem:s20] =	stream.linear.scatter [tilespmem:s5], [sflag:$0x7], $0x2800, $0x38;
	[tilespmem:$0x18A80] =	vst v63  }
0x52: {  	_ =	swait.ge [sflag:s6], $0x2800  }
0x53: {  	[sflag:s6] =	ssyncset.done $0x0  }
0x54: {  	s21 =	rddreg [dreg:$0x11];
	[sflag:s6] =	ssyncadd.s32 $0xFFFFD800  }
0x55: {  	[spmem:s21] =	stream.linear.scatter [tilespmem:s5], [sflag:$0x7], $0x2800, $0x38;
	[tilespmem:$0x18A80] =	vst v63  }
0x56: {  	_ =	swait.ge [sflag:s6], $0x2800  }
0x57: {  	[sflag:s6] =	ssyncset.done $0x0  }
0x58: {  	s22 =	rddreg [dreg:$0x12];
	[sflag:s6] =	ssyncadd.s32 $0xFFFFD800  }
0x59: {  	[spmem:s22] =	stream.linear.scatter [tilespmem:s5], [sflag:$0x7], $0x2800, $0x38;
	[tilespmem:$0x18A80] =	vst v63  }
0x5a: {  	_ =	swait.ge [sflag:s6], $0x2800  }
0x5b: {  	[sflag:s6] =	ssyncset.done $0x0  }
0x5c: {  	s19 =	simm.s32 @!p0 $0x13A80;
	s20 =	rddreg [dreg:$0x13];
	[sflag:s6] =	ssyncadd.s32 $0xFFFFD800  }
0x5d: {  	[spmem:s20] =	stream.linear.scatter @!p0 [tilespmem:s19], [sflag:$0x7], $0x2800, $0x38;
	[tilespmem:$0x18A80] =	vst v63  }
0x5e: {  	s19 =	simm.s32 @!p0 $0x7  }
0x5f: {  	_ =	swait.ge @!p0 [sflag:s19], $0x2800  }
0x60: {  	[sflag:s19] =	ssyncset.done @!p0 $0x0  }
0x61: {  	[sflag:s19] =	ssyncadd.s32 @!p0 $0xFFFFD800  }
0x62: {  	[bflag:$0x0] =	sbarrier.arrive $0xFFFF  }
0x63: {  	s19 =	simm.s32 $0x0;
	s23 =	rddreg [dreg:$0x14]  }
0x64: {  	[tilespmem:s7], [sflag:$0x3] =	stream.linear.gather [hbm4b:s23+s19], $0x50, $0x38;
	[tilespmem:$0x18A80] =	vst v63  }
0x65: {  	s21 =	rddreg [dreg:$0x15]  }
0x66: {  	[tilespmem:s8], [sflag:$0x5] =	stream.linear.gather [hbm4b:s21+s19], $0x50, $0x38;
	[tilespmem:$0x18A80] =	vst v63  }
0x67: {  	s22 =	rddreg [dreg:$0xb]  }
0x68: {  	[tilespmem:s9], [sflag:$0x4] =	stream.linear.gather [hbm4b:s22+s19], $0x50, $0x38;
	[tilespmem:$0x18A80] =	vst v63  }
0x69: {  	s23 =	rddreg [dreg:$0xc]  }
0x6a: {  	[tilespmem:s10], [sflag:$0x6] =	stream.linear.gather [hbm4b:s23+s19], $0x50, $0x38;
	[tilespmem:$0x18A80] =	vst v63  }
0x6b: {  	_ =	swait.ge [sflag:s11], $0x50  }
0x6c: {  	[sflag:s11] =	ssyncset.done $0x0  }
0x6d: {  	[sflag:s11] =	ssyncadd.s32 $0xFFFFFFB0  }
0x6e: {  	[tilespmem:s5], [sflag:$0x1] =	stream.indirect.gather [hbm4b:s4+s12], $0x80, s7, s12, $0xb8;
	[tilespmem:$0x18A80] =	vst v63  }
0x6f: {  	_ =	swait.ge [sflag:s15], $0x50  }
0x70: {  	[sflag:s15] =	ssyncset.done $0x0  }
0x71: {  	[sflag:s15] =	ssyncadd.s32 $0xFFFFFFB0  }
0x72: {  	[tilespmem:s16], [sflag:$0x2] =	stream.indirect.gather [hbm4b:s4+s12], $0x80, s9, s12, $0xb8;
	[tilespmem:$0x18A80] =	vst v63  }
0x73: {  	_ =	swait.ge [sflag:s17], $0x2800  }
0x74: {  	s21 =	sshrl.u32 s2, $0x3;
	[sflag:s17] =	ssyncset.done $0x0  }
0x75: {  	s22 =	sadd.s32 s13, s21;
	[sflag:s17] =	ssyncadd.s32 $0xFFFFD800  }
0x76: {  	[tilespmem:s7], [sflag:$0x3] =	stream.linear.gather [hbm4b:s22+s3], $0x50, $0x38;
	[tilespmem:$0x18A80] =	vst v63  }
0x77: {  	_ =	swait.ge [sflag:s26], $0x50  }
0x78: {  	[sflag:s26] =	ssyncset.done $0x0  }
0x79: {  	[sflag:s26] =	ssyncadd.s32 $0xFFFFFFB0  }
0x7a: {  	[spmem:s1] =	stream.indirect.scatter.add.f32 [tilespmem:s5], [sflag:$0x7], $0x80, s8, s12, $0xb8;
	[tilespmem:$0x18A80] =	vst v63  }
0x7b: {  	_ =	swait.ge [sflag:s6], $0x2800  }
0x7c: {  	[sflag:s6] =	ssyncset.done $0x0  }
0x7d: {  	[sflag:s6] =	ssyncadd.s32 $0xFFFFD800  }
0x7e: {  	_ =	swait.ge [sflag:s11], $0x50  }
0x7f: {  	[sflag:s11] =	ssyncset.done $0x0  }
0x80: {  	[sflag:s11] =	ssyncadd.s32 $0xFFFFFFB0  }
0x81: {  	[tilespmem:s5], [sflag:$0x1] =	stream.indirect.gather [hbm4b:s4+s12], $0x80, s7, s12, $0xb8;
	[tilespmem:$0x18A80] =	vst v63  }
0x82: {  	s19 =	sadd.s32 s14, s21  }
0x83: {  	[tilespmem:s8], [sflag:$0x5] =	stream.linear.gather [hbm4b:s19+s3], $0x50, $0x38;
	[tilespmem:$0x18A80] =	vst v63  }
0x84: {  	_ =	swait.ge [sflag:s28], $0x2800  }
0x85: {  	[sflag:s28] =	ssyncset.done $0x0  }
0x86: {  	s23 =	sadd.s32 $0x0, s0;
	[sflag:s28] =	ssyncadd.s32 $0xFFFFD800  }
0x87: {  	[tilespmem:s9], [sflag:$0x4] =	stream.linear.gather [hbm4b:s23+s3], $0x50, $0x38;
	[tilespmem:$0x18A80] =	vst v63  }
0x88: {  	_ =	swait.ge [sflag:s29], $0x50  }
0x89: {  	[sflag:s29] =	ssyncset.done $0x0  }
0x8a: {  	[sflag:s29] =	ssyncadd.s32 $0xFFFFFFB0  }
0x8b: {  	[spmem:s1] =	stream.indirect.scatter.add.f32 [tilespmem:s16], [sflag:$0x7], $0x80, s10, s12, $0xb8;
	[tilespmem:$0x18A80] =	vst v63  }
0x8c: {  	_ =	swait.ge [sflag:s6], $0x2800  }
0x8d: {  	[sflag:s6] =	ssyncset.done $0x0  }
0x8e: {  	[sflag:s6] =	ssyncadd.s32 $0xFFFFD800  }
0x8f: {  	_ =	swait.ge [sflag:s15], $0x50  }
0x90: {  	s20 =	sadd.s32 $0xA0, s2;
	[sflag:s15] =	ssyncset.done $0x0  }
0x91: {  	s21 =	sadd.s32 $0x0, s31;
	s19 =	simm.s32 $0x14;
	[sflag:s15] =	ssyncadd.s32 $0xFFFFFFB0  }
0x92: {  	[tilespmem:s16], [sflag:$0x2] =	stream.indirect.gather [hbm4b:s4+s12], $0x80, s9, s12, $0xb8;
	[tilespmem:$0x18A80] =	vst v63  }
.LBB2_4:
0x93: {  	[tilespmem:s10], [sflag:$0x6] =	stream.linear.gather [hbm4b:s21+s3], $0x50, $0x38;
	[tilespmem:$0x18A80] =	vst v63  }
0x94: {  	s21 =	smov.u32 s19  }
0x95: {  	p1 =	sne.s32 s19, $0x4B0;
	s19 =	sadd.s32 $0x14, s19;
	_ =	swait.ge [sflag:s17], $0x2800  }
0x96: {  	s22 =	sshrl.u32 s20, $0x3;
	[sflag:s17] =	ssyncset.done $0x0  }
0x97: {  	s23 =	sadd.s32 s13, s22;
	[sflag:s17] =	ssyncadd.s32 $0xFFFFD800  }
0x98: {  	[tilespmem:s7], [sflag:$0x3] =	stream.linear.gather [hbm4b:s23+s3], $0x50, $0x38;
	[tilespmem:$0x18A80] =	vst v63  }
0x99: {  	_ =	swait.ge [sflag:s26], $0x50  }
0x9a: {  	[sflag:s26] =	ssyncset.done $0x0  }
0x9b: {  	[sflag:s26] =	ssyncadd.s32 $0xFFFFFFB0  }
0x9c: {  	[spmem:s1] =	stream.indirect.scatter.add.f32 [tilespmem:s5], [sflag:$0x7], $0x80, s8, s12, $0xb8;
	[tilespmem:$0x18A80] =	vst v63  }
0x9d: {  	_ =	swait.ge [sflag:s6], $0x2800  }
0x9e: {  	[sflag:s6] =	ssyncset.done $0x0  }
0x9f: {  	[sflag:s6] =	ssyncadd.s32 $0xFFFFD800  }
0xa0: {  	_ =	swait.ge [sflag:s11], $0x50  }
0xa1: {  	[sflag:s11] =	ssyncset.done $0x0  }
0xa2: {  	[sflag:s11] =	ssyncadd.s32 $0xFFFFFFB0  }
0xa3: {  	[tilespmem:s5], [sflag:$0x1] =	stream.indirect.gather [hbm4b:s4+s12], $0x80, s7, s12, $0xb8;
	[tilespmem:$0x18A80] =	vst v63  }
0xa4: {  	s22 =	sadd.s32 s14, s22  }
0xa5: {  	[tilespmem:s8], [sflag:$0x5] =	stream.linear.gather [hbm4b:s22+s3], $0x50, $0x38;
	[tilespmem:$0x18A80] =	vst v63  }
0xa6: {  	_ =	swait.ge [sflag:s28], $0x2800  }
0xa7: {  	[sflag:s28] =	ssyncset.done $0x0  }
0xa8: {  	s22 =	sadd.s32 s21, s0;
	[sflag:s28] =	ssyncadd.s32 $0xFFFFD800  }
0xa9: {  	[tilespmem:s9], [sflag:$0x4] =	stream.linear.gather [hbm4b:s22+s3], $0x50, $0x38;
	[tilespmem:$0x18A80] =	vst v63  }
0xaa: {  	_ =	swait.ge [sflag:s29], $0x50  }
0xab: {  	[sflag:s29] =	ssyncset.done $0x0  }
0xac: {  	[sflag:s29] =	ssyncadd.s32 $0xFFFFFFB0  }
0xad: {  	[spmem:s1] =	stream.indirect.scatter.add.f32 [tilespmem:s16], [sflag:$0x7], $0x80, s10, s12, $0xb8;
	[tilespmem:$0x18A80] =	vst v63  }
0xae: {  	_ =	swait.ge [sflag:s6], $0x2800  }
0xaf: {  	[sflag:s6] =	ssyncset.done $0x0  }
0xb0: {  	[sflag:s6] =	ssyncadd.s32 $0xFFFFD800  }
.Ltmp1:
0xb1: {  	_ =	swait.ge [sflag:s15], $0x50;
	(pc) =	sbr.rel @p1 .LBB2_4-.Ltmp1, $4  }
0xb2: {  	[sflag:s15] =	ssyncset.done $0x0  }
0xb3: {  	[sflag:s15] =	ssyncadd.s32 $0xFFFFFFB0  }
0xb4: {  	[tilespmem:s16], [sflag:$0x2] =	stream.indirect.gather [hbm4b:s4+s12], $0x80, s9, s12, $0xb8;
	[tilespmem:$0x18A80] =	vst v63  }
0xb5: {  	s20 =	sadd.s32 $0xA0, s20;
	s21 =	sadd.s32 s21, s31  }
0xb6: {  	[tilespmem:s10], [sflag:$0x6] =	stream.linear.gather [hbm4b:s21+s3], $0x50, $0x38;
	[tilespmem:$0x18A80] =	vst v63  }
0xb7: {  	_ =	swait.ge [sflag:s17], $0x2800  }
0xb8: {  	[sflag:s17] =	ssyncset.done $0x0  }
0xb9: {  	s19 =	rddreg [dreg:$0x16];
	[sflag:s17] =	ssyncadd.s32 $0xFFFFD800  }
0xba: {  	[tilespmem:s7], [sflag:$0x3] =	stream.linear.gather [hbm4b:s19+s3], $0x50, $0x38;
	[tilespmem:$0x18A80] =	vst v63  }
0xbb: {  	_ =	swait.ge [sflag:s26], $0x50  }
0xbc: {  	[sflag:s26] =	ssyncset.done $0x0  }
0xbd: {  	[sflag:s26] =	ssyncadd.s32 $0xFFFFFFB0  }
0xbe: {  	[spmem:s1] =	stream.indirect.scatter.add.f32 [tilespmem:s5], [sflag:$0x7], $0x80, s8, s12, $0xb8;
	[tilespmem:$0x18A80] =	vst v63  }
0xbf: {  	_ =	swait.ge [sflag:s6], $0x2800  }
0xc0: {  	[sflag:s6] =	ssyncset.done $0x0  }
0xc1: {  	[sflag:s6] =	ssyncadd.s32 $0xFFFFD800  }
0xc2: {  	_ =	swait.ge [sflag:s11], $0x50  }
0xc3: {  	[sflag:s11] =	ssyncset.done $0x0  }
0xc4: {  	[sflag:s11] =	ssyncadd.s32 $0xFFFFFFB0  }
0xc5: {  	[tilespmem:s5], [sflag:$0x1] =	stream.indirect.gather [hbm4b:s4+s12], $0x80, s7, s12, $0xb8;
	[tilespmem:$0x18A80] =	vst v63  }
0xc6: {  	s23 =	rddreg [dreg:$0x17]  }
0xc7: {  	[tilespmem:s8], [sflag:$0x5] =	stream.linear.gather [hbm4b:s23+s3], $0x50, $0x38;
	[tilespmem:$0x18A80] =	vst v63  }
0xc8: {  	_ =	swait.ge [sflag:s28], $0x2800  }
0xc9: {  	[sflag:s28] =	ssyncset.done $0x0  }
0xca: {  	[sflag:s28] =	ssyncadd.s32 $0xFFFFD800  }
0xcb: {  	_ =	swait.ge [sflag:s29], $0x50  }
0xcc: {  	[sflag:s29] =	ssyncset.done $0x0  }
0xcd: {  	[sflag:s29] =	ssyncadd.s32 $0xFFFFFFB0  }
0xce: {  	[spmem:s1] =	stream.indirect.scatter.add.f32 [tilespmem:s16], [sflag:$0x7], $0x80, s10, s12, $0xb8;
	[tilespmem:$0x18A80] =	vst v63  }
0xcf: {  	_ =	swait.ge [sflag:s6], $0x2800  }
0xd0: {  	[sflag:s6] =	ssyncset.done $0x0  }
0xd1: {  	[sflag:s6] =	ssyncadd.s32 $0xFFFFD800  }
0xd2: {  	_ =	swait.ge [sflag:s17], $0x2800  }
0xd3: {  	[sflag:s17] =	ssyncset.done $0x0  }
0xd4: {  	[sflag:s17] =	ssyncadd.s32 $0xFFFFD800  }
0xd5: {  	_ =	swait.ge [sflag:s26], $0x50  }
0xd6: {  	[sflag:s26] =	ssyncset.done $0x0  }
0xd7: {  	[sflag:s26] =	ssyncadd.s32 $0xFFFFFFB0  }
0xd8: {  	[spmem:s1] =	stream.indirect.scatter.add.f32 [tilespmem:s5], [sflag:$0x7], $0x80, s8, s12, $0xb8;
	[tilespmem:$0x18A80] =	vst v63  }
0xd9: {  	_ =	swait.ge [sflag:s6], $0x2800  }
0xda: {  	[sflag:s6] =	ssyncset.done $0x0  }
0xdb: {  	[sflag:s6] =	ssyncadd.s32 $0xFFFFD800  }
0xdc: {  	[bflag:$0x0] =	sbarrier.arrive $0xFFFF  }
0xdd: {  	[tilespmem:s5], [sflag:$0x8] =	stream.linear.gather [spmem:s24], $0x2800, $0x38;
	[tilespmem:$0x18A80] =	vst v63  }
0xde: {  	_ =	swait.ge [sflag:s30], $0x2800  }
0xdf: {  	[sflag:s30] =	ssyncset.done $0x0  }
0xe0: {  	s22 =	smov.u32 s24;
	s24 =	rddreg [dreg:$0x3];
	[sflag:s30] =	ssyncadd.s32 $0xFFFFD800  }
0xe1: {  	[hbm4b:s24+s3] =	stream.linear.scatter [tilespmem:s5], [sflag:$0x7], $0x2800, $0x38;
	[tilespmem:$0x18A80] =	vst v63  }
0xe2: {  	_ =	swait.ge [sflag:s6], $0x2800  }
0xe3: {  	[sflag:s6] =	ssyncset.done $0x0  }
0xe4: {  	[sflag:s6] =	ssyncadd.s32 $0xFFFFD800  }
0xe5: {  	[tilespmem:s5], [sflag:$0x8] =	stream.linear.gather [spmem:s25], $0x2800, $0x38;
	[tilespmem:$0x18A80] =	vst v63  }
0xe6: {  	_ =	swait.ge [sflag:s30], $0x2800  }
0xe7: {  	[sflag:s30] =	ssyncset.done $0x0  }
0xe8: {  	s20 =	rddreg [dreg:$0x4];
	[sflag:s30] =	ssyncadd.s32 $0xFFFFD800  }
0xe9: {  	[hbm4b:s20+s3] =	stream.linear.scatter [tilespmem:s5], [sflag:$0x7], $0x2800, $0x38;
	[tilespmem:$0x18A80] =	vst v63  }
0xea: {  	_ =	swait.ge [sflag:s6], $0x2800  }
0xeb: {  	[sflag:s6] =	ssyncset.done $0x0  }
0xec: {  	s21 =	rddreg [dreg:$0xe];
	[sflag:s6] =	ssyncadd.s32 $0xFFFFD800  }
0xed: {  	[tilespmem:s5], [sflag:$0x8] =	stream.linear.gather [spmem:s21], $0x2800, $0x38;
	[tilespmem:$0x18A80] =	vst v63  }
0xee: {  	_ =	swait.ge [sflag:s30], $0x2800  }
0xef: {  	[sflag:s30] =	ssyncset.done $0x0  }
0xf0: {  	s24 =	rddreg [dreg:$0x5];
	[sflag:s30] =	ssyncadd.s32 $0xFFFFD800  }
0xf1: {  	[hbm4b:s24+s3] =	stream.linear.scatter [tilespmem:s5], [sflag:$0x7], $0x2800, $0x38;
	[tilespmem:$0x18A80] =	vst v63  }
0xf2: {  	_ =	swait.ge [sflag:s6], $0x2800  }
0xf3: {  	[sflag:s6] =	ssyncset.done $0x0  }
0xf4: {  	s23 =	smov.u32 s25;
	s25 =	rddreg [dreg:$0xf];
	[sflag:s6] =	ssyncadd.s32 $0xFFFFD800  }
0xf5: {  	[tilespmem:s5], [sflag:$0x8] =	stream.linear.gather [spmem:s25], $0x2800, $0x38;
	[tilespmem:$0x18A80] =	vst v63  }
0xf6: {  	_ =	swait.ge [sflag:s30], $0x2800  }
0xf7: {  	[sflag:s30] =	ssyncset.done $0x0  }
0xf8: {  	s20 =	rddreg [dreg:$0x6];
	[sflag:s30] =	ssyncadd.s32 $0xFFFFD800  }
0xf9: {  	[hbm4b:s20+s3] =	stream.linear.scatter [tilespmem:s5], [sflag:$0x7], $0x2800, $0x38;
	[tilespmem:$0x18A80] =	vst v63  }
0xfa: {  	_ =	swait.ge [sflag:s6], $0x2800  }
0xfb: {  	[sflag:s6] =	ssyncset.done $0x0  }
0xfc: {  	s21 =	rddreg [dreg:$0x10];
	[sflag:s6] =	ssyncadd.s32 $0xFFFFD800  }
0xfd: {  	[tilespmem:s5], [sflag:$0x8] =	stream.linear.gather [spmem:s21], $0x2800, $0x38;
	[tilespmem:$0x18A80] =	vst v63  }
0xfe: {  	_ =	swait.ge [sflag:s30], $0x2800  }
0xff: {  	[sflag:s30] =	ssyncset.done $0x0  }
0x100: {  	s24 =	rddreg [dreg:$0x7];
	[sflag:s30] =	ssyncadd.s32 $0xFFFFD800  }
0x101: {  	[hbm4b:s24+s3] =	stream.linear.scatter [tilespmem:s5], [sflag:$0x7], $0x2800, $0x38;
	[tilespmem:$0x18A80] =	vst v63  }
0x102: {  	_ =	swait.ge [sflag:s6], $0x2800  }
0x103: {  	[sflag:s6] =	ssyncset.done $0x0  }
0x104: {  	s25 =	rddreg [dreg:$0x11];
	[sflag:s6] =	ssyncadd.s32 $0xFFFFD800  }
0x105: {  	[tilespmem:s5], [sflag:$0x8] =	stream.linear.gather [spmem:s25], $0x2800, $0x38;
	[tilespmem:$0x18A80] =	vst v63  }
0x106: {  	_ =	swait.ge [sflag:s30], $0x2800  }
0x107: {  	[sflag:s30] =	ssyncset.done $0x0  }
0x108: {  	s20 =	rddreg [dreg:$0x8];
	[sflag:s30] =	ssyncadd.s32 $0xFFFFD800  }
0x109: {  	[hbm4b:s20+s3] =	stream.linear.scatter [tilespmem:s5], [sflag:$0x7], $0x2800, $0x38;
	[tilespmem:$0x18A80] =	vst v63  }
0x10a: {  	_ =	swait.ge [sflag:s6], $0x2800  }
0x10b: {  	[sflag:s6] =	ssyncset.done $0x0  }
0x10c: {  	s21 =	rddreg [dreg:$0x12];
	[sflag:s6] =	ssyncadd.s32 $0xFFFFD800  }
0x10d: {  	[tilespmem:s5], [sflag:$0x8] =	stream.linear.gather [spmem:s21], $0x2800, $0x38;
	[tilespmem:$0x18A80] =	vst v63  }
0x10e: {  	_ =	swait.ge [sflag:s30], $0x2800  }
0x10f: {  	[sflag:s30] =	ssyncset.done $0x0  }
0x110: {  	s24 =	rddreg [dreg:$0x9];
	[sflag:s30] =	ssyncadd.s32 $0xFFFFD800  }
0x111: {  	[hbm4b:s24+s3] =	stream.linear.scatter [tilespmem:s5], [sflag:$0x7], $0x2800, $0x38;
	[tilespmem:$0x18A80] =	vst v63  }
0x112: {  	_ =	swait.ge [sflag:s6], $0x2800  }
0x113: {  	[sflag:s6] =	ssyncset.done $0x0  }
0x114: {  	s19 =	simm.s32 @!p0 $0x13A80;
	s20 =	rddreg [dreg:$0x13];
	[sflag:s6] =	ssyncadd.s32 $0xFFFFD800  }
0x115: {  	[tilespmem:s19], [sflag:$0x8] =	stream.linear.gather @!p0 [spmem:s20], $0x2800, $0x38;
	[tilespmem:$0x18A80] =	vst v63  }
0x116: {  	s20 =	simm.s32 @!p0 $0x8  }
0x117: {  	_ =	swait.ge @!p0 [sflag:s20], $0x2800  }
0x118: {  	[sflag:s20] =	ssyncset.done @!p0 $0x0  }
0x119: {  	s21 =	rddreg [dreg:$0xa];
	[sflag:s20] =	ssyncadd.s32 @!p0 $0xFFFFD800;
	s20 =	simm.s32 @!p0 $0x0  }
0x11a: {  	[hbm4b:s21+s20] =	stream.linear.scatter @!p0 [tilespmem:s19], [sflag:$0x7], $0x2800, $0x38;
	[tilespmem:$0x18A80] =	vst v63  }
0x11b: {  	s19 =	simm.s32 @!p0 $0x7  }
0x11c: {  	_ =	swait.ge @!p0 [sflag:s19], $0x2800  }
0x11d: {  	s18 =	sadd.s32 $0x1, s18;
	s25 =	rddreg [dreg:$0xd]  }
0x11e: {  	p1 =	sne.s32 s18, s25  }
.Ltmp2:
0x11f: {  	_ = 	snop;
	(pc) =	sbr.rel @p1 .LBB2_1-.Ltmp2, $3  }
0x120: {  	_ =	sdelay $0x1  }
0x121: {  	[sflag:s19] =	ssyncset.done @!p0 $0x0  }
0x122: {  	[sflag:s19] =	ssyncadd.s32 @!p0 $0xFFFFD800  }
0x123: {  	_ =	sfence.sel $0x180000  }
0x124: {  	[bflag:$0x0] =	sbarrier.arrive $0xFFFF  }
0x125: {  	_ =	strace $0x9000004A  }
0x126: {  	s0 =	stileid.u32;
	[bflag:$0x2] =	sbarrier.arrive $0xFFFF  }
0x127: {  	p0 =	sne.s32 s0, $0x0;
	s0 =	rddreg [dreg:$0x2]  }
0x128: {  	s0 =	sadd.s32 @!p0 $0x100000, s0  }
0x129: {  	[sflag:s0] =	ssyncadd.tile.s32 @!p0 $0x1;
	_ =	shalt  }
.Lfunc_end2:
_tile_overlayer_lowered:
.L_overlay_start_2:
0x12a: {  	(tag) =	ssettag $0x2  }
0x12b: {  	s0 =	rddreg [dreg:$0x0];
	s2 =	stileid.u32  }
0x12c: {  	s1 =	rddreg [dreg:$0x1];
	p0 =	sne.s32 s2, $0x0  }
0x12d: {  	s3 =	rddreg [dreg:$0x2];
	[bflag:$0x3] =	sbarrier.arrive $0xFFFF;
	s2 =	simm.s32 @!p0 $0x1C07  }
0x12e: {  	[timem:s3], [sflag:s2] =	dma.local @!p0 [hbm:s0], s1  }
0x12f: {  	s0 =	simm.s32 @!p0 $0x7  }
0x130: {  	_ =	swait.ge @!p0 [sflag:s0], s1  }
0x131: {  	s1 =	ssub.s32 @!p0 $0x0, s1;
	[sflag:s0] =	ssyncset.done @!p0 $0x0  }
0x132: {  	[sflag:s0] =	ssyncadd.s32 @!p0 s1  }
0x133: {  	[bflag:$0x3] =	sbarrier.arrive $0xFFFF  }
0x134: {  	_ =	shalt  }

// kernel: kernel.15.cloned.1.call-start
scs
__scs_entry_jumppad:
0x0: {  	(pc) =	sbr.rel $0x88, $3  }
0x1: {  	(tag) =	ssettag $0x0;
	lr =	simm.s32 $0x1  }
0x2: {  	[smem:$0x3F91] =	sst lr;
	_ =	strace $0xD0000000  }
0x3: {  	_ = 	snop  }
0x4: {  	_ = 	snop  }
0x5: {  	_ = 	snop  }
0x6: {  	_ = 	snop  }
0x7: {  	_ = 	snop  }
__scs_overlays_trampoline_lowered:
0x8: {  	[smem:$0x3FA0] =	sst s0  }
0x9: {  	[smem:$0x3FA1] =	sst s1  }
0xa: {  	[smem:$0x3FA2] =	sst s2  }
0xb: {  	[smem:$0x3FA3] =	sst s3  }
0xc: {  	[smem:$0x3FA4] =	sst s4  }
0xd: {  	[smem:$0x3FA5] =	sst s5  }
0xe: {  	[smem:$0x3FA6] =	sst s6  }
0xf: {  	[smem:$0x3FA7] =	sst s7  }
0x10: {  	[smem:$0x3FA8] =	sst s8  }
0x11: {  	[smem:$0x3FA9] =	sst s9;
	s0 =	simm.s32 @!p0 $0x0  }
0x12: {  	s1 =	sld [smem:$0x3F8F];
	s0 =	simm.s32 @p0 $0x1  }
0x13: {  	[smem:$0x3FAA] =	sst s0;
	s0 =	simm.s32 @!p1 $0x0  }
0x14: {  	s2 =	sld [smem:$0x3F8E];
	s0 =	simm.s32 @p1 $0x1  }
0x15: {  	[smem:$0x3FAB] =	sst s0;
	s0 =	simm.s32 @!p2 $0x0  }
0x16: {  	s3 =	sld [smem:$0x3FDB];
	s0 =	simm.s32 @p2 $0x1  }
0x17: {  	s4 =	simm.s32 $0x1BF5;
	[smem:$0x3FAD] =	sst s0  }
0x18: {  	s0 =	sld [smem:$0x3F90];
	_ =	swait.ge [sflag:s4], $0x0  }
0x19: {  	s7 =	sld [smem:$0x3F91]  }
0x1a: {  	s8 =	sadd.s32 $0xFFFFE003, lr  }
0x1b: {  	s9 =	sadd.s32 $0xFFFFFEF7, lr;
	s5 =	simm.s32 $0xFFFFFFFF;
	p2 =	slt.u32 s8, $0xFFFFF086  }
0x1c: {  	p1 =	slt.u32 s9, $0xF7A;
	s5 =	simm.s32 @!p2 $0x0  }
0x1d: {  	s5 =	simm.s32 @p1 $0x1;
	p0 =	seq.s32 s7, s2  }
0x1e: {  	s7 =	smul.u32 @!p0 $0xF7A, s2;
	p2 =	seq.s32 @!p0 s5, $0x0  }
0x1f: {  	s9 =	smul.u32 $0xF7A, s1;
	s8 =	simm.s32 @!p0 $0x1BF5;
	p2 =	por !p2, p0  }
0x20: {  	[sflag:s8] =	ssyncset.s32 @!p0 $0xFFFFF086;
	s6 =	sadd.s32 @!p0 s3, s7;
	s7 =	simm.s32 @!p0 $0x108  }
0x21: {  	s3 =	sadd.s32 s3, s9;
	s6 =	sadd.s32 @!p0 $0x88, s6;
	s7 =	simm.s32 @p2 $0x1082  }
0x22: {  	[simem:s7], [sflag:s8] =	dma.local @!p0 [hbm:s6], $0xF7A  }
0x23: {  	s9 =	sor.u32 $0xD0000000, s2;
	s6 =	simm.s32 $0x108;
	_ =	swait.ge @!p0 [sflag:s8], $0x0  }
0x24: {  	s3 =	sadd.s32 $0x88, s3;
	s6 =	simm.s32 @!p1 $0x1082;
	[sflag:s4] =	ssyncset.s32 $0xFFFFF086  }
0x25: {  	[simem:s6], [sflag:s4] =	dma.local [hbm:s3], $0xF7A  }
0x26: {  	[smem:$0x3F91] =	sst s1;
	(tag) =	ssettag s2;
	_ =	strace s9  }
0x27: {  	s1 =	sld [smem:$0x3FA1]  }
0x28: {  	s2 =	sld [smem:$0x3FA2]  }
0x29: {  	s4 =	sld [smem:$0x3FA4]  }
0x2a: {  	p0 =	seq.s32 s5, $0x0;
	s5 =	sld [smem:$0x3FA5]  }
0x2b: {  	s6 =	sld [smem:$0x3FA6]  }
0x2c: {  	s7 =	sld [smem:$0x3FA7]  }
0x2d: {  	s3 =	simm.s32 $0x108;
	s8 =	sld [smem:$0x3FA8]  }
0x2e: {  	s3 =	simm.s32 @!p0 $0x1082;
	s9 =	sld [smem:$0x3FA9]  }
0x2f: {  	lr =	sadd.s32 s0, s3;
	s0 =	sld [smem:$0x3FA0]  }
0x30: {  	s3 =	sld [smem:$0x3FA3]  }
0x31: {  	[smem:$0x3FAC] =	sst s10  }
0x32: {  	s10 =	sld [smem:$0x3FAA];
	_ =	sdelay $0x3  }
0x33: {  	p0 =	seq.s32 s10, $0x1;
	s10 =	sld [smem:$0x3FAC];
	_ =	sdelay $0x3  }
0x34: {  	[smem:$0x3FAC] =	sst s10  }
0x35: {  	s10 =	sld [smem:$0x3FAB];
	_ =	sdelay $0x3  }
0x36: {  	p1 =	seq.s32 s10, $0x1;
	s10 =	sld [smem:$0x3FAC];
	_ =	sdelay $0x3  }
0x37: {  	[smem:$0x3FAC] =	sst s10  }
0x38: {  	s10 =	sld [smem:$0x3FAD]  }
0x39: {  	_ = 	snop;
	(pc) =	sbr.ind lr, $3  }
0x3a: {  	_ = 	snop  }
0x3b: {  	_ = 	snop  }
0x3c: {  	p2 =	seq.s32 s10, $0x1;
	s10 =	sld [smem:$0x3FAC]  }
0x3d: {  	_ =	shalt  }
0x3e: {  	_ =	shalt  }
0x3f: {  	_ =	shalt  }
0x40: {  	_ =	shalt  }
0x41: {  	_ =	shalt  }
0x42: {  	_ =	shalt  }
0x43: {  	_ =	shalt  }
0x44: {  	_ =	shalt  }
0x45: {  	_ =	shalt  }
0x46: {  	_ =	shalt  }
0x47: {  	_ =	shalt  }
0x48: {  	_ =	shalt  }
0x49: {  	_ =	shalt  }
0x4a: {  	_ =	shalt  }
0x4b: {  	_ =	shalt  }
0x4c: {  	_ =	shalt  }
0x4d: {  	_ =	shalt  }
0x4e: {  	_ =	shalt  }
0x4f: {  	_ =	shalt  }
0x50: {  	_ =	shalt  }
0x51: {  	_ =	shalt  }
0x52: {  	_ =	shalt  }
0x53: {  	_ =	shalt  }
0x54: {  	_ =	shalt  }
0x55: {  	_ =	shalt  }
0x56: {  	_ =	shalt  }
0x57: {  	_ =	shalt  }
0x58: {  	_ =	shalt  }
0x59: {  	_ =	shalt  }
0x5a: {  	_ =	shalt  }
0x5b: {  	_ =	shalt  }
0x5c: {  	_ =	shalt  }
0x5d: {  	_ =	shalt  }
0x5e: {  	_ =	shalt  }
0x5f: {  	_ =	shalt  }
0x60: {  	_ =	shalt  }
0x61: {  	_ =	shalt  }
0x62: {  	_ =	shalt  }
0x63: {  	_ =	shalt  }
0x64: {  	_ =	shalt  }
0x65: {  	_ =	shalt  }
0x66: {  	_ =	shalt  }
0x67: {  	_ =	shalt  }
0x68: {  	_ =	shalt  }
0x69: {  	_ =	shalt  }
0x6a: {  	_ =	shalt  }
0x6b: {  	_ =	shalt  }
0x6c: {  	_ =	shalt  }
0x6d: {  	_ =	shalt  }
0x6e: {  	_ =	shalt  }
0x6f: {  	_ =	shalt  }
0x70: {  	_ =	shalt  }
0x71: {  	_ =	shalt  }
0x72: {  	_ =	shalt  }
0x73: {  	_ =	shalt  }
0x74: {  	_ =	shalt  }
0x75: {  	_ =	shalt  }
0x76: {  	_ =	shalt  }
0x77: {  	_ =	shalt  }
0x78: {  	_ =	shalt  }
0x79: {  	_ =	shalt  }
0x7a: {  	_ =	shalt  }
0x7b: {  	_ =	shalt  }
0x7c: {  	_ =	shalt  }
0x7d: {  	_ =	shalt  }
0x7e: {  	_ =	shalt  }
0x7f: {  	_ =	shalt  }
0x80: {  	_ =	shalt  }
0x81: {  	_ =	shalt  }
0x82: {  	_ =	shalt  }
0x83: {  	_ =	shalt  }
0x84: {  	_ =	shalt  }
0x85: {  	_ =	shalt  }
0x86: {  	_ =	shalt  }
0x87: {  	_ =	shalt  }
.Lfunc_end0:
.L_simem_size_0:
called_computation.2_lowered:
.L_overlay_start_0:
0x88: {  	s2 =	sld [smem:$0x3FD9]  }
0x89: {  	s3 =	sld [smem:$0x3FFE];
	_ =	sdelay $0x1  }
0x8a: {  	s1 =	srdreg.scid  }
0x8b: {  	s0 =	sand.u32 $0x1, s1  }
0x8c: {  	s16 =	sshll.u32 s0, $0xA;
	s2 =	sadd.s32 s3, s2  }
0x8d: {  	s2 =	sadd.s32 s2, s16  }
0x8e: {  	[smem:$0x3FB8] =	sst s2  }
0x8f: {  	_ = 	snop  }
0x90: {  	(tm) =	ssettm $0x1  }
0x91: {  	s17 =	sld [smem:$0x3FFB];
	_ =	sdelay $0x3  }
0x92: {  	_ =	strace s17  }
0x93: {  	s2 =	sld [smem:$0x3FFC];
	_ =	sdelay $0x3  }
0x94: {  	_ =	strace s2  }
0x95: {  	s2 =	sld [smem:$0x3FFD];
	_ =	sdelay $0x3  }
0x96: {  	_ =	strace s2  }
0x97: {  	_ =	strace $0x8FFFFFFF  }
0x98: {  	s18 =	sld [smem:$0x3FDB];
	_ =	sdelay $0x1  }
0x99: {  	s19 =	simm.s32 $_scs_section_size  }
0x9a: {  	s4 =	simm.s32 $_size__tile_overlayer_lowered;
	s5 =	simm.s32 $_tile_overlayer_lowered  }
0x9b: {  	s22 =	simm.s32 $0x1BFF;
	s21 =	sshll.u32 s5, $0x1;
	s2 =	sadd.s32 s19, s18  }
0x9c: {  	s6 =	simm.s32 $0x0;
	s20 =	sshll.u32 s4, $0x1;
	s4 =	sadd.s32 s21, s2  }
0x9d: {  	[timem:s6], [sflag:s22] =	dma.local [hbm:s4], s20  }
0x9e: {  	_ =	swait.ge [sflag:s22], s20  }
0x9f: {  	s3 =	ssub.s32 $0x0, s20;
	[sflag:s22] =	ssyncset.done $0x0  }
0xa0: {  	[sflag:s22] =	ssyncadd.s32 s3;
	_ =	sdelay $0x1  }
0xa1: {  	s23 =	simm.s32 $0x1B8B  }
0xa2: {  	_ =	swait.ge [sflag:s23], $0x1  }
0xa3: {  	[sflag:s23] =	ssyncset.done $0x0  }
0xa4: {  	s25 =	simm.s32 $0x1B8E;
	s24 =	sld [smem:$0x3FFE];
	[sflag:s23] =	ssyncadd.s32 $0xFFFFFFFF  }
0xa5: {  	s26 =	simm.s32 $execute0_lowered;
	[smem:$0x3FD2] =	sst s25  }
0xa6: {  	s4 =	sshll.u32 s26, $0x1;
	_ =	strace $0x8000004C;
	[dreg:$0x1] =	wrdreg $0xFFFFFFFF  }
0xa7: {  	s28 =	simm.s32 $_size_execute0_lowered;
	s2 =	sadd.s32 s2, s4;
	[dreg:$0x0] =	wrdreg $0x0  }
0xa8: {  	s4 =	sshll.u32 s28, $0x1;
	[dreg:$0x2] =	wrdreg s2  }
0xa9: {  	[dreg:$0x3] =	wrdreg s4  }
0xaa: {  	[dreg:$0x4] =	wrdreg $0xC0  }
0xab: {  	_ =	task [dreg:s6], $0x5FFFF  }
0xac: {  	[dreg:$0x1] =	wrdreg $0xFFFFFFFF  }
0xad: {  	[dreg:$0x0] =	wrdreg $0x60  }
0xae: {  	[dreg:$0x2] =	wrdreg s24  }
0xaf: {  	[dreg:$0x3] =	wrdreg $0x0  }
0xb0: {  	[dreg:$0x4] =	wrdreg $0x9  }
0xb1: {  	_ =	task.clear_ibuf [dreg:s6], $0x5FFFF;
	_ =	strace $0x9000004C  }
0xb2: {  	s29 =	simm.s32 $0x9;
	_ =	strace $0x8000004E  }
0xb3: {  	_ =	swait.ge [sflag:s29], $0x1  }
0xb4: {  	[sflag:s29] =	ssyncadd.s32 $0xFFFFFFFF  }
0xb5: {  	_ =	strace $0x9000004E  }
0xb6: {  	_ =	sfence  }
0xb7: {  	s30 =	sld [smem:$0x0];
	_ =	sdelay $0x2  }
0xb8: {  	s31 =	sshll.u32 s1, $0xD;
	s1 =	sshrl.u32 s1, $0x2  }
0xb9: {  	s3 =	sand.u32 $0x4000, s31;
	s1 =	sadd.s32 s1, s30  }
0xba: {  	s0 =	sor.u32 s3, s0;
	s1 =	sshll.u32 s1, $0x11  }
0xbb: {  	s0 =	sor.u32 s1, s0  }
0xbc: {  	s0 =	sadd.s32 $0x8F2B, s0  }
0xbd: {  	[sflag:s0] =	ssyncadd.remote.s32 $0x1  }
0xbe: {  	_ =	sfence.sel $0xFFFF  }
0xbf: {  	[dreg:$0x0] =	wrdreg $0xFFFFFFFF;
	(pc) =	sbr.abs _section_cstart, $3  }
0xc0: {  	[dreg:$0x1] =	wrdreg $0xFFFFFFFF  }
0xc1: {  	_ =	task.clear_ibuf [dreg:s6], $0x2FFFF;
	_ =	strace $0x9FFFFFFF  }
0xc2: {  	(tm) =	ssettm $0x7FFFFFFF  }
0xc3: {  	_ =	shalt  }
tec
execute0_lowered:
.L_overlay_start_1:
0x0: {  	(tag) =	ssettag $0x1  }
0x1: {  	s0 =	rddreg [dreg:$0x0]  }
0x2: {  	s1 =	rddreg [dreg:$0x1];
	s3 =	simm.s32 $0x0  }
0x3: {  	s2 =	srdreg.scid;
	s21 =	stileid.u32;
	s28 =	simm.s32 $0x2  }
0x4: {  	s29 =	simm.s32 $0x6;
	s30 =	simm.s32 $0x8;
	[smem:$0x7FF] =	sst s3  }
0x5: {  	s2 =	sand.u32 $0x1, s2;
	s9 =	sor.u32 $0x10, s21;
	s12 =	smul.u32 $0x2800, s21  }
0x6: {  	s5 =	sshll.u32 s21, $0x1;
	s10 =	sor.u32 $0x20, s21;
	s13 =	smul.u32 $0x2800, s9  }
0x7: {  	s4 =	sadd.s32 $0x65E00, s0;
	s11 =	sor.u32 $0x30, s21;
	s14 =	smul.u32 $0x2800, s10  }
0x8: {  	s7 =	sadd.s32 $0x8D000, s0;
	s15 =	sor.u32 $0x40, s21;
	s18 =	smul.u32 $0x2800, s11  }
0x9: {  	s16 =	sor.u32 $0x50, s21;
	s17 =	sor.u32 $0x60, s21;
	s26 =	smul.u32 $0x2800, s15  }
0xa: {  	s6 =	ssub.s32 $0x2, s2;
	s5 =	sor.u32 s2, s5;
	s20 =	smul.u32 $0x2800, s16  }
0xb: {  	s19 =	sor.u32 $0x70, s21;
	s8 =	sshrl.u32 s6, $0x1;
	s5 =	smul.u32 $0x2710, s5  }
0xc: {  	_ =	strace $0x8000004D;
	s6 =	ssub.s32 s6, s8;
	s8 =	smul.u32 $0x138800, s2  }
0xd: {  	p0 =	sgt.u32 s19, $0x7C;
	s2 =	smul.u32 $0x2710, s2;
	s5 =	sshrl.u32 s5, $0x3  }
0xe: {  	s6 =	smax.u32 s6, $0x1;
	s12 =	sadd.s32 s8, s12;
	s13 =	sadd.s32 s8, s13  }
0xf: {  	s24 =	sadd.s32 s8, s14;
	s25 =	sadd.s32 s8, s18;
	[dreg:$0xd] =	wrdreg s6  }
0x10: {  	s12 =	sshrl.u32 s12, $0x3;
	s23 =	sshrl.u32 s13, $0x3;
	s13 =	sshrl.u32 s24, $0x3  }
0x11: {  	s14 =	sshrl.u32 s25, $0x3;
	s24 =	sadd.s32 s8, s20;
	s12 =	sadd.s32 s7, s12  }
0x12: {  	s25 =	smul.u32 $0x2800, s17;
	s13 =	sadd.s32 s7, s13;
	[dreg:$0x3] =	wrdreg s12  }
0x13: {  	s20 =	smul.u32 $0x4E20, s21;
	s22 =	sadd.s32 s7, s14;
	[dreg:$0x5] =	wrdreg s13  }
0x14: {  	s12 =	sadd.s32 s7, s23;
	[dreg:$0x6] =	wrdreg s22;
	s23 =	sadd.s32 s8, s26  }
0x15: {  	s13 =	sshrl.u32 s24, $0x3;
	s26 =	smul.u32 $0x2800, s19;
	s14 =	sadd.s32 s8, s25  }
0x16: {  	s2 =	sadd.s32 s2, s20;
	s22 =	sadd.s32 $0xA, s5;
	s25 =	smul.u32 $0xA000, s21  }
0x17: {  	[dreg:$0x4] =	wrdreg s12;
	s12 =	sshrl.u32 s23, $0x3;
	s23 =	smul.u32 $0xA000, s9  }
0x18: {  	s13 =	sadd.s32 s7, s13;
	s9 =	smul.u32 $0xA000, s11;
	s12 =	sadd.s32 s7, s12  }
0x19: {  	[dreg:$0x8] =	wrdreg s13;
	s8 =	sadd.s32 s8, s26;
	s26 =	smul.u32 $0xA000, s10  }
0x1a: {  	s13 =	sadd.s32 $0x4000, s0;
	s10 =	smul.u32 $0xA000, s15;
	[dreg:$0x7] =	wrdreg s12  }
0x1b: {  	s12 =	sshrl.u32 s14, $0x3;
	s8 =	sshrl.u32 s8, $0x3;
	s14 =	sadd.s32 $0xDE00, s0  }
0x1c: {  	s24 =	sadd.s32 s13, s22;
	s0 =	sshrl.u32 s25, $0x2;
	s11 =	sshrl.u32 s9, $0x2  }
0x1d: {  	s21 =	sadd.s32 s13, s5;
	s9 =	simm.s32 $0x13900;
	s12 =	sadd.s32 s7, s12  }
0x1e: {  	s7 =	sadd.s32 s7, s8;
	[dreg:$0xb] =	wrdreg s24;
	s8 =	sshrl.u32 s23, $0x2  }
0x1f: {  	s6 =	sshrl.u32 s26, $0x2;
	s15 =	sadd.s32 s11, s1;
	[dreg:$0x14] =	wrdreg s21  }
0x20: {  	s24 =	sadd.s32 $0xF0, s2;
	s25 =	sadd.s32 s14, s5;
	s5 =	sadd.s32 $0x4D8, s5  }
0x21: {  	s2 =	sadd.s32 $0xA0, s2;
	s11 =	simm.s32 $0x3;
	[dreg:$0x9] =	wrdreg s12  }
0x22: {  	[dreg:$0xa] =	wrdreg s7;
	s7 =	sadd.s32 s14, s22;
	s22 =	sadd.s32 s0, s1  }
0x23: {  	s23 =	sadd.s32 s8, s1;
	s12 =	smul.u32 $0xA000, s16;
	[dreg:$0xf] =	wrdreg s15  }
0x24: {  	s6 =	sadd.s32 s6, s1;
	s16 =	smul.u32 $0xA000, s17;
	[dreg:$0x15] =	wrdreg s25  }
0x25: {  	s0 =	sshrl.u32 s10, $0x2;
	s17 =	smul.u32 $0xA000, s19;
	[dreg:$0xc] =	wrdreg s7  }
0x26: {  	s26 =	sadd.s32 s13, s5;
	s5 =	sadd.s32 s14, s5;
	[dreg:$0xe] =	wrdreg s6  }
0x27: {  	s8 =	simm.s32 $0x13980;
	s10 =	simm.s32 $0x13A00;
	[dreg:$0x16] =	wrdreg s26  }
0x28: {  	s15 =	simm.s32 $0x4;
	s0 =	sadd.s32 s0, s1;
	[dreg:$0x17] =	wrdreg s5  }
0x29: {  	s5 =	simm.s32 $0x13A80;
	s7 =	simm.s32 $0x13880;
	s26 =	simm.s32 $0x5  }
0x2a: {  	[dreg:$0x10] =	wrdreg s0;
	s18 =	sshrl.u32 s12, $0x2;
	s6 =	sshrl.u32 s16, $0x2  }
0x2b: {  	s20 =	sshrl.u32 s17, $0x2;
	s12 =	simm.s32 $0x50;
	s16 =	simm.s32 $0x16280  }
0x2c: {  	s17 =	simm.s32 $0x1;
	s0 =	sadd.s32 s18, s1;
	s19 =	sadd.s32 s6, s1  }
0x2d: {  	s6 =	simm.s32 $0x7;
	[dreg:$0x11] =	wrdreg s0;
	s0 =	sadd.s32 s20, s1  }
0x2e: {  	s18 =	simm.s32 $0x0;
	[dreg:$0x13] =	wrdreg s0;
	s0 =	sshrl.u32 s24, $0x3  }
0x2f: {  	v0 =	vimm.f32 $0.0e+00;
	[dreg:$0x12] =	wrdreg s19;
	s31 =	sadd.s32 s0, s14;
	s0 =	sadd.s32 s0, s13  }
.LBB2_1:
0x30: {  	s19 =	simm.s32 $0x70;
	s20 =	simm.s32 $0x3C0  }
.LBB2_2:
0x31: {  	p1 =	sne.s32 s20, $0x9FC0;
	[tilespmem:s19+$0x13A80] =	vst v0  }
0x32: {  	[tilespmem:s19+$0x13A10] =	vst v0  }
0x33: {  	[tilespmem:s19+$0x13A20] =	vst v0  }
.Ltmp0:
0x34: {  	[tilespmem:s19+$0x13A30] =	vst v0;
	(pc) =	sbr.rel @p1 .LBB2_2-.Ltmp0, $4  }
0x35: {  	[tilespmem:s19+$0x13A40] =	vst v0  }
0x36: {  	[tilespmem:s19+$0x13A50] =	vst v0  }
0x37: {  	[tilespmem:s19+$0x13A60] =	vst v0  }
0x38: {  	[tilespmem:s19+$0x13A70] =	vst v0;
	s19 =	sshra.s32 s20, $0x2;
	s20 =	sadd.s32 $0x200, s20  }
0x39: {  	[tilespmem:s19+$0x13A80] =	vst v0  }
0x3a: {  	[tilespmem:s19+$0x13A10] =	vst v0  }
0x3b: {  	[tilespmem:s19+$0x13A20] =	vst v0  }
0x3c: {  	[tilespmem:s19+$0x13A30] =	vst v0  }
0x3d: {  	[tilespmem:s19+$0x13A40] =	vst v0  }
0x3e: {  	[tilespmem:s19+$0x13A50] =	vst v0  }
0x3f: {  	[tilespmem:s19+$0x13A60] =	vst v0  }
0x40: {  	[tilespmem:s19+$0x13A70] =	vst v0  }
0x41: {  	[spmem:s22] =	stream.linear.scatter [tilespmem:s5], [sflag:$0x7], $0x2800, $0x38;
	[tilespmem:$0x18A80] =	vst v63  }
0x42: {  	_ =	swait.ge [sflag:s6], $0x2800  }
0x43: {  	[sflag:s6] =	ssyncset.done $0x0  }
0x44: {  	[sflag:s6] =	ssyncadd.s32 $0xFFFFD800  }
0x45: {  	[spmem:s23] =	stream.linear.scatter [tilespmem:s5], [sflag:$0x7], $0x2800, $0x38;
	[tilespmem:$0x18A80] =	vst v63  }
0x46: {  	_ =	swait.ge [sflag:s6], $0x2800  }
0x47: {  	[sflag:s6] =	ssyncset.done $0x0  }
0x48: {  	s24 =	smov.u32 s22;
	s22 =	rddreg [dreg:$0xe];
	[sflag:s6] =	ssyncadd.s32 $0xFFFFD800  }
0x49: {  	[spmem:s22] =	stream.linear.scatter [tilespmem:s5], [sflag:$0x7], $0x2800, $0x38;
	[tilespmem:$0x18A80] =	vst v63  }
0x4a: {  	_ =	swait.ge [sflag:s6], $0x2800  }
0x4b: {  	[sflag:s6] =	ssyncset.done $0x0  }
0x4c: {  	s25 =	smov.u32 s23;
	s23 =	rddreg [dreg:$0xf];
	[sflag:s6] =	ssyncadd.s32 $0xFFFFD800  }
0x4d: {  	[spmem:s23] =	stream.linear.scatter [tilespmem:s5], [sflag:$0x7], $0x2800, $0x38;
	[tilespmem:$0x18A80] =	vst v63  }
0x4e: {  	_ =	swait.ge [sflag:s6], $0x2800  }
0x4f: {  	[sflag:s6] =	ssyncset.done $0x0  }
0x50: {  	s20 =	rddreg [dreg:$0x10];
	[sflag:s6] =	ssyncadd.s32 $0xFFFFD800  }
0x51: {  	[spmem:s20] =	stream.linear.scatter [tilespmem:s5], [sflag:$0x7], $0x2800, $0x38;
	[tilespmem:$0x18A80] =	vst v63  }
0x52: {  	_ =	swait.ge [sflag:s6], $0x2800  }
0x53: {  	[sflag:s6] =	ssyncset.done $0x0  }
0x54: {  	s21 =	rddreg [dreg:$0x11];
	[sflag:s6] =	ssyncadd.s32 $0xFFFFD800  }
0x55: {  	[spmem:s21] =	stream.linear.scatter [tilespmem:s5], [sflag:$0x7], $0x2800, $0x38;
	[tilespmem:$0x18A80] =	vst v63  }
0x56: {  	_ =	swait.ge [sflag:s6], $0x2800  }
0x57: {  	[sflag:s6] =	ssyncset.done $0x0  }
0x58: {  	s22 =	rddreg [dreg:$0x12];
	[sflag:s6] =	ssyncadd.s32 $0xFFFFD800  }
0x59: {  	[spmem:s22] =	stream.linear.scatter [tilespmem:s5], [sflag:$0x7], $0x2800, $0x38;
	[tilespmem:$0x18A80] =	vst v63  }
0x5a: {  	_ =	swait.ge [sflag:s6], $0x2800  }
0x5b: {  	[sflag:s6] =	ssyncset.done $0x0  }
0x5c: {  	s19 =	simm.s32 @!p0 $0x13A80;
	s20 =	rddreg [dreg:$0x13];
	[sflag:s6] =	ssyncadd.s32 $0xFFFFD800  }
0x5d: {  	[spmem:s20] =	stream.linear.scatter @!p0 [tilespmem:s19], [sflag:$0x7], $0x2800, $0x38;
	[tilespmem:$0x18A80] =	vst v63  }
0x5e: {  	s19 =	simm.s32 @!p0 $0x7  }
0x5f: {  	_ =	swait.ge @!p0 [sflag:s19], $0x2800  }
0x60: {  	[sflag:s19] =	ssyncset.done @!p0 $0x0  }
0x61: {  	[sflag:s19] =	ssyncadd.s32 @!p0 $0xFFFFD800  }
0x62: {  	[bflag:$0x0] =	sbarrier.arrive $0xFFFF  }
0x63: {  	s19 =	simm.s32 $0x0;
	s23 =	rddreg [dreg:$0x14]  }
0x64: {  	[tilespmem:s7], [sflag:$0x3] =	stream.linear.gather [hbm4b:s23+s19], $0x50, $0x38;
	[tilespmem:$0x18A80] =	vst v63  }
0x65: {  	s21 =	rddreg [dreg:$0x15]  }
0x66: {  	[tilespmem:s8], [sflag:$0x5] =	stream.linear.gather [hbm4b:s21+s19], $0x50, $0x38;
	[tilespmem:$0x18A80] =	vst v63  }
0x67: {  	s22 =	rddreg [dreg:$0xb]  }
0x68: {  	[tilespmem:s9], [sflag:$0x4] =	stream.linear.gather [hbm4b:s22+s19], $0x50, $0x38;
	[tilespmem:$0x18A80] =	vst v63  }
0x69: {  	s23 =	rddreg [dreg:$0xc]  }
0x6a: {  	[tilespmem:s10], [sflag:$0x6] =	stream.linear.gather [hbm4b:s23+s19], $0x50, $0x38;
	[tilespmem:$0x18A80] =	vst v63  }
0x6b: {  	_ =	swait.ge [sflag:s11], $0x50  }
0x6c: {  	[sflag:s11] =	ssyncset.done $0x0  }
0x6d: {  	[sflag:s11] =	ssyncadd.s32 $0xFFFFFFB0  }
0x6e: {  	[tilespmem:s5], [sflag:$0x1] =	stream.indirect.gather [hbm4b:s4+s12], $0x80, s7, s12, $0xb8;
	[tilespmem:$0x18A80] =	vst v63  }
0x6f: {  	_ =	swait.ge [sflag:s15], $0x50  }
0x70: {  	[sflag:s15] =	ssyncset.done $0x0  }
0x71: {  	[sflag:s15] =	ssyncadd.s32 $0xFFFFFFB0  }
0x72: {  	[tilespmem:s16], [sflag:$0x2] =	stream.indirect.gather [hbm4b:s4+s12], $0x80, s9, s12, $0xb8;
	[tilespmem:$0x18A80] =	vst v63  }
0x73: {  	_ =	swait.ge [sflag:s17], $0x2800  }
0x74: {  	s21 =	sshrl.u32 s2, $0x3;
	[sflag:s17] =	ssyncset.done $0x0  }
0x75: {  	s22 =	sadd.s32 s13, s21;
	[sflag:s17] =	ssyncadd.s32 $0xFFFFD800  }
0x76: {  	[tilespmem:s7], [sflag:$0x3] =	stream.linear.gather [hbm4b:s22+s3], $0x50, $0x38;
	[tilespmem:$0x18A80] =	vst v63  }
0x77: {  	_ =	swait.ge [sflag:s26], $0x50  }
0x78: {  	[sflag:s26] =	ssyncset.done $0x0  }
0x79: {  	[sflag:s26] =	ssyncadd.s32 $0xFFFFFFB0  }
0x7a: {  	[spmem:s1] =	stream.indirect.scatter.add.f32 [tilespmem:s5], [sflag:$0x7], $0x80, s8, s12, $0xb8;
	[tilespmem:$0x18A80] =	vst v63  }
0x7b: {  	_ =	swait.ge [sflag:s6], $0x2800  }
0x7c: {  	[sflag:s6] =	ssyncset.done $0x0  }
0x7d: {  	[sflag:s6] =	ssyncadd.s32 $0xFFFFD800  }
0x7e: {  	_ =	swait.ge [sflag:s11], $0x50  }
0x7f: {  	[sflag:s11] =	ssyncset.done $0x0  }
0x80: {  	[sflag:s11] =	ssyncadd.s32 $0xFFFFFFB0  }
0x81: {  	[tilespmem:s5], [sflag:$0x1] =	stream.indirect.gather [hbm4b:s4+s12], $0x80, s7, s12, $0xb8;
	[tilespmem:$0x18A80] =	vst v63  }
0x82: {  	s19 =	sadd.s32 s14, s21  }
0x83: {  	[tilespmem:s8], [sflag:$0x5] =	stream.linear.gather [hbm4b:s19+s3], $0x50, $0x38;
	[tilespmem:$0x18A80] =	vst v63  }
0x84: {  	_ =	swait.ge [sflag:s28], $0x2800  }
0x85: {  	[sflag:s28] =	ssyncset.done $0x0  }
0x86: {  	s23 =	sadd.s32 $0x0, s0;
	[sflag:s28] =	ssyncadd.s32 $0xFFFFD800  }
0x87: {  	[tilespmem:s9], [sflag:$0x4] =	stream.linear.gather [hbm4b:s23+s3], $0x50, $0x38;
	[tilespmem:$0x18A80] =	vst v63  }
0x88: {  	_ =	swait.ge [sflag:s29], $0x50  }
0x89: {  	[sflag:s29] =	ssyncset.done $0x0  }
0x8a: {  	[sflag:s29] =	ssyncadd.s32 $0xFFFFFFB0  }
0x8b: {  	[spmem:s1] =	stream.indirect.scatter.add.f32 [tilespmem:s16], [sflag:$0x7], $0x80, s10, s12, $0xb8;
	[tilespmem:$0x18A80] =	vst v63  }
0x8c: {  	_ =	swait.ge [sflag:s6], $0x2800  }
0x8d: {  	[sflag:s6] =	ssyncset.done $0x0  }
0x8e: {  	[sflag:s6] =	ssyncadd.s32 $0xFFFFD800  }
0x8f: {  	_ =	swait.ge [sflag:s15], $0x50  }
0x90: {  	s20 =	sadd.s32 $0xA0, s2;
	[sflag:s15] =	ssyncset.done $0x0  }
0x91: {  	s21 =	sadd.s32 $0x0, s31;
	s19 =	simm.s32 $0x14;
	[sflag:s15] =	ssyncadd.s32 $0xFFFFFFB0  }
0x92: {  	[tilespmem:s16], [sflag:$0x2] =	stream.indirect.gather [hbm4b:s4+s12], $0x80, s9, s12, $0xb8;
	[tilespmem:$0x18A80] =	vst v63  }
.LBB2_4:
0x93: {  	[tilespmem:s10], [sflag:$0x6] =	stream.linear.gather [hbm4b:s21+s3], $0x50, $0x38;
	[tilespmem:$0x18A80] =	vst v63  }
0x94: {  	s21 =	smov.u32 s19  }
0x95: {  	p1 =	sne.s32 s19, $0x4B0;
	s19 =	sadd.s32 $0x14, s19;
	_ =	swait.ge [sflag:s17], $0x2800  }
0x96: {  	s22 =	sshrl.u32 s20, $0x3;
	[sflag:s17] =	ssyncset.done $0x0  }
0x97: {  	s23 =	sadd.s32 s13, s22;
	[sflag:s17] =	ssyncadd.s32 $0xFFFFD800  }
0x98: {  	[tilespmem:s7], [sflag:$0x3] =	stream.linear.gather [hbm4b:s23+s3], $0x50, $0x38;
	[tilespmem:$0x18A80] =	vst v63  }
0x99: {  	_ =	swait.ge [sflag:s26], $0x50  }
0x9a: {  	[sflag:s26] =	ssyncset.done $0x0  }
0x9b: {  	[sflag:s26] =	ssyncadd.s32 $0xFFFFFFB0  }
0x9c: {  	[spmem:s1] =	stream.indirect.scatter.add.f32 [tilespmem:s5], [sflag:$0x7], $0x80, s8, s12, $0xb8;
	[tilespmem:$0x18A80] =	vst v63  }
0x9d: {  	_ =	swait.ge [sflag:s6], $0x2800  }
0x9e: {  	[sflag:s6] =	ssyncset.done $0x0  }
0x9f: {  	[sflag:s6] =	ssyncadd.s32 $0xFFFFD800  }
0xa0: {  	_ =	swait.ge [sflag:s11], $0x50  }
0xa1: {  	[sflag:s11] =	ssyncset.done $0x0  }
0xa2: {  	[sflag:s11] =	ssyncadd.s32 $0xFFFFFFB0  }
0xa3: {  	[tilespmem:s5], [sflag:$0x1] =	stream.indirect.gather [hbm4b:s4+s12], $0x80, s7, s12, $0xb8;
	[tilespmem:$0x18A80] =	vst v63  }
0xa4: {  	s22 =	sadd.s32 s14, s22  }
0xa5: {  	[tilespmem:s8], [sflag:$0x5] =	stream.linear.gather [hbm4b:s22+s3], $0x50, $0x38;
	[tilespmem:$0x18A80] =	vst v63  }
0xa6: {  	_ =	swait.ge [sflag:s28], $0x2800  }
0xa7: {  	[sflag:s28] =	ssyncset.done $0x0  }
0xa8: {  	s22 =	sadd.s32 s21, s0;
	[sflag:s28] =	ssyncadd.s32 $0xFFFFD800  }
0xa9: {  	[tilespmem:s9], [sflag:$0x4] =	stream.linear.gather [hbm4b:s22+s3], $0x50, $0x38;
	[tilespmem:$0x18A80] =	vst v63  }
0xaa: {  	_ =	swait.ge [sflag:s29], $0x50  }
0xab: {  	[sflag:s29] =	ssyncset.done $0x0  }
0xac: {  	[sflag:s29] =	ssyncadd.s32 $0xFFFFFFB0  }
0xad: {  	[spmem:s1] =	stream.indirect.scatter.add.f32 [tilespmem:s16], [sflag:$0x7], $0x80, s10, s12, $0xb8;
	[tilespmem:$0x18A80] =	vst v63  }
0xae: {  	_ =	swait.ge [sflag:s6], $0x2800  }
0xaf: {  	[sflag:s6] =	ssyncset.done $0x0  }
0xb0: {  	[sflag:s6] =	ssyncadd.s32 $0xFFFFD800  }
.Ltmp1:
0xb1: {  	_ =	swait.ge [sflag:s15], $0x50;
	(pc) =	sbr.rel @p1 .LBB2_4-.Ltmp1, $4  }
0xb2: {  	[sflag:s15] =	ssyncset.done $0x0  }
0xb3: {  	[sflag:s15] =	ssyncadd.s32 $0xFFFFFFB0  }
0xb4: {  	[tilespmem:s16], [sflag:$0x2] =	stream.indirect.gather [hbm4b:s4+s12], $0x80, s9, s12, $0xb8;
	[tilespmem:$0x18A80] =	vst v63  }
0xb5: {  	s20 =	sadd.s32 $0xA0, s20;
	s21 =	sadd.s32 s21, s31  }
0xb6: {  	[tilespmem:s10], [sflag:$0x6] =	stream.linear.gather [hbm4b:s21+s3], $0x50, $0x38;
	[tilespmem:$0x18A80] =	vst v63  }
0xb7: {  	_ =	swait.ge [sflag:s17], $0x2800  }
0xb8: {  	[sflag:s17] =	ssyncset.done $0x0  }
0xb9: {  	s19 =	rddreg [dreg:$0x16];
	[sflag:s17] =	ssyncadd.s32 $0xFFFFD800  }
0xba: {  	[tilespmem:s7], [sflag:$0x3] =	stream.linear.gather [hbm4b:s19+s3], $0x50, $0x38;
	[tilespmem:$0x18A80] =	vst v63  }
0xbb: {  	_ =	swait.ge [sflag:s26], $0x50  }
0xbc: {  	[sflag:s26] =	ssyncset.done $0x0  }
0xbd: {  	[sflag:s26] =	ssyncadd.s32 $0xFFFFFFB0  }
0xbe: {  	[spmem:s1] =	stream.indirect.scatter.add.f32 [tilespmem:s5], [sflag:$0x7], $0x80, s8, s12, $0xb8;
	[tilespmem:$0x18A80] =	vst v63  }
0xbf: {  	_ =	swait.ge [sflag:s6], $0x2800  }
0xc0: {  	[sflag:s6] =	ssyncset.done $0x0  }
0xc1: {  	[sflag:s6] =	ssyncadd.s32 $0xFFFFD800  }
0xc2: {  	_ =	swait.ge [sflag:s11], $0x50  }
0xc3: {  	[sflag:s11] =	ssyncset.done $0x0  }
0xc4: {  	[sflag:s11] =	ssyncadd.s32 $0xFFFFFFB0  }
0xc5: {  	[tilespmem:s5], [sflag:$0x1] =	stream.indirect.gather [hbm4b:s4+s12], $0x80, s7, s12, $0xb8;
	[tilespmem:$0x18A80] =	vst v63  }
0xc6: {  	s23 =	rddreg [dreg:$0x17]  }
0xc7: {  	[tilespmem:s8], [sflag:$0x5] =	stream.linear.gather [hbm4b:s23+s3], $0x50, $0x38;
	[tilespmem:$0x18A80] =	vst v63  }
0xc8: {  	_ =	swait.ge [sflag:s28], $0x2800  }
0xc9: {  	[sflag:s28] =	ssyncset.done $0x0  }
0xca: {  	[sflag:s28] =	ssyncadd.s32 $0xFFFFD800  }
0xcb: {  	_ =	swait.ge [sflag:s29], $0x50  }
0xcc: {  	[sflag:s29] =	ssyncset.done $0x0  }
0xcd: {  	[sflag:s29] =	ssyncadd.s32 $0xFFFFFFB0  }
0xce: {  	[spmem:s1] =	stream.indirect.scatter.add.f32 [tilespmem:s16], [sflag:$0x7], $0x80, s10, s12, $0xb8;
	[tilespmem:$0x18A80] =	vst v63  }
0xcf: {  	_ =	swait.ge [sflag:s6], $0x2800  }
0xd0: {  	[sflag:s6] =	ssyncset.done $0x0  }
0xd1: {  	[sflag:s6] =	ssyncadd.s32 $0xFFFFD800  }
0xd2: {  	_ =	swait.ge [sflag:s17], $0x2800  }
0xd3: {  	[sflag:s17] =	ssyncset.done $0x0  }
0xd4: {  	[sflag:s17] =	ssyncadd.s32 $0xFFFFD800  }
0xd5: {  	_ =	swait.ge [sflag:s26], $0x50  }
0xd6: {  	[sflag:s26] =	ssyncset.done $0x0  }
0xd7: {  	[sflag:s26] =	ssyncadd.s32 $0xFFFFFFB0  }
0xd8: {  	[spmem:s1] =	stream.indirect.scatter.add.f32 [tilespmem:s5], [sflag:$0x7], $0x80, s8, s12, $0xb8;
	[tilespmem:$0x18A80] =	vst v63  }
0xd9: {  	_ =	swait.ge [sflag:s6], $0x2800  }
0xda: {  	[sflag:s6] =	ssyncset.done $0x0  }
0xdb: {  	[sflag:s6] =	ssyncadd.s32 $0xFFFFD800  }
0xdc: {  	[bflag:$0x0] =	sbarrier.arrive $0xFFFF  }
0xdd: {  	[tilespmem:s5], [sflag:$0x8] =	stream.linear.gather [spmem:s24], $0x2800, $0x38;
	[tilespmem:$0x18A80] =	vst v63  }
0xde: {  	_ =	swait.ge [sflag:s30], $0x2800  }
0xdf: {  	[sflag:s30] =	ssyncset.done $0x0  }
0xe0: {  	s22 =	smov.u32 s24;
	s24 =	rddreg [dreg:$0x3];
	[sflag:s30] =	ssyncadd.s32 $0xFFFFD800  }
0xe1: {  	[hbm4b:s24+s3] =	stream.linear.scatter [tilespmem:s5], [sflag:$0x7], $0x2800, $0x38;
	[tilespmem:$0x18A80] =	vst v63  }
0xe2: {  	_ =	swait.ge [sflag:s6], $0x2800  }
0xe3: {  	[sflag:s6] =	ssyncset.done $0x0  }
0xe4: {  	[sflag:s6] =	ssyncadd.s32 $0xFFFFD800  }
0xe5: {  	[tilespmem:s5], [sflag:$0x8] =	stream.linear.gather [spmem:s25], $0x2800, $0x38;
	[tilespmem:$0x18A80] =	vst v63  }
0xe6: {  	_ =	swait.ge [sflag:s30], $0x2800  }
0xe7: {  	[sflag:s30] =	ssyncset.done $0x0  }
0xe8: {  	s20 =	rddreg [dreg:$0x4];
	[sflag:s30] =	ssyncadd.s32 $0xFFFFD800  }
0xe9: {  	[hbm4b:s20+s3] =	stream.linear.scatter [tilespmem:s5], [sflag:$0x7], $0x2800, $0x38;
	[tilespmem:$0x18A80] =	vst v63  }
0xea: {  	_ =	swait.ge [sflag:s6], $0x2800  }
0xeb: {  	[sflag:s6] =	ssyncset.done $0x0  }
0xec: {  	s21 =	rddreg [dreg:$0xe];
	[sflag:s6] =	ssyncadd.s32 $0xFFFFD800  }
0xed: {  	[tilespmem:s5], [sflag:$0x8] =	stream.linear.gather [spmem:s21], $0x2800, $0x38;
	[tilespmem:$0x18A80] =	vst v63  }
0xee: {  	_ =	swait.ge [sflag:s30], $0x2800  }
0xef: {  	[sflag:s30] =	ssyncset.done $0x0  }
0xf0: {  	s24 =	rddreg [dreg:$0x5];
	[sflag:s30] =	ssyncadd.s32 $0xFFFFD800  }
0xf1: {  	[hbm4b:s24+s3] =	stream.linear.scatter [tilespmem:s5], [sflag:$0x7], $0x2800, $0x38;
	[tilespmem:$0x18A80] =	vst v63  }
0xf2: {  	_ =	swait.ge [sflag:s6], $0x2800  }
0xf3: {  	[sflag:s6] =	ssyncset.done $0x0  }
0xf4: {  	s23 =	smov.u32 s25;
	s25 =	rddreg [dreg:$0xf];
	[sflag:s6] =	ssyncadd.s32 $0xFFFFD800  }
0xf5: {  	[tilespmem:s5], [sflag:$0x8] =	stream.linear.gather [spmem:s25], $0x2800, $0x38;
	[tilespmem:$0x18A80] =	vst v63  }
0xf6: {  	_ =	swait.ge [sflag:s30], $0x2800  }
0xf7: {  	[sflag:s30] =	ssyncset.done $0x0  }
0xf8: {  	s20 =	rddreg [dreg:$0x6];
	[sflag:s30] =	ssyncadd.s32 $0xFFFFD800  }
0xf9: {  	[hbm4b:s20+s3] =	stream.linear.scatter [tilespmem:s5], [sflag:$0x7], $0x2800, $0x38;
	[tilespmem:$0x18A80] =	vst v63  }
0xfa: {  	_ =	swait.ge [sflag:s6], $0x2800  }
0xfb: {  	[sflag:s6] =	ssyncset.done $0x0  }
0xfc: {  	s21 =	rddreg [dreg:$0x10];
	[sflag:s6] =	ssyncadd.s32 $0xFFFFD800  }
0xfd: {  	[tilespmem:s5], [sflag:$0x8] =	stream.linear.gather [spmem:s21], $0x2800, $0x38;
	[tilespmem:$0x18A80] =	vst v63  }
0xfe: {  	_ =	swait.ge [sflag:s30], $0x2800  }
0xff: {  	[sflag:s30] =	ssyncset.done $0x0  }
0x100: {  	s24 =	rddreg [dreg:$0x7];
	[sflag:s30] =	ssyncadd.s32 $0xFFFFD800  }
0x101: {  	[hbm4b:s24+s3] =	stream.linear.scatter [tilespmem:s5], [sflag:$0x7], $0x2800, $0x38;
	[tilespmem:$0x18A80] =	vst v63  }
0x102: {  	_ =	swait.ge [sflag:s6], $0x2800  }
0x103: {  	[sflag:s6] =	ssyncset.done $0x0  }
0x104: {  	s25 =	rddreg [dreg:$0x11];
	[sflag:s6] =	ssyncadd.s32 $0xFFFFD800  }
0x105: {  	[tilespmem:s5], [sflag:$0x8] =	stream.linear.gather [spmem:s25], $0x2800, $0x38;
	[tilespmem:$0x18A80] =	vst v63  }
0x106: {  	_ =	swait.ge [sflag:s30], $0x2800  }
0x107: {  	[sflag:s30] =	ssyncset.done $0x0  }
0x108: {  	s20 =	rddreg [dreg:$0x8];
	[sflag:s30] =	ssyncadd.s32 $0xFFFFD800  }
0x109: {  	[hbm4b:s20+s3] =	stream.linear.scatter [tilespmem:s5], [sflag:$0x7], $0x2800, $0x38;
	[tilespmem:$0x18A80] =	vst v63  }
0x10a: {  	_ =	swait.ge [sflag:s6], $0x2800  }
0x10b: {  	[sflag:s6] =	ssyncset.done $0x0  }
0x10c: {  	s21 =	rddreg [dreg:$0x12];
	[sflag:s6] =	ssyncadd.s32 $0xFFFFD800  }
0x10d: {  	[tilespmem:s5], [sflag:$0x8] =	stream.linear.gather [spmem:s21], $0x2800, $0x38;
	[tilespmem:$0x18A80] =	vst v63  }
0x10e: {  	_ =	swait.ge [sflag:s30], $0x2800  }
0x10f: {  	[sflag:s30] =	ssyncset.done $0x0  }
0x110: {  	s24 =	rddreg [dreg:$0x9];
	[sflag:s30] =	ssyncadd.s32 $0xFFFFD800  }
0x111: {  	[hbm4b:s24+s3] =	stream.linear.scatter [tilespmem:s5], [sflag:$0x7], $0x2800, $0x38;
	[tilespmem:$0x18A80] =	vst v63  }
0x112: {  	_ =	swait.ge [sflag:s6], $0x2800  }
0x113: {  	[sflag:s6] =	ssyncset.done $0x0  }
0x114: {  	s19 =	simm.s32 @!p0 $0x13A80;
	s20 =	rddreg [dreg:$0x13];
	[sflag:s6] =	ssyncadd.s32 $0xFFFFD800  }
0x115: {  	[tilespmem:s19], [sflag:$0x8] =	stream.linear.gather @!p0 [spmem:s20], $0x2800, $0x38;
	[tilespmem:$0x18A80] =	vst v63  }
0x116: {  	s20 =	simm.s32 @!p0 $0x8  }
0x117: {  	_ =	swait.ge @!p0 [sflag:s20], $0x2800  }
0x118: {  	[sflag:s20] =	ssyncset.done @!p0 $0x0  }
0x119: {  	s21 =	rddreg [dreg:$0xa];
	[sflag:s20] =	ssyncadd.s32 @!p0 $0xFFFFD800;
	s20 =	simm.s32 @!p0 $0x0  }
0x11a: {  	[hbm4b:s21+s20] =	stream.linear.scatter @!p0 [tilespmem:s19], [sflag:$0x7], $0x2800, $0x38;
	[tilespmem:$0x18A80] =	vst v63  }
0x11b: {  	s19 =	simm.s32 @!p0 $0x7  }
0x11c: {  	_ =	swait.ge @!p0 [sflag:s19], $0x2800  }
0x11d: {  	s18 =	sadd.s32 $0x1, s18;
	s25 =	rddreg [dreg:$0xd]  }
0x11e: {  	p1 =	sne.s32 s18, s25  }
.Ltmp2:
0x11f: {  	_ = 	snop;
	(pc) =	sbr.rel @p1 .LBB2_1-.Ltmp2, $3  }
0x120: {  	_ =	sdelay $0x1  }
0x121: {  	[sflag:s19] =	ssyncset.done @!p0 $0x0  }
0x122: {  	[sflag:s19] =	ssyncadd.s32 @!p0 $0xFFFFD800  }
0x123: {  	_ =	sfence.sel $0x180000  }
0x124: {  	[bflag:$0x0] =	sbarrier.arrive $0xFFFF  }
0x125: {  	_ =	strace $0x9000004D  }
0x126: {  	s0 =	stileid.u32;
	[bflag:$0x2] =	sbarrier.arrive $0xFFFF  }
0x127: {  	p0 =	sne.s32 s0, $0x0;
	s0 =	rddreg [dreg:$0x2]  }
0x128: {  	s0 =	sadd.s32 @!p0 $0x100000, s0  }
0x129: {  	[sflag:s0] =	ssyncadd.tile.s32 @!p0 $0x1;
	_ =	shalt  }
.Lfunc_end2:
_tile_overlayer_lowered:
.L_overlay_start_2:
0x12a: {  	(tag) =	ssettag $0x2  }
0x12b: {  	s0 =	rddreg [dreg:$0x0];
	s2 =	stileid.u32  }
0x12c: {  	s1 =	rddreg [dreg:$0x1];
	p0 =	sne.s32 s2, $0x0  }
0x12d: {  	s3 =	rddreg [dreg:$0x2];
	[bflag:$0x3] =	sbarrier.arrive $0xFFFF;
	s2 =	simm.s32 @!p0 $0x1C07  }
0x12e: {  	[timem:s3], [sflag:s2] =	dma.local @!p0 [hbm:s0], s1  }
0x12f: {  	s0 =	simm.s32 @!p0 $0x7  }
0x130: {  	_ =	swait.ge @!p0 [sflag:s0], s1  }
0x131: {  	s1 =	ssub.s32 @!p0 $0x0, s1;
	[sflag:s0] =	ssyncset.done @!p0 $0x0  }
0x132: {  	[sflag:s0] =	ssyncadd.s32 @!p0 s1  }
0x133: {  	[bflag:$0x3] =	sbarrier.arrive $0xFFFF  }
0x134: {  	_ =	shalt  }

// kernel: kernel.9.cloned.1.call-start
scs
__scs_entry_jumppad:
0x0: {  	(pc) =	sbr.rel $0x88, $3  }
0x1: {  	(tag) =	ssettag $0x0;
	lr =	simm.s32 $0x1  }
0x2: {  	[smem:$0x3F91] =	sst lr;
	_ =	strace $0xD0000000  }
0x3: {  	_ = 	snop  }
0x4: {  	_ = 	snop  }
0x5: {  	_ = 	snop  }
0x6: {  	_ = 	snop  }
0x7: {  	_ = 	snop  }
__scs_overlays_trampoline_lowered:
0x8: {  	[smem:$0x3FA0] =	sst s0  }
0x9: {  	[smem:$0x3FA1] =	sst s1  }
0xa: {  	[smem:$0x3FA2] =	sst s2  }
0xb: {  	[smem:$0x3FA3] =	sst s3  }
0xc: {  	[smem:$0x3FA4] =	sst s4  }
0xd: {  	[smem:$0x3FA5] =	sst s5  }
0xe: {  	[smem:$0x3FA6] =	sst s6  }
0xf: {  	[smem:$0x3FA7] =	sst s7  }
0x10: {  	[smem:$0x3FA8] =	sst s8  }
0x11: {  	[smem:$0x3FA9] =	sst s9;
	s0 =	simm.s32 @!p0 $0x0  }
0x12: {  	s1 =	sld [smem:$0x3F8F];
	s0 =	simm.s32 @p0 $0x1  }
0x13: {  	[smem:$0x3FAA] =	sst s0;
	s0 =	simm.s32 @!p1 $0x0  }
0x14: {  	s2 =	sld [smem:$0x3F8E];
	s0 =	simm.s32 @p1 $0x1  }
0x15: {  	[smem:$0x3FAB] =	sst s0;
	s0 =	simm.s32 @!p2 $0x0  }
0x16: {  	s3 =	sld [smem:$0x3FDB];
	s0 =	simm.s32 @p2 $0x1  }
0x17: {  	s4 =	simm.s32 $0x1BF5;
	[smem:$0x3FAD] =	sst s0  }
0x18: {  	s0 =	sld [smem:$0x3F90];
	_ =	swait.ge [sflag:s4], $0x0  }
0x19: {  	s7 =	sld [smem:$0x3F91]  }
0x1a: {  	s8 =	sadd.s32 $0xFFFFE003, lr  }
0x1b: {  	s9 =	sadd.s32 $0xFFFFFEF7, lr;
	s5 =	simm.s32 $0xFFFFFFFF;
	p2 =	slt.u32 s8, $0xFFFFF086  }
0x1c: {  	p1 =	slt.u32 s9, $0xF7A;
	s5 =	simm.s32 @!p2 $0x0  }
0x1d: {  	s5 =	simm.s32 @p1 $0x1;
	p0 =	seq.s32 s7, s2  }
0x1e: {  	s7 =	smul.u32 @!p0 $0xF7A, s2;
	p2 =	seq.s32 @!p0 s5, $0x0  }
0x1f: {  	s9 =	smul.u32 $0xF7A, s1;
	s8 =	simm.s32 @!p0 $0x1BF5;
	p2 =	por !p2, p0  }
0x20: {  	[sflag:s8] =	ssyncset.s32 @!p0 $0xFFFFF086;
	s6 =	sadd.s32 @!p0 s3, s7;
	s7 =	simm.s32 @!p0 $0x108  }
0x21: {  	s3 =	sadd.s32 s3, s9;
	s6 =	sadd.s32 @!p0 $0x88, s6;
	s7 =	simm.s32 @p2 $0x1082  }
0x22: {  	[simem:s7], [sflag:s8] =	dma.local @!p0 [hbm:s6], $0xF7A  }
0x23: {  	s9 =	sor.u32 $0xD0000000, s2;
	s6 =	simm.s32 $0x108;
	_ =	swait.ge @!p0 [sflag:s8], $0x0  }
0x24: {  	s3 =	sadd.s32 $0x88, s3;
	s6 =	simm.s32 @!p1 $0x1082;
	[sflag:s4] =	ssyncset.s32 $0xFFFFF086  }
0x25: {  	[simem:s6], [sflag:s4] =	dma.local [hbm:s3], $0xF7A  }
0x26: {  	[smem:$0x3F91] =	sst s1;
	(tag) =	ssettag s2;
	_ =	strace s9  }
0x27: {  	s1 =	sld [smem:$0x3FA1]  }
0x28: {  	s2 =	sld [smem:$0x3FA2]  }
0x29: {  	s4 =	sld [smem:$0x3FA4]  }
0x2a: {  	p0 =	seq.s32 s5, $0x0;
	s5 =	sld [smem:$0x3FA5]  }
0x2b: {  	s6 =	sld [smem:$0x3FA6]  }
0x2c: {  	s7 =	sld [smem:$0x3FA7]  }
0x2d: {  	s3 =	simm.s32 $0x108;
	s8 =	sld [smem:$0x3FA8]  }
0x2e: {  	s3 =	simm.s32 @!p0 $0x1082;
	s9 =	sld [smem:$0x3FA9]  }
0x2f: {  	lr =	sadd.s32 s0, s3;
	s0 =	sld [smem:$0x3FA0]  }
0x30: {  	s3 =	sld [smem:$0x3FA3]  }
0x31: {  	[smem:$0x3FAC] =	sst s10  }
0x32: {  	s10 =	sld [smem:$0x3FAA];
	_ =	sdelay $0x3  }
0x33: {  	p0 =	seq.s32 s10, $0x1;
	s10 =	sld [smem:$0x3FAC];
	_ =	sdelay $0x3  }
0x34: {  	[smem:$0x3FAC] =	sst s10  }
0x35: {  	s10 =	sld [smem:$0x3FAB];
	_ =	sdelay $0x3  }
0x36: {  	p1 =	seq.s32 s10, $0x1;
	s10 =	sld [smem:$0x3FAC];
	_ =	sdelay $0x3  }
0x37: {  	[smem:$0x3FAC] =	sst s10  }
0x38: {  	s10 =	sld [smem:$0x3FAD]  }
0x39: {  	_ = 	snop;
	(pc) =	sbr.ind lr, $3  }
0x3a: {  	_ = 	snop  }
0x3b: {  	_ = 	snop  }
0x3c: {  	p2 =	seq.s32 s10, $0x1;
	s10 =	sld [smem:$0x3FAC]  }
0x3d: {  	_ =	shalt  }
0x3e: {  	_ =	shalt  }
0x3f: {  	_ =	shalt  }
0x40: {  	_ =	shalt  }
0x41: {  	_ =	shalt  }
0x42: {  	_ =	shalt  }
0x43: {  	_ =	shalt  }
0x44: {  	_ =	shalt  }
0x45: {  	_ =	shalt  }
0x46: {  	_ =	shalt  }
0x47: {  	_ =	shalt  }
0x48: {  	_ =	shalt  }
0x49: {  	_ =	shalt  }
0x4a: {  	_ =	shalt  }
0x4b: {  	_ =	shalt  }
0x4c: {  	_ =	shalt  }
0x4d: {  	_ =	shalt  }
0x4e: {  	_ =	shalt  }
0x4f: {  	_ =	shalt  }
0x50: {  	_ =	shalt  }
0x51: {  	_ =	shalt  }
0x52: {  	_ =	shalt  }
0x53: {  	_ =	shalt  }
0x54: {  	_ =	shalt  }
0x55: {  	_ =	shalt  }
0x56: {  	_ =	shalt  }
0x57: {  	_ =	shalt  }
0x58: {  	_ =	shalt  }
0x59: {  	_ =	shalt  }
0x5a: {  	_ =	shalt  }
0x5b: {  	_ =	shalt  }
0x5c: {  	_ =	shalt  }
0x5d: {  	_ =	shalt  }
0x5e: {  	_ =	shalt  }
0x5f: {  	_ =	shalt  }
0x60: {  	_ =	shalt  }
0x61: {  	_ =	shalt  }
0x62: {  	_ =	shalt  }
0x63: {  	_ =	shalt  }
0x64: {  	_ =	shalt  }
0x65: {  	_ =	shalt  }
0x66: {  	_ =	shalt  }
0x67: {  	_ =	shalt  }
0x68: {  	_ =	shalt  }
0x69: {  	_ =	shalt  }
0x6a: {  	_ =	shalt  }
0x6b: {  	_ =	shalt  }
0x6c: {  	_ =	shalt  }
0x6d: {  	_ =	shalt  }
0x6e: {  	_ =	shalt  }
0x6f: {  	_ =	shalt  }
0x70: {  	_ =	shalt  }
0x71: {  	_ =	shalt  }
0x72: {  	_ =	shalt  }
0x73: {  	_ =	shalt  }
0x74: {  	_ =	shalt  }
0x75: {  	_ =	shalt  }
0x76: {  	_ =	shalt  }
0x77: {  	_ =	shalt  }
0x78: {  	_ =	shalt  }
0x79: {  	_ =	shalt  }
0x7a: {  	_ =	shalt  }
0x7b: {  	_ =	shalt  }
0x7c: {  	_ =	shalt  }
0x7d: {  	_ =	shalt  }
0x7e: {  	_ =	shalt  }
0x7f: {  	_ =	shalt  }
0x80: {  	_ =	shalt  }
0x81: {  	_ =	shalt  }
0x82: {  	_ =	shalt  }
0x83: {  	_ =	shalt  }
0x84: {  	_ =	shalt  }
0x85: {  	_ =	shalt  }
0x86: {  	_ =	shalt  }
0x87: {  	_ =	shalt  }
.Lfunc_end0:
.L_simem_size_0:
called_computation_lowered:
.L_overlay_start_0:
0x88: {  	s2 =	sld [smem:$0x3FD9]  }
0x89: {  	s3 =	sld [smem:$0x3FFE];
	_ =	sdelay $0x1  }
0x8a: {  	s1 =	srdreg.scid  }
0x8b: {  	s0 =	sand.u32 $0x1, s1  }
0x8c: {  	s16 =	sshll.u32 s0, $0xA;
	s2 =	sadd.s32 s3, s2  }
0x8d: {  	s2 =	sadd.s32 s2, s16  }
0x8e: {  	[smem:$0x3FB8] =	sst s2  }
0x8f: {  	_ = 	snop  }
0x90: {  	(tm) =	ssettm $0x1  }
0x91: {  	s17 =	sld [smem:$0x3FFB];
	_ =	sdelay $0x3  }
0x92: {  	_ =	strace s17  }
0x93: {  	s2 =	sld [smem:$0x3FFC];
	_ =	sdelay $0x3  }
0x94: {  	_ =	strace s2  }
0x95: {  	s2 =	sld [smem:$0x3FFD];
	_ =	sdelay $0x3  }
0x96: {  	_ =	strace s2  }
0x97: {  	_ =	strace $0x8FFFFFFF  }
0x98: {  	s18 =	sld [smem:$0x3FDB];
	_ =	sdelay $0x1  }
0x99: {  	s19 =	simm.s32 $_scs_section_size  }
0x9a: {  	s4 =	simm.s32 $_size__tile_overlayer_lowered;
	s5 =	simm.s32 $_tile_overlayer_lowered  }
0x9b: {  	s22 =	simm.s32 $0x1BFF;
	s21 =	sshll.u32 s5, $0x1;
	s2 =	sadd.s32 s19, s18  }
0x9c: {  	s6 =	simm.s32 $0x0;
	s20 =	sshll.u32 s4, $0x1;
	s4 =	sadd.s32 s21, s2  }
0x9d: {  	[timem:s6], [sflag:s22] =	dma.local [hbm:s4], s20  }
0x9e: {  	_ =	swait.ge [sflag:s22], s20  }
0x9f: {  	s3 =	ssub.s32 $0x0, s20;
	[sflag:s22] =	ssyncset.done $0x0  }
0xa0: {  	[sflag:s22] =	ssyncadd.s32 s3;
	_ =	sdelay $0x1  }
0xa1: {  	s23 =	simm.s32 $0x1B8B  }
0xa2: {  	_ =	swait.ge [sflag:s23], $0x1  }
0xa3: {  	[sflag:s23] =	ssyncset.done $0x0  }
0xa4: {  	s25 =	simm.s32 $0x1B8E;
	s24 =	sld [smem:$0x3FFE];
	[sflag:s23] =	ssyncadd.s32 $0xFFFFFFFF  }
0xa5: {  	s26 =	simm.s32 $execute0_lowered;
	[smem:$0x3FD2] =	sst s25  }
0xa6: {  	s4 =	sshll.u32 s26, $0x1;
	_ =	strace $0x80000046;
	[dreg:$0x1] =	wrdreg $0xFFFFFFFF  }
0xa7: {  	s28 =	simm.s32 $_size_execute0_lowered;
	s2 =	sadd.s32 s2, s4;
	[dreg:$0x0] =	wrdreg $0x0  }
0xa8: {  	s4 =	sshll.u32 s28, $0x1;
	[dreg:$0x2] =	wrdreg s2  }
0xa9: {  	[dreg:$0x3] =	wrdreg s4  }
0xaa: {  	[dreg:$0x4] =	wrdreg $0xC0  }
0xab: {  	_ =	task [dreg:s6], $0x5FFFF  }
0xac: {  	[dreg:$0x1] =	wrdreg $0xFFFFFFFF  }
0xad: {  	[dreg:$0x0] =	wrdreg $0x60  }
0xae: {  	[dreg:$0x2] =	wrdreg s24  }
0xaf: {  	[dreg:$0x3] =	wrdreg $0x0  }
0xb0: {  	[dreg:$0x4] =	wrdreg $0x9  }
0xb1: {  	_ =	task.clear_ibuf [dreg:s6], $0x5FFFF;
	_ =	strace $0x90000046  }
0xb2: {  	s29 =	simm.s32 $0x9;
	_ =	strace $0x80000048  }
0xb3: {  	_ =	swait.ge [sflag:s29], $0x1  }
0xb4: {  	[sflag:s29] =	ssyncadd.s32 $0xFFFFFFFF  }
0xb5: {  	_ =	strace $0x90000048  }
0xb6: {  	_ =	sfence  }
0xb7: {  	s30 =	sld [smem:$0x0];
	_ =	sdelay $0x2  }
0xb8: {  	s31 =	sshll.u32 s1, $0xD;
	s1 =	sshrl.u32 s1, $0x2  }
0xb9: {  	s3 =	sand.u32 $0x4000, s31;
	s1 =	sadd.s32 s1, s30  }
0xba: {  	s0 =	sor.u32 s3, s0;
	s1 =	sshll.u32 s1, $0x11  }
0xbb: {  	s0 =	sor.u32 s1, s0  }
0xbc: {  	s0 =	sadd.s32 $0x8F2B, s0  }
0xbd: {  	[sflag:s0] =	ssyncadd.remote.s32 $0x1  }
0xbe: {  	_ =	sfence.sel $0xFFFF  }
0xbf: {  	[dreg:$0x0] =	wrdreg $0xFFFFFFFF;
	(pc) =	sbr.abs _section_cstart, $3  }
0xc0: {  	[dreg:$0x1] =	wrdreg $0xFFFFFFFF  }
0xc1: {  	_ =	task.clear_ibuf [dreg:s6], $0x2FFFF;
	_ =	strace $0x9FFFFFFF  }
0xc2: {  	(tm) =	ssettm $0x7FFFFFFF  }
0xc3: {  	_ =	shalt  }
tec
execute0_lowered:
.L_overlay_start_1:
0x0: {  	(tag) =	ssettag $0x1  }
0x1: {  	s0 =	rddreg [dreg:$0x0];
	s1 =	stileid.u32  }
0x2: {  	s2 =	rddreg [dreg:$0x1];
	s3 =	simm.s32 $0x0;
	s8 =	smul.u32 $0x19000, s1  }
0x3: {  	s4 =	srdreg.scid;
	s28 =	simm.s32 $0x4;
	s16 =	smul.u32 $0x6400, s1  }
0x4: {  	s29 =	simm.s32 $0x0;
	s13 =	sand.u32 $0x1, s4;
	s20 =	smul.u32 $0x4E20, s1  }
0x5: {  	[smem:$0x7FF] =	sst s3;
	s10 =	sor.u32 $0x10, s1;
	s15 =	smul.u32 $0x138800, s13  }
0x6: {  	s11 =	sshll.u32 s1, $0x1;
	s19 =	sor.u32 $0x30, s1;
	s9 =	smul.u32 $0x19000, s10  }
0x7: {  	s4 =	sadd.s32 $0xDE00, s0;
	s0 =	sadd.s32 $0x17C00, s0;
	s14 =	smul.u32 $0x19000, s19  }
0x8: {  	_ =	strace $0x80000047;
	s5 =	ssub.s32 $0x2, s13;
	s17 =	smul.u32 $0x6400, s10  }
0x9: {  	s6 =	sor.u32 s13, s11;
	s11 =	sor.u32 $0x20, s1;
	s22 =	smul.u32 $0x2710, s13  }
0xa: {  	s25 =	smul.u32 $0x6400, s19;
	p0 =	sgt.u32 s19, $0x31;
	s19 =	simm.s32 $0x2710  }
0xb: {  	s7 =	sshrl.u32 s5, $0x1;
	s6 =	smul.u32 $0x2710, s6;
	s8 =	sshrl.u32 s8, $0x2  }
0xc: {  	s18 =	smul.u32 $0x6400, s11;
	s7 =	ssub.s32 s5, s7;
	s8 =	sadd.s32 s8, s2  }
0xd: {  	s9 =	sshrl.u32 s9, $0x2;
	s14 =	sshrl.u32 s14, $0x2;
	s16 =	sadd.s32 s15, s16  }
0xe: {  	s21 =	sadd.s32 s15, s17;
	s20 =	sadd.s32 s22, s20;
	s22 =	simm.s32 $0xB390  }
0xf: {  	s12 =	sshrl.u32 s6, $0x3;
	s7 =	smax.u32 s7, $0x1;
	s9 =	sadd.s32 s9, s2  }
0x10: {  	s23 =	sshrl.u32 s16, $0x3;
	s24 =	sshrl.u32 s21, $0x3;
	s26 =	sadd.s32 s15, s18  }
0x11: {  	s15 =	sadd.s32 s15, s25;
	s30 =	sadd.s32 $0xF0, s20;
	s18 =	sadd.s32 $0xA0, s20  }
0x12: {  	s20 =	simm.s32 $0x3;
	s25 =	simm.s32 $0x8B10;
	s5 =	sadd.s32 s4, s12  }
0x13: {  	s12 =	smul.u32 $0x19000, s11;
	s11 =	sadd.s32 s14, s2;
	s13 =	sadd.s32 s0, s23  }
0x14: {  	s14 =	sadd.s32 s0, s24;
	s17 =	sshrl.u32 s26, $0x3;
	s31 =	sshrl.u32 s15, $0x3  }
0x15: {  	s21 =	sshrl.u32 s30, $0x3;
	s23 =	simm.s32 $0x1;
	s24 =	simm.s32 $0x50  }
0x16: {  	s26 =	simm.s32 $0x2;
	s6 =	sadd.s32 $0xA, s5;
	s15 =	sadd.s32 s0, s17  }
0x17: {  	s16 =	sadd.s32 s0, s31;
	s17 =	sadd.s32 s21, s4;
	s12 =	sshrl.u32 s12, $0x2  }
0x18: {  	v0 =	vimm.f32 $0.0e+00;
	v1 =	vimm.f32 $1.000000000e+00;
	s21 =	simm.s32 $0xB310;
	s10 =	sadd.s32 s12, s2;
	s12 =	sadd.s32 $0x4D8, s5  }
.LBB2_1:
0x19: {  	s0 =	simm.s32 $0x0  }
.LBB2_2:
0x1a: {  	p1 =	sne.s32 s0, $0x18E00  }
.Ltmp0:
0x1b: {  	_ = 	snop;
	(pc) =	sbr.rel @p1 .LBB2_2-.Ltmp0, $3  }
0x1c: {  	_ =	sdelay $0x1  }
0x1d: {  	s30 =	sshra.s32 s0, $0x2  }
0x1e: {  	s0 =	sadd.s32 $0x200, s0;
	[tilespmem:s30+$0x2710] =	vst v0  }
0x1f: {  	s30 =	simm.s32 $0x200;
	s0 =	simm.s32 $0x0  }
.LBB2_4:
0x20: {  	p1 =	sne.s32 s30, $0x9E00;
	[tilespmem:s0+$0x8B10] =	vst v1;
	s0 =	smov.u32 s30;
	s30 =	sadd.s32 $0x200, s30  }
.Ltmp1:
0x21: {  	(pc) =	sbr.rel @p1 .LBB2_4-.Ltmp1, $2  }
0x22: {  	_ =	sdelay $0x2  }
0x23: {  	s0 =	sshra.s32 s0, $0x2  }
0x24: {  	[tilespmem:s0+$0x8B10] =	vst v1  }
0x25: {  	[spmem:s8] =	stream.linear.scatter [tilespmem:s19], [sflag:$0x3], $0x6400, $0x38;
	[tilespmem:$0xB410] =	vst v63  }
0x26: {  	_ =	swait.ge [sflag:s20], $0x6400  }
0x27: {  	[sflag:s20] =	ssyncset.done $0x0  }
0x28: {  	[sflag:s20] =	ssyncadd.s32 $0xFFFF9C00  }
0x29: {  	[spmem:s9] =	stream.linear.scatter [tilespmem:s19], [sflag:$0x3], $0x6400, $0x38;
	[tilespmem:$0xB410] =	vst v63  }
0x2a: {  	_ =	swait.ge [sflag:s20], $0x6400  }
0x2b: {  	[sflag:s20] =	ssyncset.done $0x0  }
0x2c: {  	[sflag:s20] =	ssyncadd.s32 $0xFFFF9C00  }
0x2d: {  	[spmem:s10] =	stream.linear.scatter [tilespmem:s19], [sflag:$0x3], $0x6400, $0x38;
	[tilespmem:$0xB410] =	vst v63  }
0x2e: {  	_ =	swait.ge [sflag:s20], $0x6400  }
0x2f: {  	[sflag:s20] =	ssyncset.done $0x0  }
0x30: {  	s0 =	simm.s32 @!p0 $0x2710;
	[sflag:s20] =	ssyncadd.s32 $0xFFFF9C00  }
0x31: {  	[spmem:s11] =	stream.linear.scatter @!p0 [tilespmem:s0], [sflag:$0x3], $0x6400, $0x38;
	[tilespmem:$0xB410] =	vst v63  }
0x32: {  	s0 =	simm.s32 @!p0 $0x3  }
0x33: {  	_ =	swait.ge @!p0 [sflag:s0], $0x6400  }
0x34: {  	[sflag:s0] =	ssyncset.done @!p0 $0x0  }
0x35: {  	[sflag:s0] =	ssyncadd.s32 @!p0 $0xFFFF9C00  }
0x36: {  	s1 =	simm.s32 $0x0;
	[bflag:$0x0] =	sbarrier.arrive $0xFFFF  }
0x37: {  	[tilespmem:s21], [sflag:$0x1] =	stream.linear.gather [hbm4b:s5+s1], $0x50, $0x38;
	[tilespmem:$0xB410] =	vst v63  }
0x38: {  	_ = 	snop  }
0x39: {  	[tilespmem:s22], [sflag:$0x2] =	stream.linear.gather [hbm4b:s6+s1], $0x50, $0x38;
	[tilespmem:$0xB410] =	vst v63  }
0x3a: {  	_ =	swait.ge [sflag:s23], $0x50  }
0x3b: {  	[sflag:s23] =	ssyncset.done $0x0  }
0x3c: {  	[sflag:s23] =	ssyncadd.s32 $0xFFFFFFB0  }
0x3d: {  	[spmem:s2] =	stream.indirect.scatter.add.f32 [tilespmem:s25], [sflag:$0x3], $0x10, s21, s24, $0xb8;
	[tilespmem:$0xB410] =	vst v63  }
0x3e: {  	_ =	swait.ge [sflag:s20], $0x500  }
0x3f: {  	s1 =	sshrl.u32 s18, $0x3;
	[sflag:s20] =	ssyncset.done $0x0  }
0x40: {  	s0 =	sadd.s32 s4, s1;
	[sflag:s20] =	ssyncadd.s32 $0xFFFFFB00  }
0x41: {  	[tilespmem:s21], [sflag:$0x1] =	stream.linear.gather [hbm4b:s0+s3], $0x50, $0x38;
	[tilespmem:$0xB410] =	vst v63  }
0x42: {  	_ =	swait.ge [sflag:s26], $0x50  }
0x43: {  	[sflag:s26] =	ssyncset.done $0x0  }
0x44: {  	[sflag:s26] =	ssyncadd.s32 $0xFFFFFFB0  }
0x45: {  	[spmem:s2] =	stream.indirect.scatter.add.f32 [tilespmem:s25], [sflag:$0x3], $0x10, s22, s24, $0xb8;
	[tilespmem:$0xB410] =	vst v63  }
0x46: {  	_ =	swait.ge [sflag:s20], $0x500  }
0x47: {  	s30 =	simm.s32 $0x14;
	[sflag:s20] =	ssyncset.done $0x0  }
0x48: {  	s31 =	sadd.s32 $0xA0, s18;
	s0 =	sadd.s32 $0x0, s17;
	[sflag:s20] =	ssyncadd.s32 $0xFFFFFB00  }
.LBB2_6:
0x49: {  	[tilespmem:s22], [sflag:$0x2] =	stream.linear.gather [hbm4b:s0+s3], $0x50, $0x38;
	[tilespmem:$0xB410] =	vst v63  }
0x4a: {  	s0 =	smov.u32 s30  }
0x4b: {  	p1 =	sne.s32 s30, $0x4B0;
	s30 =	sadd.s32 $0x14, s30;
	_ =	swait.ge [sflag:s23], $0x50  }
0x4c: {  	[sflag:s23] =	ssyncset.done $0x0  }
0x4d: {  	[sflag:s23] =	ssyncadd.s32 $0xFFFFFFB0  }
0x4e: {  	[spmem:s2] =	stream.indirect.scatter.add.f32 [tilespmem:s25], [sflag:$0x3], $0x10, s21, s24, $0xb8;
	[tilespmem:$0xB410] =	vst v63  }
0x4f: {  	_ =	swait.ge [sflag:s20], $0x500  }
0x50: {  	s1 =	sshrl.u32 s31, $0x3;
	[sflag:s20] =	ssyncset.done $0x0  }
0x51: {  	s1 =	sadd.s32 s4, s1;
	[sflag:s20] =	ssyncadd.s32 $0xFFFFFB00  }
0x52: {  	[tilespmem:s21], [sflag:$0x1] =	stream.linear.gather [hbm4b:s1+s3], $0x50, $0x38;
	[tilespmem:$0xB410] =	vst v63  }
0x53: {  	_ =	swait.ge [sflag:s26], $0x50  }
0x54: {  	[sflag:s26] =	ssyncset.done $0x0  }
.Ltmp2:
0x55: {  	[sflag:s26] =	ssyncadd.s32 $0xFFFFFFB0;
	(pc) =	sbr.rel @p1 .LBB2_6-.Ltmp2, $4  }
0x56: {  	[spmem:s2] =	stream.indirect.scatter.add.f32 [tilespmem:s25], [sflag:$0x3], $0x10, s22, s24, $0xb8;
	[tilespmem:$0xB410] =	vst v63  }
0x57: {  	_ =	swait.ge [sflag:s20], $0x500  }
0x58: {  	[sflag:s20] =	ssyncset.done $0x0  }
0x59: {  	s31 =	sadd.s32 $0xA0, s31;
	s0 =	sadd.s32 s0, s17;
	[sflag:s20] =	ssyncadd.s32 $0xFFFFFB00  }
0x5a: {  	[tilespmem:s22], [sflag:$0x2] =	stream.linear.gather [hbm4b:s0+s3], $0x50, $0x38;
	[tilespmem:$0xB410] =	vst v63  }
0x5b: {  	_ =	swait.ge [sflag:s23], $0x50  }
0x5c: {  	[sflag:s23] =	ssyncset.done $0x0  }
0x5d: {  	[sflag:s23] =	ssyncadd.s32 $0xFFFFFFB0  }
0x5e: {  	[spmem:s2] =	stream.indirect.scatter.add.f32 [tilespmem:s25], [sflag:$0x3], $0x10, s21, s24, $0xb8;
	[tilespmem:$0xB410] =	vst v63  }
0x5f: {  	_ =	swait.ge [sflag:s20], $0x500  }
0x60: {  	[sflag:s20] =	ssyncset.done $0x0  }
0x61: {  	[sflag:s20] =	ssyncadd.s32 $0xFFFFFB00  }
0x62: {  	[tilespmem:s21], [sflag:$0x1] =	stream.linear.gather [hbm4b:s12+s3], $0x50, $0x38;
	[tilespmem:$0xB410] =	vst v63  }
0x63: {  	_ =	swait.ge [sflag:s26], $0x50  }
0x64: {  	[sflag:s26] =	ssyncset.done $0x0  }
0x65: {  	[sflag:s26] =	ssyncadd.s32 $0xFFFFFFB0  }
0x66: {  	[spmem:s2] =	stream.indirect.scatter.add.f32 [tilespmem:s25], [sflag:$0x3], $0x10, s22, s24, $0xb8;
	[tilespmem:$0xB410] =	vst v63  }
0x67: {  	_ =	swait.ge [sflag:s20], $0x500  }
0x68: {  	[sflag:s20] =	ssyncset.done $0x0  }
0x69: {  	[sflag:s20] =	ssyncadd.s32 $0xFFFFFB00  }
0x6a: {  	_ =	swait.ge [sflag:s23], $0x50  }
0x6b: {  	[sflag:s23] =	ssyncset.done $0x0  }
0x6c: {  	[sflag:s23] =	ssyncadd.s32 $0xFFFFFFB0  }
0x6d: {  	[spmem:s2] =	stream.indirect.scatter.add.f32 [tilespmem:s25], [sflag:$0x3], $0x10, s21, s24, $0xb8;
	[tilespmem:$0xB410] =	vst v63  }
0x6e: {  	_ =	swait.ge [sflag:s20], $0x500  }
0x6f: {  	[sflag:s20] =	ssyncset.done $0x0  }
0x70: {  	[sflag:s20] =	ssyncadd.s32 $0xFFFFFB00  }
0x71: {  	[bflag:$0x0] =	sbarrier.arrive $0xFFFF  }
0x72: {  	[tilespmem:s19], [sflag:$0x4] =	stream.linear.gather [spmem:s8], $0x6400, $0x38;
	[tilespmem:$0xB410] =	vst v63  }
0x73: {  	_ =	swait.ge [sflag:s28], $0x6400  }
0x74: {  	[sflag:s28] =	ssyncset.done $0x0  }
0x75: {  	[sflag:s28] =	ssyncadd.s32 $0xFFFF9C00  }
0x76: {  	[hbm4b:s13+s3] =	stream.linear.scatter [tilespmem:s19], [sflag:$0x3], $0x6400, $0x38;
	[tilespmem:$0xB410] =	vst v63  }
0x77: {  	_ =	swait.ge [sflag:s20], $0x6400  }
0x78: {  	[sflag:s20] =	ssyncset.done $0x0  }
0x79: {  	[sflag:s20] =	ssyncadd.s32 $0xFFFF9C00  }
0x7a: {  	[tilespmem:s19], [sflag:$0x4] =	stream.linear.gather [spmem:s9], $0x6400, $0x38;
	[tilespmem:$0xB410] =	vst v63  }
0x7b: {  	_ =	swait.ge [sflag:s28], $0x6400  }
0x7c: {  	[sflag:s28] =	ssyncset.done $0x0  }
0x7d: {  	[sflag:s28] =	ssyncadd.s32 $0xFFFF9C00  }
0x7e: {  	[hbm4b:s14+s3] =	stream.linear.scatter [tilespmem:s19], [sflag:$0x3], $0x6400, $0x38;
	[tilespmem:$0xB410] =	vst v63  }
0x7f: {  	_ =	swait.ge [sflag:s20], $0x6400  }
0x80: {  	[sflag:s20] =	ssyncset.done $0x0  }
0x81: {  	[sflag:s20] =	ssyncadd.s32 $0xFFFF9C00  }
0x82: {  	[tilespmem:s19], [sflag:$0x4] =	stream.linear.gather [spmem:s10], $0x6400, $0x38;
	[tilespmem:$0xB410] =	vst v63  }
0x83: {  	_ =	swait.ge [sflag:s28], $0x6400  }
0x84: {  	[sflag:s28] =	ssyncset.done $0x0  }
0x85: {  	[sflag:s28] =	ssyncadd.s32 $0xFFFF9C00  }
0x86: {  	[hbm4b:s15+s3] =	stream.linear.scatter [tilespmem:s19], [sflag:$0x3], $0x6400, $0x38;
	[tilespmem:$0xB410] =	vst v63  }
0x87: {  	_ =	swait.ge [sflag:s20], $0x6400  }
0x88: {  	[sflag:s20] =	ssyncset.done $0x0  }
0x89: {  	s0 =	simm.s32 @!p0 $0x2710;
	s1 =	simm.s32 @!p0 $0x4;
	[sflag:s20] =	ssyncadd.s32 $0xFFFF9C00  }
0x8a: {  	[tilespmem:s0], [sflag:$0x4] =	stream.linear.gather @!p0 [spmem:s11], $0x6400, $0x38;
	[tilespmem:$0xB410] =	vst v63  }
0x8b: {  	_ =	swait.ge @!p0 [sflag:s1], $0x6400  }
0x8c: {  	s29 =	sadd.s32 $0x1, s29;
	[sflag:s1] =	ssyncset.done @!p0 $0x0  }
0x8d: {  	p1 =	sne.s32 s29, s7;
	[sflag:s1] =	ssyncadd.s32 @!p0 $0xFFFF9C00;
	s1 =	simm.s32 @!p0 $0x0  }
0x8e: {  	[hbm4b:s16+s1] =	stream.linear.scatter @!p0 [tilespmem:s0], [sflag:$0x3], $0x6400, $0x38;
	[tilespmem:$0xB410] =	vst v63  }
.Ltmp3:
0x8f: {  	_ = 	snop;
	(pc) =	sbr.rel @p1 .LBB2_1-.Ltmp3, $4  }
0x90: {  	s0 =	simm.s32 @!p0 $0x3  }
0x91: {  	_ =	swait.ge @!p0 [sflag:s0], $0x6400  }
0x92: {  	[sflag:s0] =	ssyncset.done @!p0 $0x0  }
0x93: {  	[sflag:s0] =	ssyncadd.s32 @!p0 $0xFFFF9C00  }
0x94: {  	_ =	sfence.sel $0x180000  }
0x95: {  	[bflag:$0x0] =	sbarrier.arrive $0xFFFF  }
0x96: {  	_ =	strace $0x90000047  }
0x97: {  	s0 =	stileid.u32;
	[bflag:$0x2] =	sbarrier.arrive $0xFFFF  }
0x98: {  	p0 =	sne.s32 s0, $0x0;
	s0 =	rddreg [dreg:$0x2]  }
0x99: {  	s0 =	sadd.s32 @!p0 $0x100000, s0  }
0x9a: {  	[sflag:s0] =	ssyncadd.tile.s32 @!p0 $0x1;
	_ =	shalt  }
.Lfunc_end2:
_tile_overlayer_lowered:
.L_overlay_start_2:
0x9b: {  	(tag) =	ssettag $0x2  }
0x9c: {  	s0 =	rddreg [dreg:$0x0];
	s2 =	stileid.u32  }
0x9d: {  	s1 =	rddreg [dreg:$0x1];
	p0 =	sne.s32 s2, $0x0  }
0x9e: {  	s3 =	rddreg [dreg:$0x2];
	[bflag:$0x3] =	sbarrier.arrive $0xFFFF;
	s2 =	simm.s32 @!p0 $0x1C03  }
0x9f: {  	[timem:s3], [sflag:s2] =	dma.local @!p0 [hbm:s0], s1  }
0xa0: {  	s0 =	simm.s32 @!p0 $0x3  }
0xa1: {  	_ =	swait.ge @!p0 [sflag:s0], s1  }
0xa2: {  	s1 =	ssub.s32 @!p0 $0x0, s1;
	[sflag:s0] =	ssyncset.done @!p0 $0x0  }
0xa3: {  	[sflag:s0] =	ssyncadd.s32 @!p0 s1  }
0xa4: {  	[bflag:$0x3] =	sbarrier.arrive $0xFFFF  }
0xa5: {  	_ =	shalt  }

</sc_bundles>
